<compile_context>
chip_gen: v7x
topology: tpu7x:2x2x1
jax: 0.10.2.dev20260603
libtpu: 0.0.44.dev20260713+nightly
codegen_flags: <defaults>
</compile_context>

<pallas_src>
import functools

import jax
import jax.numpy as jnp
from jax import lax
from jax.experimental import pallas as pl
from jax.experimental.pallas import tpu as pltpu
from jax.experimental.pallas import tpu_sc as plsc

NC = 2
NSC = 16
NW = NC * NSC

CTX = 50
NB = 8
IDX_DMA = 80


def _sc_partials(B, D, S, V):
    per_w = B // NW
    nch = per_w // NB
    rows_per_chunk = NB * CTX
    ndma = rows_per_chunk // IDX_DMA
    SD = S * D

    mesh = plsc.VectorSubcoreMesh(core_axis_name="c", subcore_axis_name="s")

    @functools.partial(
        pl.kernel,
        out_type=jax.ShapeDtypeStruct((NW, S, 16), jnp.float32),
        mesh=mesh,
        compiler_params=pltpu.CompilerParams(use_tc_tiling_on_sc=False),
        scratch_types=[
            pltpu.VMEM((per_w * CTX,), jnp.int32),
            pltpu.VMEM((per_w,), jnp.int32),
            pltpu.VMEM((rows_per_chunk, D), jnp.float32),
            pltpu.VMEM((NB, SD), jnp.float32),
            pltpu.VMEM((S, 16), jnp.float32),
            pltpu.SemaphoreType.DMA,
        ],
    )
    def k(ctx_hbm, wid_hbm, wg_hbm, ws_hbm, out_hbm,
          idx_v, widx_v, rows_v, sense_v, acc_v, sem):
        w = lax.axis_index("s") * NC + lax.axis_index("c")
        base = w * per_w
        pltpu.sync_copy(ctx_hbm.at[pl.ds(base * CTX, per_w * CTX)], idx_v)
        pltpu.sync_copy(wid_hbm.at[pl.ds(base, per_w)], widx_v)

        zero = jnp.zeros((16,), jnp.float32)
        nd = D // 16

        def chunk_body(ci, saccs):
            saccs = list(saccs)
            copies = []
            for j in range(ndma):
                copies.append(pltpu.async_copy(
                    wg_hbm.at[idx_v.at[pl.ds(ci * rows_per_chunk + j * IDX_DMA,
                                             IDX_DMA)]],
                    rows_v.at[pl.ds(j * IDX_DMA, IDX_DMA)], sem))
            copies.append(pltpu.async_copy(
                ws_hbm.at[widx_v.at[pl.ds(ci * NB, NB)]], sense_v, sem))
            for c in copies:
                c.wait()
            for b in range(NB):
                def rbody(r, accs, b=b):
                    row = b * CTX + r
                    return tuple(accs[d] + rows_v[row, pl.ds(d * 16, 16)]
                                 for d in range(nd))
                accs = lax.fori_loop(0, CTX, rbody, (zero,) * nd)
                for si in range(S):
                    for d in range(nd):
                        saccs[si] = saccs[si] + (
                            sense_v[b, pl.ds(si * D + d * 16, 16)] * accs[d])
            return tuple(saccs)

        saccs = lax.fori_loop(0, nch, chunk_body, (zero,) * S)
        for si in range(S):
            acc_v[si] = saccs[si]
        pltpu.sync_copy(acc_v, out_hbm.at[w])

    return k


def _tc_finish(p_ref, o_ref):
    o_ref[...] = jax.nn.sigmoid(
        jnp.sum(p_ref[...], axis=(0, 2)).reshape(1, -1))


def kernel(x, W_g, W_s):
    B, _ = x.shape
    V, D = W_g.shape
    S = W_s.shape[1]
    ctx = x[:, 2:].reshape(-1)
    wid = x[:, 0]
    ws2 = W_s.reshape(V, S * D)
    partials = _sc_partials(B, D, S, V)(ctx, wid, W_g, ws2)
    out = pl.pallas_call(
        _tc_finish,
        out_shape=jax.ShapeDtypeStruct((1, S), jnp.float32),
    )(partials)
    return out[0]

# --- scband reference (transcript-rebuilt; emitter-appended) ---
"""Pipeline reference for scband-sense-embedding-12421045420636 (READ-ONLY COPY).

The authoritative reference and input builder live on the scoring server;
editing this copy changes nothing except your own understanding.
"""

import jax, jax.numpy as jnp
import numpy as np

VOCAB = 100000
OUT_DIM = 64
NUM_SENSES = 8
BATCH = 4096
SEQ = 52  # 2 header slots (word id at col 0) + 50 context ids


def setup_inputs(seed: int = 0) -> dict:
    key = jax.random.key(seed)
    k1, k2, k3 = jax.random.split(key, 3)
    x = jax.random.randint(k1, (BATCH, SEQ), 0, VOCAB, dtype=jnp.int32)
    W_g = jax.random.normal(k2, (VOCAB, OUT_DIM), dtype=jnp.float32) * 0.05
    W_s = jax.random.normal(k3, (VOCAB, NUM_SENSES, OUT_DIM), dtype=jnp.float32) * 0.05
    return {"x": x, "W_g": W_g, "W_s": W_s}


def reference(x, W_g, W_s):
    # sum_context = K.sum(W_g[x[:, 2:]], axis=1) -> [B, out_dim]
    context_vecs = jnp.take(W_g, x[:, 2:], axis=0)          # [B, ctx, d]
    sum_context = jnp.sum(context_vecs, axis=1)              # [B, d]
    # sequence_vectors = W_s[x[:, 0]].dimshuffle(1, 0, 2) -> [num_senses, B, d]
    word_sense_vecs = jnp.take(W_s, x[:, 0], axis=0)         # [B, S, d]
    sequence_vectors = jnp.transpose(word_sense_vecs, (1, 0, 2))  # [S, B, d]
    # theano.scan over senses: batch_dot(w, sum_context, axes=1) -> scores [S, B]
    scores = jnp.einsum('sbd,bd->sb', sequence_vectors, sum_context)
    # right_senses computed in original (dead code w.r.t. output), kept for fidelity
    right_senses = jnp.argmax(scores, axis=0)                # [B]
    _ = jnp.take_along_axis(word_sense_vecs, right_senses[:, None, None], axis=1)
    # return activation(T.sum(scores, axis=1)) with activation=sigmoid
    out = jax.nn.sigmoid(jnp.sum(scores, axis=1))            # [num_senses]
    return out

if __name__ == "__main__":
    import jax
    _d = setup_inputs()
    print(jax.jit(kernel)(*tuple(_d.values())))

</pallas_src>

<mosaic_0001>
#map = affine_map<(d0, d1) -> (0)>
#map1 = affine_map<(d0, d1) -> (0, 0)>
#map2 = affine_map<(d0, d1) -> (0, 0, 0)>
module attributes {stable_mosaic.version = 14 : i64} {
  func.func @k(%arg0: i32, %arg1: i32, %arg2: memref<204800xi32, #tpu.memory_space<hbm>>, %arg3: memref<4096xi32, #tpu.memory_space<hbm>>, %arg4: memref<100000x64xf32, #tpu.memory_space<hbm>>, %arg5: memref<100000x512xf32, #tpu.memory_space<hbm>>, %arg6: memref<32x8x16xf32, #tpu.memory_space<hbm>>, %arg7: memref<6400xi32, #tpu.memory_space<vmem>>, %arg8: memref<128xi32, #tpu.memory_space<vmem>>, %arg9: memref<400x64xf32, #tpu.memory_space<vmem>>, %arg10: memref<8x512xf32, #tpu.memory_space<vmem>>, %arg11: memref<8x16xf32, #tpu.memory_space<vmem>>, %arg12: memref<!tpu.dma_semaphore, #tpu.memory_space<semaphore_mem>>) attributes {dimension_semantics = [#tpu.dimension_semantics<core_parallel>, #tpu.dimension_semantics<subcore_parallel>], iteration_bounds = array<i64: 2, 16>, scalar_prefetch = 0 : i64, scratch_operands = 6 : i64, tpu.core_type = #tpu.core_type<sc_vector_subcore>, window_params = [{transform_indices = #map}, {transform_indices = #map}, {transform_indices = #map1}, {transform_indices = #map1}, {transform_indices = #map2}]} {
    %mul3A = arith.constant 2 : i32
    %mul3A_0 = arith.muli %arg1, %mul3A : i32
    %add3A = arith.addi %mul3A_0, %arg0 : i32
    %mul3A_1 = arith.constant 128 : i32
    %mul3A_2 = arith.muli %add3A, %mul3A_1 : i32
    %mul3A_3 = arith.constant 50 : i32
    %mul3A_4 = arith.muli %mul3A_2, %mul3A_3 : i32
    "tpu.region"() ({
      %run_scoped3A = tpu.sem_alloc : memref<!tpu.dma_semaphore, #tpu.memory_space<semaphore_mem>>
      %dma_start3A = tpu.memref_slice %arg2[%mul3A_4] : memref<204800xi32, #tpu.memory_space<hbm>> -> memref<6400xi32, #tpu.memory_space<hbm>>
      %dma_start3A_58 = tpu.memref_slice %arg2[%mul3A_4] : memref<204800xi32, #tpu.memory_space<hbm>> -> memref<6400xi32, #tpu.memory_space<hbm>>
      tpu.enqueue_dma source(%dma_start3A_58 : memref<6400xi32, #tpu.memory_space<hbm>>) target(%arg7 : memref<6400xi32, #tpu.memory_space<vmem>>) target_semaphore(%run_scoped3A : memref<!tpu.dma_semaphore, #tpu.memory_space<semaphore_mem>>)
      %dma_wait3A = tpu.memref_slice %arg2[%mul3A_4] : memref<204800xi32, #tpu.memory_space<hbm>> -> memref<6400xi32, #tpu.memory_space<hbm>>
      %dma_wait3A_59 = tpu.memref_slice %arg2[%mul3A_4] : memref<204800xi32, #tpu.memory_space<hbm>> -> memref<6400xi32, #tpu.memory_space<hbm>>
      tpu.wait_dma2 semaphore(%run_scoped3A : memref<!tpu.dma_semaphore, #tpu.memory_space<semaphore_mem>>) src(%dma_wait3A_59 : memref<6400xi32, #tpu.memory_space<hbm>>) dst(%arg7 : memref<6400xi32, #tpu.memory_space<vmem>>)
      tpu.yield
    }) : () -> ()
    "tpu.region"() ({
      %run_scoped3A = tpu.sem_alloc : memref<!tpu.dma_semaphore, #tpu.memory_space<semaphore_mem>>
      %dma_start3A = tpu.memref_slice %arg3[%mul3A_2] : memref<4096xi32, #tpu.memory_space<hbm>> -> memref<128xi32, #tpu.memory_space<hbm>>
      %dma_start3A_58 = tpu.memref_slice %arg3[%mul3A_2] : memref<4096xi32, #tpu.memory_space<hbm>> -> memref<128xi32, #tpu.memory_space<hbm>>
      tpu.enqueue_dma source(%dma_start3A_58 : memref<128xi32, #tpu.memory_space<hbm>>) target(%arg8 : memref<128xi32, #tpu.memory_space<vmem>>) target_semaphore(%run_scoped3A : memref<!tpu.dma_semaphore, #tpu.memory_space<semaphore_mem>>)
      %dma_wait3A = tpu.memref_slice %arg3[%mul3A_2] : memref<4096xi32, #tpu.memory_space<hbm>> -> memref<128xi32, #tpu.memory_space<hbm>>
      %dma_wait3A_59 = tpu.memref_slice %arg3[%mul3A_2] : memref<4096xi32, #tpu.memory_space<hbm>> -> memref<128xi32, #tpu.memory_space<hbm>>
      tpu.wait_dma2 semaphore(%run_scoped3A : memref<!tpu.dma_semaphore, #tpu.memory_space<semaphore_mem>>) src(%dma_wait3A_59 : memref<128xi32, #tpu.memory_space<hbm>>) dst(%arg8 : memref<128xi32, #tpu.memory_space<vmem>>)
      tpu.yield
    }) : () -> ()
    %broadcast_in_dim3A = arith.constant 0.000000e+00 : f32
    %broadcast_in_dim3A_5 = vector.broadcast %broadcast_in_dim3A : f32 to vector<16xf32>
    %scan3A = arith.constant 0 : i32
    %scan3A_6 = arith.constant 16 : i32
    %scan3A_7 = arith.addi %scan3A, %scan3A_6 : i32
    %scan3A_8 = arith.constant 1 : i32
    %scan3A_9:8 = scf.for %scan3A_58 = %scan3A to %scan3A_7 step %scan3A_8 iter_args(%scan3A_59 = %broadcast_in_dim3A_5, %scan3A_60 = %broadcast_in_dim3A_5, %scan3A_61 = %broadcast_in_dim3A_5, %scan3A_62 = %broadcast_in_dim3A_5, %scan3A_63 = %broadcast_in_dim3A_5, %scan3A_64 = %broadcast_in_dim3A_5, %scan3A_65 = %broadcast_in_dim3A_5, %scan3A_66 = %broadcast_in_dim3A_5) -> (vector<16xf32>, vector<16xf32>, vector<16xf32>, vector<16xf32>, vector<16xf32>, vector<16xf32>, vector<16xf32>, vector<16xf32>)  : i32 {
      %mul3A_67 = arith.constant 400 : i32
      %mul3A_68 = arith.muli %scan3A_58, %mul3A_67 : i32
      %add3A_69 = arith.constant 0 : i32
      %add3A_70 = arith.addi %mul3A_68, %add3A_69 : i32
      %dma_start3A = arith.constant 0 : i32
      %dma_start3A_71 = arith.constant 0 : i32
      %dma_start3A_72 = tpu.memref_slice %arg9[%dma_start3A, %dma_start3A_71] : memref<400x64xf32, #tpu.memory_space<vmem>> -> memref<80x64xf32, #tpu.memory_space<vmem>>
      %dma_start3A_73 = tpu.memref_slice %arg7[%add3A_70] : memref<6400xi32, #tpu.memory_space<vmem>> -> memref<80xi32, #tpu.memory_space<vmem>>
      %dma_start3A_74 = arith.constant 0 : i32
      %dma_start3A_75 = arith.constant 0 : i32
      %dma_start3A_76 = tpu.memref_slice %arg4[%dma_start3A_74, %dma_start3A_75] : memref<100000x64xf32, #tpu.memory_space<hbm>> -> memref<100000x64xf32, #tpu.memory_space<hbm>>
      tpu.enqueue_indirect_dma source(%dma_start3A_76 : memref<100000x64xf32, #tpu.memory_space<hbm>>) target(%dma_start3A_72 : memref<80x64xf32, #tpu.memory_space<vmem>>) offsets(%dma_start3A_73 : memref<80xi32, #tpu.memory_space<vmem>>) semaphore(%arg12 : memref<!tpu.dma_semaphore, #tpu.memory_space<semaphore_mem>>)
      %mul3A_77 = arith.constant 400 : i32
      %mul3A_78 = arith.muli %scan3A_58, %mul3A_77 : i32
      %add3A_79 = arith.constant 80 : i32
      %add3A_80 = arith.addi %mul3A_78, %add3A_79 : i32
      %dma_start3A_81 = arith.constant 80 : i32
      %dma_start3A_82 = arith.constant 0 : i32
      %dma_start3A_83 = tpu.memref_slice %arg9[%dma_start3A_81, %dma_start3A_82] : memref<400x64xf32, #tpu.memory_space<vmem>> -> memref<80x64xf32, #tpu.memory_space<vmem>>
      %dma_start3A_84 = tpu.memref_slice %arg7[%add3A_80] : memref<6400xi32, #tpu.memory_space<vmem>> -> memref<80xi32, #tpu.memory_space<vmem>>
      %dma_start3A_85 = arith.constant 0 : i32
      %dma_start3A_86 = arith.constant 0 : i32
      %dma_start3A_87 = tpu.memref_slice %arg4[%dma_start3A_85, %dma_start3A_86] : memref<100000x64xf32, #tpu.memory_space<hbm>> -> memref<100000x64xf32, #tpu.memory_space<hbm>>
      tpu.enqueue_indirect_dma source(%dma_start3A_87 : memref<100000x64xf32, #tpu.memory_space<hbm>>) target(%dma_start3A_83 : memref<80x64xf32, #tpu.memory_space<vmem>>) offsets(%dma_start3A_84 : memref<80xi32, #tpu.memory_space<vmem>>) semaphore(%arg12 : memref<!tpu.dma_semaphore, #tpu.memory_space<semaphore_mem>>)
      %mul3A_88 = arith.constant 400 : i32
      %mul3A_89 = arith.muli %scan3A_58, %mul3A_88 : i32
      %add3A_90 = arith.constant 160 : i32
      %add3A_91 = arith.addi %mul3A_89, %add3A_90 : i32
      %dma_start3A_92 = arith.constant 160 : i32
      %dma_start3A_93 = arith.constant 0 : i32
      %dma_start3A_94 = tpu.memref_slice %arg9[%dma_start3A_92, %dma_start3A_93] : memref<400x64xf32, #tpu.memory_space<vmem>> -> memref<80x64xf32, #tpu.memory_space<vmem>>
      %dma_start3A_95 = tpu.memref_slice %arg7[%add3A_91] : memref<6400xi32, #tpu.memory_space<vmem>> -> memref<80xi32, #tpu.memory_space<vmem>>
      %dma_start3A_96 = arith.constant 0 : i32
      %dma_start3A_97 = arith.constant 0 : i32
      %dma_start3A_98 = tpu.memref_slice %arg4[%dma_start3A_96, %dma_start3A_97] : memref<100000x64xf32, #tpu.memory_space<hbm>> -> memref<100000x64xf32, #tpu.memory_space<hbm>>
      tpu.enqueue_indirect_dma source(%dma_start3A_98 : memref<100000x64xf32, #tpu.memory_space<hbm>>) target(%dma_start3A_94 : memref<80x64xf32, #tpu.memory_space<vmem>>) offsets(%dma_start3A_95 : memref<80xi32, #tpu.memory_space<vmem>>) semaphore(%arg12 : memref<!tpu.dma_semaphore, #tpu.memory_space<semaphore_mem>>)
      %mul3A_99 = arith.constant 400 : i32
      %mul3A_100 = arith.muli %scan3A_58, %mul3A_99 : i32
      %add3A_101 = arith.constant 240 : i32
      %add3A_102 = arith.addi %mul3A_100, %add3A_101 : i32
      %dma_start3A_103 = arith.constant 240 : i32
      %dma_start3A_104 = arith.constant 0 : i32
      %dma_start3A_105 = tpu.memref_slice %arg9[%dma_start3A_103, %dma_start3A_104] : memref<400x64xf32, #tpu.memory_space<vmem>> -> memref<80x64xf32, #tpu.memory_space<vmem>>
      %dma_start3A_106 = tpu.memref_slice %arg7[%add3A_102] : memref<6400xi32, #tpu.memory_space<vmem>> -> memref<80xi32, #tpu.memory_space<vmem>>
      %dma_start3A_107 = arith.constant 0 : i32
      %dma_start3A_108 = arith.constant 0 : i32
      %dma_start3A_109 = tpu.memref_slice %arg4[%dma_start3A_107, %dma_start3A_108] : memref<100000x64xf32, #tpu.memory_space<hbm>> -> memref<100000x64xf32, #tpu.memory_space<hbm>>
      tpu.enqueue_indirect_dma source(%dma_start3A_109 : memref<100000x64xf32, #tpu.memory_space<hbm>>) target(%dma_start3A_105 : memref<80x64xf32, #tpu.memory_space<vmem>>) offsets(%dma_start3A_106 : memref<80xi32, #tpu.memory_space<vmem>>) semaphore(%arg12 : memref<!tpu.dma_semaphore, #tpu.memory_space<semaphore_mem>>)
      %mul3A_110 = arith.constant 400 : i32
      %mul3A_111 = arith.muli %scan3A_58, %mul3A_110 : i32
      %add3A_112 = arith.constant 320 : i32
      %add3A_113 = arith.addi %mul3A_111, %add3A_112 : i32
      %dma_start3A_114 = arith.constant 320 : i32
      %dma_start3A_115 = arith.constant 0 : i32
      %dma_start3A_116 = tpu.memref_slice %arg9[%dma_start3A_114, %dma_start3A_115] : memref<400x64xf32, #tpu.memory_space<vmem>> -> memref<80x64xf32, #tpu.memory_space<vmem>>
      %dma_start3A_117 = tpu.memref_slice %arg7[%add3A_113] : memref<6400xi32, #tpu.memory_space<vmem>> -> memref<80xi32, #tpu.memory_space<vmem>>
      %dma_start3A_118 = arith.constant 0 : i32
      %dma_start3A_119 = arith.constant 0 : i32
      %dma_start3A_120 = tpu.memref_slice %arg4[%dma_start3A_118, %dma_start3A_119] : memref<100000x64xf32, #tpu.memory_space<hbm>> -> memref<100000x64xf32, #tpu.memory_space<hbm>>
      tpu.enqueue_indirect_dma source(%dma_start3A_120 : memref<100000x64xf32, #tpu.memory_space<hbm>>) target(%dma_start3A_116 : memref<80x64xf32, #tpu.memory_space<vmem>>) offsets(%dma_start3A_117 : memref<80xi32, #tpu.memory_space<vmem>>) semaphore(%arg12 : memref<!tpu.dma_semaphore, #tpu.memory_space<semaphore_mem>>)
      %mul3A_121 = arith.constant 8 : i32
      %mul3A_122 = arith.muli %scan3A_58, %mul3A_121 : i32
      %dma_start3A_123 = tpu.memref_slice %arg8[%mul3A_122] : memref<128xi32, #tpu.memory_space<vmem>> -> memref<8xi32, #tpu.memory_space<vmem>>
      %dma_start3A_124 = arith.constant 0 : i32
      %dma_start3A_125 = arith.constant 0 : i32
      %dma_start3A_126 = tpu.memref_slice %arg5[%dma_start3A_124, %dma_start3A_125] : memref<100000x512xf32, #tpu.memory_space<hbm>> -> memref<100000x512xf32, #tpu.memory_space<hbm>>
      tpu.enqueue_indirect_dma source(%dma_start3A_126 : memref<100000x512xf32, #tpu.memory_space<hbm>>) target(%arg10 : memref<8x512xf32, #tpu.memory_space<vmem>>) offsets(%dma_start3A_123 : memref<8xi32, #tpu.memory_space<vmem>>) semaphore(%arg12 : memref<!tpu.dma_semaphore, #tpu.memory_space<semaphore_mem>>)
      %dma_wait3A = arith.constant 0 : i32
      %dma_wait3A_127 = arith.constant 0 : i32
      %dma_wait3A_128 = tpu.memref_slice %arg9[%dma_wait3A, %dma_wait3A_127] : memref<400x64xf32, #tpu.memory_space<vmem>> -> memref<80x64xf32, #tpu.memory_space<vmem>>
      %dma_wait3A_129 = tpu.memref_slice %arg7[%add3A_70] : memref<6400xi32, #tpu.memory_space<vmem>> -> memref<80xi32, #tpu.memory_space<vmem>>
      %dma_wait3A_130 = arith.constant 0 : i32
      %dma_wait3A_131 = arith.constant 0 : i32
      %dma_wait3A_132 = tpu.memref_slice %arg4[%dma_wait3A_130, %dma_wait3A_131] : memref<100000x64xf32, #tpu.memory_space<hbm>> -> memref<100000x64xf32, #tpu.memory_space<hbm>>
      tpu.wait_indirect_dma semaphore(%arg12 : memref<!tpu.dma_semaphore, #tpu.memory_space<semaphore_mem>>) src(%dma_wait3A_132 : memref<100000x64xf32, #tpu.memory_space<hbm>>) dst(%dma_wait3A_128 : memref<80x64xf32, #tpu.memory_space<vmem>>)
      %dma_wait3A_133 = arith.constant 80 : i32
      %dma_wait3A_134 = arith.constant 0 : i32
      %dma_wait3A_135 = tpu.memref_slice %arg9[%dma_wait3A_133, %dma_wait3A_134] : memref<400x64xf32, #tpu.memory_space<vmem>> -> memref<80x64xf32, #tpu.memory_space<vmem>>
      %dma_wait3A_136 = tpu.memref_slice %arg7[%add3A_80] : memref<6400xi32, #tpu.memory_space<vmem>> -> memref<80xi32, #tpu.memory_space<vmem>>
      %dma_wait3A_137 = arith.constant 0 : i32
      %dma_wait3A_138 = arith.constant 0 : i32
      %dma_wait3A_139 = tpu.memref_slice %arg4[%dma_wait3A_137, %dma_wait3A_138] : memref<100000x64xf32, #tpu.memory_space<hbm>> -> memref<100000x64xf32, #tpu.memory_space<hbm>>
      tpu.wait_indirect_dma semaphore(%arg12 : memref<!tpu.dma_semaphore, #tpu.memory_space<semaphore_mem>>) src(%dma_wait3A_139 : memref<100000x64xf32, #tpu.memory_space<hbm>>) dst(%dma_wait3A_135 : memref<80x64xf32, #tpu.memory_space<vmem>>)
      %dma_wait3A_140 = arith.constant 160 : i32
      %dma_wait3A_141 = arith.constant 0 : i32
      %dma_wait3A_142 = tpu.memref_slice %arg9[%dma_wait3A_140, %dma_wait3A_141] : memref<400x64xf32, #tpu.memory_space<vmem>> -> memref<80x64xf32, #tpu.memory_space<vmem>>
      %dma_wait3A_143 = tpu.memref_slice %arg7[%add3A_91] : memref<6400xi32, #tpu.memory_space<vmem>> -> memref<80xi32, #tpu.memory_space<vmem>>
      %dma_wait3A_144 = arith.constant 0 : i32
      %dma_wait3A_145 = arith.constant 0 : i32
      %dma_wait3A_146 = tpu.memref_slice %arg4[%dma_wait3A_144, %dma_wait3A_145] : memref<100000x64xf32, #tpu.memory_space<hbm>> -> memref<100000x64xf32, #tpu.memory_space<hbm>>
      tpu.wait_indirect_dma semaphore(%arg12 : memref<!tpu.dma_semaphore, #tpu.memory_space<semaphore_mem>>) src(%dma_wait3A_146 : memref<100000x64xf32, #tpu.memory_space<hbm>>) dst(%dma_wait3A_142 : memref<80x64xf32, #tpu.memory_space<vmem>>)
      %dma_wait3A_147 = arith.constant 240 : i32
      %dma_wait3A_148 = arith.constant 0 : i32
      %dma_wait3A_149 = tpu.memref_slice %arg9[%dma_wait3A_147, %dma_wait3A_148] : memref<400x64xf32, #tpu.memory_space<vmem>> -> memref<80x64xf32, #tpu.memory_space<vmem>>
      %dma_wait3A_150 = tpu.memref_slice %arg7[%add3A_102] : memref<6400xi32, #tpu.memory_space<vmem>> -> memref<80xi32, #tpu.memory_space<vmem>>
      %dma_wait3A_151 = arith.constant 0 : i32
      %dma_wait3A_152 = arith.constant 0 : i32
      %dma_wait3A_153 = tpu.memref_slice %arg4[%dma_wait3A_151, %dma_wait3A_152] : memref<100000x64xf32, #tpu.memory_space<hbm>> -> memref<100000x64xf32, #tpu.memory_space<hbm>>
      tpu.wait_indirect_dma semaphore(%arg12 : memref<!tpu.dma_semaphore, #tpu.memory_space<semaphore_mem>>) src(%dma_wait3A_153 : memref<100000x64xf32, #tpu.memory_space<hbm>>) dst(%dma_wait3A_149 : memref<80x64xf32, #tpu.memory_space<vmem>>)
      %dma_wait3A_154 = arith.constant 320 : i32
      %dma_wait3A_155 = arith.constant 0 : i32
      %dma_wait3A_156 = tpu.memref_slice %arg9[%dma_wait3A_154, %dma_wait3A_155] : memref<400x64xf32, #tpu.memory_space<vmem>> -> memref<80x64xf32, #tpu.memory_space<vmem>>
      %dma_wait3A_157 = tpu.memref_slice %arg7[%add3A_113] : memref<6400xi32, #tpu.memory_space<vmem>> -> memref<80xi32, #tpu.memory_space<vmem>>
      %dma_wait3A_158 = arith.constant 0 : i32
      %dma_wait3A_159 = arith.constant 0 : i32
      %dma_wait3A_160 = tpu.memref_slice %arg4[%dma_wait3A_158, %dma_wait3A_159] : memref<100000x64xf32, #tpu.memory_space<hbm>> -> memref<100000x64xf32, #tpu.memory_space<hbm>>
      tpu.wait_indirect_dma semaphore(%arg12 : memref<!tpu.dma_semaphore, #tpu.memory_space<semaphore_mem>>) src(%dma_wait3A_160 : memref<100000x64xf32, #tpu.memory_space<hbm>>) dst(%dma_wait3A_156 : memref<80x64xf32, #tpu.memory_space<vmem>>)
      %dma_wait3A_161 = tpu.memref_slice %arg8[%mul3A_122] : memref<128xi32, #tpu.memory_space<vmem>> -> memref<8xi32, #tpu.memory_space<vmem>>
      %dma_wait3A_162 = arith.constant 0 : i32
      %dma_wait3A_163 = arith.constant 0 : i32
      %dma_wait3A_164 = tpu.memref_slice %arg5[%dma_wait3A_162, %dma_wait3A_163] : memref<100000x512xf32, #tpu.memory_space<hbm>> -> memref<100000x512xf32, #tpu.memory_space<hbm>>
      tpu.wait_indirect_dma semaphore(%arg12 : memref<!tpu.dma_semaphore, #tpu.memory_space<semaphore_mem>>) src(%dma_wait3A_164 : memref<100000x512xf32, #tpu.memory_space<hbm>>) dst(%arg10 : memref<8x512xf32, #tpu.memory_space<vmem>>)
      %scan3A_165 = arith.constant 0 : i32
      %scan3A_166 = arith.constant 50 : i32
      %scan3A_167 = arith.addi %scan3A_165, %scan3A_166 : i32
      %scan3A_168 = arith.constant 1 : i32
      %scan3A_169:4 = scf.for %scan3A_2004 = %scan3A_165 to %scan3A_167 step %scan3A_168 iter_args(%scan3A_2005 = %broadcast_in_dim3A_5, %scan3A_2006 = %broadcast_in_dim3A_5, %scan3A_2007 = %broadcast_in_dim3A_5, %scan3A_2008 = %broadcast_in_dim3A_5) -> (vector<16xf32>, vector<16xf32>, vector<16xf32>, vector<16xf32>)  : i32 {
        %add3A_2009 = arith.constant 0 : i32
        %add3A_2010 = arith.addi %add3A_2009, %scan3A_2004 : i32
        %get3A_2011 = arith.index_cast %add3A_2010 : i32 to index
        %get3A_2012 = arith.constant 0 : index
        %get3A_2013 = tpu.vector_load %arg9[%get3A_2011, %get3A_2012] {strides = array<i32>} : memref<400x64xf32, #tpu.memory_space<vmem>>, vector<1x16xf32>,
        %get3A_2014 = vector.shape_cast %get3A_2013 : vector<1x16xf32> to vector<16xf32>
        %add3A_2015 = arith.addf %scan3A_2005, %get3A_2014 : vector<16xf32>
        %get3A_2016 = arith.index_cast %add3A_2010 : i32 to index
        %get3A_2017 = arith.constant 16 : index
        %get3A_2018 = tpu.vector_load %arg9[%get3A_2016, %get3A_2017] {strides = array<i32>} : memref<400x64xf32, #tpu.memory_space<vmem>>, vector<1x16xf32>,
        %get3A_2019 = vector.shape_cast %get3A_2018 : vector<1x16xf32> to vector<16xf32>
        %add3A_2020 = arith.addf %scan3A_2006, %get3A_2019 : vector<16xf32>
        %get3A_2021 = arith.index_cast %add3A_2010 : i32 to index
        %get3A_2022 = arith.constant 32 : index
        %get3A_2023 = tpu.vector_load %arg9[%get3A_2021, %get3A_2022] {strides = array<i32>} : memref<400x64xf32, #tpu.memory_space<vmem>>, vector<1x16xf32>,
        %get3A_2024 = vector.shape_cast %get3A_2023 : vector<1x16xf32> to vector<16xf32>
        %add3A_2025 = arith.addf %scan3A_2007, %get3A_2024 : vector<16xf32>
        %get3A_2026 = arith.index_cast %add3A_2010 : i32 to index
        %get3A_2027 = arith.constant 48 : index
        %get3A_2028 = tpu.vector_load %arg9[%get3A_2026, %get3A_2027] {strides = array<i32>} : memref<400x64xf32, #tpu.memory_space<vmem>>, vector<1x16xf32>,
        %get3A_2029 = vector.shape_cast %get3A_2028 : vector<1x16xf32> to vector<16xf32>
        %add3A_2030 = arith.addf %scan3A_2008, %get3A_2029 : vector<16xf32>
        scf.yield %add3A_2015, %add3A_2020, %add3A_2025, %add3A_2030 : vector<16xf32>, vector<16xf32>, vector<16xf32>, vector<16xf32>
      }
      %scan3A_170 = arith.constant 50 : i32
      %get3A = arith.constant 0 : i32
      %get3A_171 = arith.index_cast %get3A : i32 to index
      %get3A_172 = arith.constant 0 : index
      %get3A_173 = tpu.vector_load %arg10[%get3A_171, %get3A_172] {strides = array<i32>} : memref<8x512xf32, #tpu.memory_space<vmem>>, vector<1x16xf32>,
      %get3A_174 = vector.shape_cast %get3A_173 : vector<1x16xf32> to vector<16xf32>
      %mul3A_175 = arith.mulf %get3A_174, %scan3A_169#0 : vector<16xf32>
      %add3A_176 = arith.addf %scan3A_59, %mul3A_175 : vector<16xf32>
      %get3A_177 = arith.constant 0 : i32
      %get3A_178 = arith.index_cast %get3A_177 : i32 to index
      %get3A_179 = arith.constant 16 : index
      %get3A_180 = tpu.vector_load %arg10[%get3A_178, %get3A_179] {strides = array<i32>} : memref<8x512xf32, #tpu.memory_space<vmem>>, vector<1x16xf32>,
      %get3A_181 = vector.shape_cast %get3A_180 : vector<1x16xf32> to vector<16xf32>
      %mul3A_182 = arith.mulf %get3A_181, %scan3A_169#1 : vector<16xf32>
      %add3A_183 = arith.addf %add3A_176, %mul3A_182 : vector<16xf32>
      %get3A_184 = arith.constant 0 : i32
      %get3A_185 = arith.index_cast %get3A_184 : i32 to index
      %get3A_186 = arith.constant 32 : index
      %get3A_187 = tpu.vector_load %arg10[%get3A_185, %get3A_186] {strides = array<i32>} : memref<8x512xf32, #tpu.memory_space<vmem>>, vector<1x16xf32>,
      %get3A_188 = vector.shape_cast %get3A_187 : vector<1x16xf32> to vector<16xf32>
      %mul3A_189 = arith.mulf %get3A_188, %scan3A_169#2 : vector<16xf32>
      %add3A_190 = arith.addf %add3A_183, %mul3A_189 : vector<16xf32>
      %get3A_191 = arith.constant 0 : i32
      %get3A_192 = arith.index_cast %get3A_191 : i32 to index
      %get3A_193 = arith.constant 48 : index
      %get3A_194 = tpu.vector_load %arg10[%get3A_192, %get3A_193] {strides = array<i32>} : memref<8x512xf32, #tpu.memory_space<vmem>>, vector<1x16xf32>,
      %get3A_195 = vector.shape_cast %get3A_194 : vector<1x16xf32> to vector<16xf32>
      %mul3A_196 = arith.mulf %get3A_195, %scan3A_169#3 : vector<16xf32>
      %add3A_197 = arith.addf %add3A_190, %mul3A_196 : vector<16xf32>
      %get3A_198 = arith.constant 0 : i32
      %get3A_199 = arith.index_cast %get3A_198 : i32 to index
      %get3A_200 = arith.constant 64 : index
      %get3A_201 = tpu.vector_load %arg10[%get3A_199, %get3A_200] {strides = array<i32>} : memref<8x512xf32, #tpu.memory_space<vmem>>, vector<1x16xf32>,
      %get3A_202 = vector.shape_cast %get3A_201 : vector<1x16xf32> to vector<16xf32>
      %mul3A_203 = arith.mulf %get3A_202, %scan3A_169#0 : vector<16xf32>
      %add3A_204 = arith.addf %scan3A_60, %mul3A_203 : vector<16xf32>
      %get3A_205 = arith.constant 0 : i32
      %get3A_206 = arith.index_cast %get3A_205 : i32 to index
      %get3A_207 = arith.constant 80 : index
      %get3A_208 = tpu.vector_load %arg10[%get3A_206, %get3A_207] {strides = array<i32>} : memref<8x512xf32, #tpu.memory_space<vmem>>, vector<1x16xf32>,
      %get3A_209 = vector.shape_cast %get3A_208 : vector<1x16xf32> to vector<16xf32>
      %mul3A_210 = arith.mulf %get3A_209, %scan3A_169#1 : vector<16xf32>
      %add3A_211 = arith.addf %add3A_204, %mul3A_210 : vector<16xf32>
      %get3A_212 = arith.constant 0 : i32
      %get3A_213 = arith.index_cast %get3A_212 : i32 to index
      %get3A_214 = arith.constant 96 : index
      %get3A_215 = tpu.vector_load %arg10[%get3A_213, %get3A_214] {strides = array<i32>} : memref<8x512xf32, #tpu.memory_space<vmem>>, vector<1x16xf32>,
      %get3A_216 = vector.shape_cast %get3A_215 : vector<1x16xf32> to vector<16xf32>
      %mul3A_217 = arith.mulf %get3A_216, %scan3A_169#2 : vector<16xf32>
      %add3A_218 = arith.addf %add3A_211, %mul3A_217 : vector<16xf32>
      %get3A_219 = arith.constant 0 : i32
      %get3A_220 = arith.index_cast %get3A_219 : i32 to index
      %get3A_221 = arith.constant 112 : index
      %get3A_222 = tpu.vector_load %arg10[%get3A_220, %get3A_221] {strides = array<i32>} : memref<8x512xf32, #tpu.memory_space<vmem>>, vector<1x16xf32>,
      %get3A_223 = vector.shape_cast %get3A_222 : vector<1x16xf32> to vector<16xf32>
      %mul3A_224 = arith.mulf %get3A_223, %scan3A_169#3 : vector<16xf32>
      %add3A_225 = arith.addf %add3A_218, %mul3A_224 : vector<16xf32>
      %get3A_226 = arith.constant 0 : i32
      %get3A_227 = arith.index_cast %get3A_226 : i32 to index
      %get3A_228 = arith.constant 128 : index
      %get3A_229 = tpu.vector_load %arg10[%get3A_227, %get3A_228] {strides = array<i32>} : memref<8x512xf32, #tpu.memory_space<vmem>>, vector<1x16xf32>,
      %get3A_230 = vector.shape_cast %get3A_229 : vector<1x16xf32> to vector<16xf32>
      %mul3A_231 = arith.mulf %get3A_230, %scan3A_169#0 : vector<16xf32>
      %add3A_232 = arith.addf %scan3A_61, %mul3A_231 : vector<16xf32>
      %get3A_233 = arith.constant 0 : i32
      %get3A_234 = arith.index_cast %get3A_233 : i32 to index
      %get3A_235 = arith.constant 144 : index
      %get3A_236 = tpu.vector_load %arg10[%get3A_234, %get3A_235] {strides = array<i32>} : memref<8x512xf32, #tpu.memory_space<vmem>>, vector<1x16xf32>,
      %get3A_237 = vector.shape_cast %get3A_236 : vector<1x16xf32> to vector<16xf32>
      %mul3A_238 = arith.mulf %get3A_237, %scan3A_169#1 : vector<16xf32>
      %add3A_239 = arith.addf %add3A_232, %mul3A_238 : vector<16xf32>
      %get3A_240 = arith.constant 0 : i32
      %get3A_241 = arith.index_cast %get3A_240 : i32 to index
      %get3A_242 = arith.constant 160 : index
      %get3A_243 = tpu.vector_load %arg10[%get3A_241, %get3A_242] {strides = array<i32>} : memref<8x512xf32, #tpu.memory_space<vmem>>, vector<1x16xf32>,
      %get3A_244 = vector.shape_cast %get3A_243 : vector<1x16xf32> to vector<16xf32>
      %mul3A_245 = arith.mulf %get3A_244, %scan3A_169#2 : vector<16xf32>
      %add3A_246 = arith.addf %add3A_239, %mul3A_245 : vector<16xf32>
      %get3A_247 = arith.constant 0 : i32
      %get3A_248 = arith.index_cast %get3A_247 : i32 to index
      %get3A_249 = arith.constant 176 : index
      %get3A_250 = tpu.vector_load %arg10[%get3A_248, %get3A_249] {strides = array<i32>} : memref<8x512xf32, #tpu.memory_space<vmem>>, vector<1x16xf32>,
      %get3A_251 = vector.shape_cast %get3A_250 : vector<1x16xf32> to vector<16xf32>
      %mul3A_252 = arith.mulf %get3A_251, %scan3A_169#3 : vector<16xf32>
      %add3A_253 = arith.addf %add3A_246, %mul3A_252 : vector<16xf32>
      %get3A_254 = arith.constant 0 : i32
      %get3A_255 = arith.index_cast %get3A_254 : i32 to index
      %get3A_256 = arith.constant 192 : index
      %get3A_257 = tpu.vector_load %arg10[%get3A_255, %get3A_256] {strides = array<i32>} : memref<8x512xf32, #tpu.memory_space<vmem>>, vector<1x16xf32>,
      %get3A_258 = vector.shape_cast %get3A_257 : vector<1x16xf32> to vector<16xf32>
      %mul3A_259 = arith.mulf %get3A_258, %scan3A_169#0 : vector<16xf32>
      %add3A_260 = arith.addf %scan3A_62, %mul3A_259 : vector<16xf32>
      %get3A_261 = arith.constant 0 : i32
      %get3A_262 = arith.index_cast %get3A_261 : i32 to index
      %get3A_263 = arith.constant 208 : index
      %get3A_264 = tpu.vector_load %arg10[%get3A_262, %get3A_263] {strides = array<i32>} : memref<8x512xf32, #tpu.memory_space<vmem>>, vector<1x16xf32>,
      %get3A_265 = vector.shape_cast %get3A_264 : vector<1x16xf32> to vector<16xf32>
      %mul3A_266 = arith.mulf %get3A_265, %scan3A_169#1 : vector<16xf32>
      %add3A_267 = arith.addf %add3A_260, %mul3A_266 : vector<16xf32>
      %get3A_268 = arith.constant 0 : i32
      %get3A_269 = arith.index_cast %get3A_268 : i32 to index
      %get3A_270 = arith.constant 224 : index
      %get3A_271 = tpu.vector_load %arg10[%get3A_269, %get3A_270] {strides = array<i32>} : memref<8x512xf32, #tpu.memory_space<vmem>>, vector<1x16xf32>,
      %get3A_272 = vector.shape_cast %get3A_271 : vector<1x16xf32> to vector<16xf32>
      %mul3A_273 = arith.mulf %get3A_272, %scan3A_169#2 : vector<16xf32>
      %add3A_274 = arith.addf %add3A_267, %mul3A_273 : vector<16xf32>
      %get3A_275 = arith.constant 0 : i32
      %get3A_276 = arith.index_cast %get3A_275 : i32 to index
      %get3A_277 = arith.constant 240 : index
      %get3A_278 = tpu.vector_load %arg10[%get3A_276, %get3A_277] {strides = array<i32>} : memref<8x512xf32, #tpu.memory_space<vmem>>, vector<1x16xf32>,
      %get3A_279 = vector.shape_cast %get3A_278 : vector<1x16xf32> to vector<16xf32>
      %mul3A_280 = arith.mulf %get3A_279, %scan3A_169#3 : vector<16xf32>
      %add3A_281 = arith.addf %add3A_274, %mul3A_280 : vector<16xf32>
      %get3A_282 = arith.constant 0 : i32
      %get3A_283 = arith.index_cast %get3A_282 : i32 to index
      %get3A_284 = arith.constant 256 : index
      %get3A_285 = tpu.vector_load %arg10[%get3A_283, %get3A_284] {strides = array<i32>} : memref<8x512xf32, #tpu.memory_space<vmem>>, vector<1x16xf32>,
      %get3A_286 = vector.shape_cast %get3A_285 : vector<1x16xf32> to vector<16xf32>
      %mul3A_287 = arith.mulf %get3A_286, %scan3A_169#0 : vector<16xf32>
      %add3A_288 = arith.addf %scan3A_63, %mul3A_287 : vector<16xf32>
      %get3A_289 = arith.constant 0 : i32
      %get3A_290 = arith.index_cast %get3A_289 : i32 to index
      %get3A_291 = arith.constant 272 : index
      %get3A_292 = tpu.vector_load %arg10[%get3A_290, %get3A_291] {strides = array<i32>} : memref<8x512xf32, #tpu.memory_space<vmem>>, vector<1x16xf32>,
      %get3A_293 = vector.shape_cast %get3A_292 : vector<1x16xf32> to vector<16xf32>
      %mul3A_294 = arith.mulf %get3A_293, %scan3A_169#1 : vector<16xf32>
      %add3A_295 = arith.addf %add3A_288, %mul3A_294 : vector<16xf32>
      %get3A_296 = arith.constant 0 : i32
      %get3A_297 = arith.index_cast %get3A_296 : i32 to index
      %get3A_298 = arith.constant 288 : index
      %get3A_299 = tpu.vector_load %arg10[%get3A_297, %get3A_298] {strides = array<i32>} : memref<8x512xf32, #tpu.memory_space<vmem>>, vector<1x16xf32>,
      %get3A_300 = vector.shape_cast %get3A_299 : vector<1x16xf32> to vector<16xf32>
      %mul3A_301 = arith.mulf %get3A_300, %scan3A_169#2 : vector<16xf32>
      %add3A_302 = arith.addf %add3A_295, %mul3A_301 : vector<16xf32>
      %get3A_303 = arith.constant 0 : i32
      %get3A_304 = arith.index_cast %get3A_303 : i32 to index
      %get3A_305 = arith.constant 304 : index
      %get3A_306 = tpu.vector_load %arg10[%get3A_304, %get3A_305] {strides = array<i32>} : memref<8x512xf32, #tpu.memory_space<vmem>>, vector<1x16xf32>,
      %get3A_307 = vector.shape_cast %get3A_306 : vector<1x16xf32> to vector<16xf32>
      %mul3A_308 = arith.mulf %get3A_307, %scan3A_169#3 : vector<16xf32>
      %add3A_309 = arith.addf %add3A_302, %mul3A_308 : vector<16xf32>
      %get3A_310 = arith.constant 0 : i32
      %get3A_311 = arith.index_cast %get3A_310 : i32 to index
      %get3A_312 = arith.constant 320 : index
      %get3A_313 = tpu.vector_load %arg10[%get3A_311, %get3A_312] {strides = array<i32>} : memref<8x512xf32, #tpu.memory_space<vmem>>, vector<1x16xf32>,
      %get3A_314 = vector.shape_cast %get3A_313 : vector<1x16xf32> to vector<16xf32>
      %mul3A_315 = arith.mulf %get3A_314, %scan3A_169#0 : vector<16xf32>
      %add3A_316 = arith.addf %scan3A_64, %mul3A_315 : vector<16xf32>
      %get3A_317 = arith.constant 0 : i32
      %get3A_318 = arith.index_cast %get3A_317 : i32 to index
      %get3A_319 = arith.constant 336 : index
      %get3A_320 = tpu.vector_load %arg10[%get3A_318, %get3A_319] {strides = array<i32>} : memref<8x512xf32, #tpu.memory_space<vmem>>, vector<1x16xf32>,
      %get3A_321 = vector.shape_cast %get3A_320 : vector<1x16xf32> to vector<16xf32>
      %mul3A_322 = arith.mulf %get3A_321, %scan3A_169#1 : vector<16xf32>
      %add3A_323 = arith.addf %add3A_316, %mul3A_322 : vector<16xf32>
      %get3A_324 = arith.constant 0 : i32
      %get3A_325 = arith.index_cast %get3A_324 : i32 to index
      %get3A_326 = arith.constant 352 : index
      %get3A_327 = tpu.vector_load %arg10[%get3A_325, %get3A_326] {strides = array<i32>} : memref<8x512xf32, #tpu.memory_space<vmem>>, vector<1x16xf32>,
      %get3A_328 = vector.shape_cast %get3A_327 : vector<1x16xf32> to vector<16xf32>
      %mul3A_329 = arith.mulf %get3A_328, %scan3A_169#2 : vector<16xf32>
      %add3A_330 = arith.addf %add3A_323, %mul3A_329 : vector<16xf32>
      %get3A_331 = arith.constant 0 : i32
      %get3A_332 = arith.index_cast %get3A_331 : i32 to index
      %get3A_333 = arith.constant 368 : index
      %get3A_334 = tpu.vector_load %arg10[%get3A_332, %get3A_333] {strides = array<i32>} : memref<8x512xf32, #tpu.memory_space<vmem>>, vector<1x16xf32>,
      %get3A_335 = vector.shape_cast %get3A_334 : vector<1x16xf32> to vector<16xf32>
      %mul3A_336 = arith.mulf %get3A_335, %scan3A_169#3 : vector<16xf32>
      %add3A_337 = arith.addf %add3A_330, %mul3A_336 : vector<16xf32>
      %get3A_338 = arith.constant 0 : i32
      %get3A_339 = arith.index_cast %get3A_338 : i32 to index
      %get3A_340 = arith.constant 384 : index
      %get3A_341 = tpu.vector_load %arg10[%get3A_339, %get3A_340] {strides = array<i32>} : memref<8x512xf32, #tpu.memory_space<vmem>>, vector<1x16xf32>,
      %get3A_342 = vector.shape_cast %get3A_341 : vector<1x16xf32> to vector<16xf32>
      %mul3A_343 = arith.mulf %get3A_342, %scan3A_169#0 : vector<16xf32>
      %add3A_344 = arith.addf %scan3A_65, %mul3A_343 : vector<16xf32>
      %get3A_345 = arith.constant 0 : i32
      %get3A_346 = arith.index_cast %get3A_345 : i32 to index
      %get3A_347 = arith.constant 400 : index
      %get3A_348 = tpu.vector_load %arg10[%get3A_346, %get3A_347] {strides = array<i32>} : memref<8x512xf32, #tpu.memory_space<vmem>>, vector<1x16xf32>,
      %get3A_349 = vector.shape_cast %get3A_348 : vector<1x16xf32> to vector<16xf32>
      %mul3A_350 = arith.mulf %get3A_349, %scan3A_169#1 : vector<16xf32>
      %add3A_351 = arith.addf %add3A_344, %mul3A_350 : vector<16xf32>
      %get3A_352 = arith.constant 0 : i32
      %get3A_353 = arith.index_cast %get3A_352 : i32 to index
      %get3A_354 = arith.constant 416 : index
      %get3A_355 = tpu.vector_load %arg10[%get3A_353, %get3A_354] {strides = array<i32>} : memref<8x512xf32, #tpu.memory_space<vmem>>, vector<1x16xf32>,
      %get3A_356 = vector.shape_cast %get3A_355 : vector<1x16xf32> to vector<16xf32>
      %mul3A_357 = arith.mulf %get3A_356, %scan3A_169#2 : vector<16xf32>
      %add3A_358 = arith.addf %add3A_351, %mul3A_357 : vector<16xf32>
      %get3A_359 = arith.constant 0 : i32
      %get3A_360 = arith.index_cast %get3A_359 : i32 to index
      %get3A_361 = arith.constant 432 : index
      %get3A_362 = tpu.vector_load %arg10[%get3A_360, %get3A_361] {strides = array<i32>} : memref<8x512xf32, #tpu.memory_space<vmem>>, vector<1x16xf32>,
      %get3A_363 = vector.shape_cast %get3A_362 : vector<1x16xf32> to vector<16xf32>
      %mul3A_364 = arith.mulf %get3A_363, %scan3A_169#3 : vector<16xf32>
      %add3A_365 = arith.addf %add3A_358, %mul3A_364 : vector<16xf32>
      %get3A_366 = arith.constant 0 : i32
      %get3A_367 = arith.index_cast %get3A_366 : i32 to index
      %get3A_368 = arith.constant 448 : index
      %get3A_369 = tpu.vector_load %arg10[%get3A_367, %get3A_368] {strides = array<i32>} : memref<8x512xf32, #tpu.memory_space<vmem>>, vector<1x16xf32>,
      %get3A_370 = vector.shape_cast %get3A_369 : vector<1x16xf32> to vector<16xf32>
      %mul3A_371 = arith.mulf %get3A_370, %scan3A_169#0 : vector<16xf32>
      %add3A_372 = arith.addf %scan3A_66, %mul3A_371 : vector<16xf32>
      %get3A_373 = arith.constant 0 : i32
      %get3A_374 = arith.index_cast %get3A_373 : i32 to index
      %get3A_375 = arith.constant 464 : index
      %get3A_376 = tpu.vector_load %arg10[%get3A_374, %get3A_375] {strides = array<i32>} : memref<8x512xf32, #tpu.memory_space<vmem>>, vector<1x16xf32>,
      %get3A_377 = vector.shape_cast %get3A_376 : vector<1x16xf32> to vector<16xf32>
      %mul3A_378 = arith.mulf %get3A_377, %scan3A_169#1 : vector<16xf32>
      %add3A_379 = arith.addf %add3A_372, %mul3A_378 : vector<16xf32>
      %get3A_380 = arith.constant 0 : i32
      %get3A_381 = arith.index_cast %get3A_380 : i32 to index
      %get3A_382 = arith.constant 480 : index
      %get3A_383 = tpu.vector_load %arg10[%get3A_381, %get3A_382] {strides = array<i32>} : memref<8x512xf32, #tpu.memory_space<vmem>>, vector<1x16xf32>,
      %get3A_384 = vector.shape_cast %get3A_383 : vector<1x16xf32> to vector<16xf32>
      %mul3A_385 = arith.mulf %get3A_384, %scan3A_169#2 : vector<16xf32>
      %add3A_386 = arith.addf %add3A_379, %mul3A_385 : vector<16xf32>
      %get3A_387 = arith.constant 0 : i32
      %get3A_388 = arith.index_cast %get3A_387 : i32 to index
      %get3A_389 = arith.constant 496 : index
      %get3A_390 = tpu.vector_load %arg10[%get3A_388, %get3A_389] {strides = array<i32>} : memref<8x512xf32, #tpu.memory_space<vmem>>, vector<1x16xf32>,
      %get3A_391 = vector.shape_cast %get3A_390 : vector<1x16xf32> to vector<16xf32>
      %mul3A_392 = arith.mulf %get3A_391, %scan3A_169#3 : vector<16xf32>
      %add3A_393 = arith.addf %add3A_386, %mul3A_392 : vector<16xf32>
      %scan3A_394 = arith.constant 0 : i32
      %scan3A_395 = arith.constant 50 : i32
      %scan3A_396 = arith.addi %scan3A_394, %scan3A_395 : i32
      %scan3A_397 = arith.constant 1 : i32
      %scan3A_398:4 = scf.for %scan3A_2004 = %scan3A_394 to %scan3A_396 step %scan3A_397 iter_args(%scan3A_2005 = %broadcast_in_dim3A_5, %scan3A_2006 = %broadcast_in_dim3A_5, %scan3A_2007 = %broadcast_in_dim3A_5, %scan3A_2008 = %broadcast_in_dim3A_5) -> (vector<16xf32>, vector<16xf32>, vector<16xf32>, vector<16xf32>)  : i32 {
        %add3A_2009 = arith.constant 50 : i32
        %add3A_2010 = arith.addi %add3A_2009, %scan3A_2004 : i32
        %get3A_2011 = arith.index_cast %add3A_2010 : i32 to index
        %get3A_2012 = arith.constant 0 : index
        %get3A_2013 = tpu.vector_load %arg9[%get3A_2011, %get3A_2012] {strides = array<i32>} : memref<400x64xf32, #tpu.memory_space<vmem>>, vector<1x16xf32>,
        %get3A_2014 = vector.shape_cast %get3A_2013 : vector<1x16xf32> to vector<16xf32>
        %add3A_2015 = arith.addf %scan3A_2005, %get3A_2014 : vector<16xf32>
        %get3A_2016 = arith.index_cast %add3A_2010 : i32 to index
        %get3A_2017 = arith.constant 16 : index
        %get3A_2018 = tpu.vector_load %arg9[%get3A_2016, %get3A_2017] {strides = array<i32>} : memref<400x64xf32, #tpu.memory_space<vmem>>, vector<1x16xf32>,
        %get3A_2019 = vector.shape_cast %get3A_2018 : vector<1x16xf32> to vector<16xf32>
        %add3A_2020 = arith.addf %scan3A_2006, %get3A_2019 : vector<16xf32>
        %get3A_2021 = arith.index_cast %add3A_2010 : i32 to index
        %get3A_2022 = arith.constant 32 : index
        %get3A_2023 = tpu.vector_load %arg9[%get3A_2021, %get3A_2022] {strides = array<i32>} : memref<400x64xf32, #tpu.memory_space<vmem>>, vector<1x16xf32>,
        %get3A_2024 = vector.shape_cast %get3A_2023 : vector<1x16xf32> to vector<16xf32>
        %add3A_2025 = arith.addf %scan3A_2007, %get3A_2024 : vector<16xf32>
        %get3A_2026 = arith.index_cast %add3A_2010 : i32 to index
        %get3A_2027 = arith.constant 48 : index
        %get3A_2028 = tpu.vector_load %arg9[%get3A_2026, %get3A_2027] {strides = array<i32>} : memref<400x64xf32, #tpu.memory_space<vmem>>, vector<1x16xf32>,
        %get3A_2029 = vector.shape_cast %get3A_2028 : vector<1x16xf32> to vector<16xf32>
        %add3A_2030 = arith.addf %scan3A_2008, %get3A_2029 : vector<16xf32>
        scf.yield %add3A_2015, %add3A_2020, %add3A_2025, %add3A_2030 : vector<16xf32>, vector<16xf32>, vector<16xf32>, vector<16xf32>
      }
      %scan3A_399 = arith.constant 50 : i32
      %get3A_400 = arith.constant 1 : i32
      %get3A_401 = arith.index_cast %get3A_400 : i32 to index
      %get3A_402 = arith.constant 0 : index
      %get3A_403 = tpu.vector_load %arg10[%get3A_401, %get3A_402] {strides = array<i32>} : memref<8x512xf32, #tpu.memory_space<vmem>>, vector<1x16xf32>,
      %get3A_404 = vector.shape_cast %get3A_403 : vector<1x16xf32> to vector<16xf32>
      %mul3A_405 = arith.mulf %get3A_404, %scan3A_398#0 : vector<16xf32>
      %add3A_406 = arith.addf %add3A_197, %mul3A_405 : vector<16xf32>
      %get3A_407 = arith.constant 1 : i32
      %get3A_408 = arith.index_cast %get3A_407 : i32 to index
      %get3A_409 = arith.constant 16 : index
      %get3A_410 = tpu.vector_load %arg10[%get3A_408, %get3A_409] {strides = array<i32>} : memref<8x512xf32, #tpu.memory_space<vmem>>, vector<1x16xf32>,
      %get3A_411 = vector.shape_cast %get3A_410 : vector<1x16xf32> to vector<16xf32>
      %mul3A_412 = arith.mulf %get3A_411, %scan3A_398#1 : vector<16xf32>
      %add3A_413 = arith.addf %add3A_406, %mul3A_412 : vector<16xf32>
      %get3A_414 = arith.constant 1 : i32
      %get3A_415 = arith.index_cast %get3A_414 : i32 to index
      %get3A_416 = arith.constant 32 : index
      %get3A_417 = tpu.vector_load %arg10[%get3A_415, %get3A_416] {strides = array<i32>} : memref<8x512xf32, #tpu.memory_space<vmem>>, vector<1x16xf32>,
      %get3A_418 = vector.shape_cast %get3A_417 : vector<1x16xf32> to vector<16xf32>
      %mul3A_419 = arith.mulf %get3A_418, %scan3A_398#2 : vector<16xf32>
      %add3A_420 = arith.addf %add3A_413, %mul3A_419 : vector<16xf32>
      %get3A_421 = arith.constant 1 : i32
      %get3A_422 = arith.index_cast %get3A_421 : i32 to index
      %get3A_423 = arith.constant 48 : index
      %get3A_424 = tpu.vector_load %arg10[%get3A_422, %get3A_423] {strides = array<i32>} : memref<8x512xf32, #tpu.memory_space<vmem>>, vector<1x16xf32>,
      %get3A_425 = vector.shape_cast %get3A_424 : vector<1x16xf32> to vector<16xf32>
      %mul3A_426 = arith.mulf %get3A_425, %scan3A_398#3 : vector<16xf32>
      %add3A_427 = arith.addf %add3A_420, %mul3A_426 : vector<16xf32>
      %get3A_428 = arith.constant 1 : i32
      %get3A_429 = arith.index_cast %get3A_428 : i32 to index
      %get3A_430 = arith.constant 64 : index
      %get3A_431 = tpu.vector_load %arg10[%get3A_429, %get3A_430] {strides = array<i32>} : memref<8x512xf32, #tpu.memory_space<vmem>>, vector<1x16xf32>,
      %get3A_432 = vector.shape_cast %get3A_431 : vector<1x16xf32> to vector<16xf32>
      %mul3A_433 = arith.mulf %get3A_432, %scan3A_398#0 : vector<16xf32>
      %add3A_434 = arith.addf %add3A_225, %mul3A_433 : vector<16xf32>
      %get3A_435 = arith.constant 1 : i32
      %get3A_436 = arith.index_cast %get3A_435 : i32 to index
      %get3A_437 = arith.constant 80 : index
      %get3A_438 = tpu.vector_load %arg10[%get3A_436, %get3A_437] {strides = array<i32>} : memref<8x512xf32, #tpu.memory_space<vmem>>, vector<1x16xf32>,
      %get3A_439 = vector.shape_cast %get3A_438 : vector<1x16xf32> to vector<16xf32>
      %mul3A_440 = arith.mulf %get3A_439, %scan3A_398#1 : vector<16xf32>
      %add3A_441 = arith.addf %add3A_434, %mul3A_440 : vector<16xf32>
      %get3A_442 = arith.constant 1 : i32
      %get3A_443 = arith.index_cast %get3A_442 : i32 to index
      %get3A_444 = arith.constant 96 : index
      %get3A_445 = tpu.vector_load %arg10[%get3A_443, %get3A_444] {strides = array<i32>} : memref<8x512xf32, #tpu.memory_space<vmem>>, vector<1x16xf32>,
      %get3A_446 = vector.shape_cast %get3A_445 : vector<1x16xf32> to vector<16xf32>
      %mul3A_447 = arith.mulf %get3A_446, %scan3A_398#2 : vector<16xf32>
      %add3A_448 = arith.addf %add3A_441, %mul3A_447 : vector<16xf32>
      %get3A_449 = arith.constant 1 : i32
      %get3A_450 = arith.index_cast %get3A_449 : i32 to index
      %get3A_451 = arith.constant 112 : index
      %get3A_452 = tpu.vector_load %arg10[%get3A_450, %get3A_451] {strides = array<i32>} : memref<8x512xf32, #tpu.memory_space<vmem>>, vector<1x16xf32>,
      %get3A_453 = vector.shape_cast %get3A_452 : vector<1x16xf32> to vector<16xf32>
      %mul3A_454 = arith.mulf %get3A_453, %scan3A_398#3 : vector<16xf32>
      %add3A_455 = arith.addf %add3A_448, %mul3A_454 : vector<16xf32>
      %get3A_456 = arith.constant 1 : i32
      %get3A_457 = arith.index_cast %get3A_456 : i32 to index
      %get3A_458 = arith.constant 128 : index
      %get3A_459 = tpu.vector_load %arg10[%get3A_457, %get3A_458] {strides = array<i32>} : memref<8x512xf32, #tpu.memory_space<vmem>>, vector<1x16xf32>,
      %get3A_460 = vector.shape_cast %get3A_459 : vector<1x16xf32> to vector<16xf32>
      %mul3A_461 = arith.mulf %get3A_460, %scan3A_398#0 : vector<16xf32>
      %add3A_462 = arith.addf %add3A_253, %mul3A_461 : vector<16xf32>
      %get3A_463 = arith.constant 1 : i32
      %get3A_464 = arith.index_cast %get3A_463 : i32 to index
      %get3A_465 = arith.constant 144 : index
      %get3A_466 = tpu.vector_load %arg10[%get3A_464, %get3A_465] {strides = array<i32>} : memref<8x512xf32, #tpu.memory_space<vmem>>, vector<1x16xf32>,
      %get3A_467 = vector.shape_cast %get3A_466 : vector<1x16xf32> to vector<16xf32>
      %mul3A_468 = arith.mulf %get3A_467, %scan3A_398#1 : vector<16xf32>
      %add3A_469 = arith.addf %add3A_462, %mul3A_468 : vector<16xf32>
      %get3A_470 = arith.constant 1 : i32
      %get3A_471 = arith.index_cast %get3A_470 : i32 to index
      %get3A_472 = arith.constant 160 : index
      %get3A_473 = tpu.vector_load %arg10[%get3A_471, %get3A_472] {strides = array<i32>} : memref<8x512xf32, #tpu.memory_space<vmem>>, vector<1x16xf32>,
      %get3A_474 = vector.shape_cast %get3A_473 : vector<1x16xf32> to vector<16xf32>
      %mul3A_475 = arith.mulf %get3A_474, %scan3A_398#2 : vector<16xf32>
      %add3A_476 = arith.addf %add3A_469, %mul3A_475 : vector<16xf32>
      %get3A_477 = arith.constant 1 : i32
      %get3A_478 = arith.index_cast %get3A_477 : i32 to index
      %get3A_479 = arith.constant 176 : index
      %get3A_480 = tpu.vector_load %arg10[%get3A_478, %get3A_479] {strides = array<i32>} : memref<8x512xf32, #tpu.memory_space<vmem>>, vector<1x16xf32>,
      %get3A_481 = vector.shape_cast %get3A_480 : vector<1x16xf32> to vector<16xf32>
      %mul3A_482 = arith.mulf %get3A_481, %scan3A_398#3 : vector<16xf32>
      %add3A_483 = arith.addf %add3A_476, %mul3A_482 : vector<16xf32>
      %get3A_484 = arith.constant 1 : i32
      %get3A_485 = arith.index_cast %get3A_484 : i32 to index
      %get3A_486 = arith.constant 192 : index
      %get3A_487 = tpu.vector_load %arg10[%get3A_485, %get3A_486] {strides = array<i32>} : memref<8x512xf32, #tpu.memory_space<vmem>>, vector<1x16xf32>,
      %get3A_488 = vector.shape_cast %get3A_487 : vector<1x16xf32> to vector<16xf32>
      %mul3A_489 = arith.mulf %get3A_488, %scan3A_398#0 : vector<16xf32>
      %add3A_490 = arith.addf %add3A_281, %mul3A_489 : vector<16xf32>
      %get3A_491 = arith.constant 1 : i32
      %get3A_492 = arith.index_cast %get3A_491 : i32 to index
      %get3A_493 = arith.constant 208 : index
      %get3A_494 = tpu.vector_load %arg10[%get3A_492, %get3A_493] {strides = array<i32>} : memref<8x512xf32, #tpu.memory_space<vmem>>, vector<1x16xf32>,
      %get3A_495 = vector.shape_cast %get3A_494 : vector<1x16xf32> to vector<16xf32>
      %mul3A_496 = arith.mulf %get3A_495, %scan3A_398#1 : vector<16xf32>
      %add3A_497 = arith.addf %add3A_490, %mul3A_496 : vector<16xf32>
      %get3A_498 = arith.constant 1 : i32
      %get3A_499 = arith.index_cast %get3A_498 : i32 to index
      %get3A_500 = arith.constant 224 : index
      %get3A_501 = tpu.vector_load %arg10[%get3A_499, %get3A_500] {strides = array<i32>} : memref<8x512xf32, #tpu.memory_space<vmem>>, vector<1x16xf32>,
      %get3A_502 = vector.shape_cast %get3A_501 : vector<1x16xf32> to vector<16xf32>
      %mul3A_503 = arith.mulf %get3A_502, %scan3A_398#2 : vector<16xf32>
      %add3A_504 = arith.addf %add3A_497, %mul3A_503 : vector<16xf32>
      %get3A_505 = arith.constant 1 : i32
      %get3A_506 = arith.index_cast %get3A_505 : i32 to index
      %get3A_507 = arith.constant 240 : index
      %get3A_508 = tpu.vector_load %arg10[%get3A_506, %get3A_507] {strides = array<i32>} : memref<8x512xf32, #tpu.memory_space<vmem>>, vector<1x16xf32>,
      %get3A_509 = vector.shape_cast %get3A_508 : vector<1x16xf32> to vector<16xf32>
      %mul3A_510 = arith.mulf %get3A_509, %scan3A_398#3 : vector<16xf32>
      %add3A_511 = arith.addf %add3A_504, %mul3A_510 : vector<16xf32>
      %get3A_512 = arith.constant 1 : i32
      %get3A_513 = arith.index_cast %get3A_512 : i32 to index
      %get3A_514 = arith.constant 256 : index
      %get3A_515 = tpu.vector_load %arg10[%get3A_513, %get3A_514] {strides = array<i32>} : memref<8x512xf32, #tpu.memory_space<vmem>>, vector<1x16xf32>,
      %get3A_516 = vector.shape_cast %get3A_515 : vector<1x16xf32> to vector<16xf32>
      %mul3A_517 = arith.mulf %get3A_516, %scan3A_398#0 : vector<16xf32>
      %add3A_518 = arith.addf %add3A_309, %mul3A_517 : vector<16xf32>
      %get3A_519 = arith.constant 1 : i32
      %get3A_520 = arith.index_cast %get3A_519 : i32 to index
      %get3A_521 = arith.constant 272 : index
      %get3A_522 = tpu.vector_load %arg10[%get3A_520, %get3A_521] {strides = array<i32>} : memref<8x512xf32, #tpu.memory_space<vmem>>, vector<1x16xf32>,
      %get3A_523 = vector.shape_cast %get3A_522 : vector<1x16xf32> to vector<16xf32>
      %mul3A_524 = arith.mulf %get3A_523, %scan3A_398#1 : vector<16xf32>
      %add3A_525 = arith.addf %add3A_518, %mul3A_524 : vector<16xf32>
      %get3A_526 = arith.constant 1 : i32
      %get3A_527 = arith.index_cast %get3A_526 : i32 to index
      %get3A_528 = arith.constant 288 : index
      %get3A_529 = tpu.vector_load %arg10[%get3A_527, %get3A_528] {strides = array<i32>} : memref<8x512xf32, #tpu.memory_space<vmem>>, vector<1x16xf32>,
      %get3A_530 = vector.shape_cast %get3A_529 : vector<1x16xf32> to vector<16xf32>
      %mul3A_531 = arith.mulf %get3A_530, %scan3A_398#2 : vector<16xf32>
      %add3A_532 = arith.addf %add3A_525, %mul3A_531 : vector<16xf32>
      %get3A_533 = arith.constant 1 : i32
      %get3A_534 = arith.index_cast %get3A_533 : i32 to index
      %get3A_535 = arith.constant 304 : index
      %get3A_536 = tpu.vector_load %arg10[%get3A_534, %get3A_535] {strides = array<i32>} : memref<8x512xf32, #tpu.memory_space<vmem>>, vector<1x16xf32>,
      %get3A_537 = vector.shape_cast %get3A_536 : vector<1x16xf32> to vector<16xf32>
      %mul3A_538 = arith.mulf %get3A_537, %scan3A_398#3 : vector<16xf32>
      %add3A_539 = arith.addf %add3A_532, %mul3A_538 : vector<16xf32>
      %get3A_540 = arith.constant 1 : i32
      %get3A_541 = arith.index_cast %get3A_540 : i32 to index
      %get3A_542 = arith.constant 320 : index
      %get3A_543 = tpu.vector_load %arg10[%get3A_541, %get3A_542] {strides = array<i32>} : memref<8x512xf32, #tpu.memory_space<vmem>>, vector<1x16xf32>,
      %get3A_544 = vector.shape_cast %get3A_543 : vector<1x16xf32> to vector<16xf32>
      %mul3A_545 = arith.mulf %get3A_544, %scan3A_398#0 : vector<16xf32>
      %add3A_546 = arith.addf %add3A_337, %mul3A_545 : vector<16xf32>
      %get3A_547 = arith.constant 1 : i32
      %get3A_548 = arith.index_cast %get3A_547 : i32 to index
      %get3A_549 = arith.constant 336 : index
      %get3A_550 = tpu.vector_load %arg10[%get3A_548, %get3A_549] {strides = array<i32>} : memref<8x512xf32, #tpu.memory_space<vmem>>, vector<1x16xf32>,
      %get3A_551 = vector.shape_cast %get3A_550 : vector<1x16xf32> to vector<16xf32>
      %mul3A_552 = arith.mulf %get3A_551, %scan3A_398#1 : vector<16xf32>
      %add3A_553 = arith.addf %add3A_546, %mul3A_552 : vector<16xf32>
      %get3A_554 = arith.constant 1 : i32
      %get3A_555 = arith.index_cast %get3A_554 : i32 to index
      %get3A_556 = arith.constant 352 : index
      %get3A_557 = tpu.vector_load %arg10[%get3A_555, %get3A_556] {strides = array<i32>} : memref<8x512xf32, #tpu.memory_space<vmem>>, vector<1x16xf32>,
      %get3A_558 = vector.shape_cast %get3A_557 : vector<1x16xf32> to vector<16xf32>
      %mul3A_559 = arith.mulf %get3A_558, %scan3A_398#2 : vector<16xf32>
      %add3A_560 = arith.addf %add3A_553, %mul3A_559 : vector<16xf32>
      %get3A_561 = arith.constant 1 : i32
      %get3A_562 = arith.index_cast %get3A_561 : i32 to index
      %get3A_563 = arith.constant 368 : index
      %get3A_564 = tpu.vector_load %arg10[%get3A_562, %get3A_563] {strides = array<i32>} : memref<8x512xf32, #tpu.memory_space<vmem>>, vector<1x16xf32>,
      %get3A_565 = vector.shape_cast %get3A_564 : vector<1x16xf32> to vector<16xf32>
      %mul3A_566 = arith.mulf %get3A_565, %scan3A_398#3 : vector<16xf32>
      %add3A_567 = arith.addf %add3A_560, %mul3A_566 : vector<16xf32>
      %get3A_568 = arith.constant 1 : i32
      %get3A_569 = arith.index_cast %get3A_568 : i32 to index
      %get3A_570 = arith.constant 384 : index
      %get3A_571 = tpu.vector_load %arg10[%get3A_569, %get3A_570] {strides = array<i32>} : memref<8x512xf32, #tpu.memory_space<vmem>>, vector<1x16xf32>,
      %get3A_572 = vector.shape_cast %get3A_571 : vector<1x16xf32> to vector<16xf32>
      %mul3A_573 = arith.mulf %get3A_572, %scan3A_398#0 : vector<16xf32>
      %add3A_574 = arith.addf %add3A_365, %mul3A_573 : vector<16xf32>
      %get3A_575 = arith.constant 1 : i32
      %get3A_576 = arith.index_cast %get3A_575 : i32 to index
      %get3A_577 = arith.constant 400 : index
      %get3A_578 = tpu.vector_load %arg10[%get3A_576, %get3A_577] {strides = array<i32>} : memref<8x512xf32, #tpu.memory_space<vmem>>, vector<1x16xf32>,
      %get3A_579 = vector.shape_cast %get3A_578 : vector<1x16xf32> to vector<16xf32>
      %mul3A_580 = arith.mulf %get3A_579, %scan3A_398#1 : vector<16xf32>
      %add3A_581 = arith.addf %add3A_574, %mul3A_580 : vector<16xf32>
      %get3A_582 = arith.constant 1 : i32
      %get3A_583 = arith.index_cast %get3A_582 : i32 to index
      %get3A_584 = arith.constant 416 : index
      %get3A_585 = tpu.vector_load %arg10[%get3A_583, %get3A_584] {strides = array<i32>} : memref<8x512xf32, #tpu.memory_space<vmem>>, vector<1x16xf32>,
      %get3A_586 = vector.shape_cast %get3A_585 : vector<1x16xf32> to vector<16xf32>
      %mul3A_587 = arith.mulf %get3A_586, %scan3A_398#2 : vector<16xf32>
      %add3A_588 = arith.addf %add3A_581, %mul3A_587 : vector<16xf32>
      %get3A_589 = arith.constant 1 : i32
      %get3A_590 = arith.index_cast %get3A_589 : i32 to index
      %get3A_591 = arith.constant 432 : index
      %get3A_592 = tpu.vector_load %arg10[%get3A_590, %get3A_591] {strides = array<i32>} : memref<8x512xf32, #tpu.memory_space<vmem>>, vector<1x16xf32>,
      %get3A_593 = vector.shape_cast %get3A_592 : vector<1x16xf32> to vector<16xf32>
      %mul3A_594 = arith.mulf %get3A_593, %scan3A_398#3 : vector<16xf32>
      %add3A_595 = arith.addf %add3A_588, %mul3A_594 : vector<16xf32>
      %get3A_596 = arith.constant 1 : i32
      %get3A_597 = arith.index_cast %get3A_596 : i32 to index
      %get3A_598 = arith.constant 448 : index
      %get3A_599 = tpu.vector_load %arg10[%get3A_597, %get3A_598] {strides = array<i32>} : memref<8x512xf32, #tpu.memory_space<vmem>>, vector<1x16xf32>,
      %get3A_600 = vector.shape_cast %get3A_599 : vector<1x16xf32> to vector<16xf32>
      %mul3A_601 = arith.mulf %get3A_600, %scan3A_398#0 : vector<16xf32>
      %add3A_602 = arith.addf %add3A_393, %mul3A_601 : vector<16xf32>
      %get3A_603 = arith.constant 1 : i32
      %get3A_604 = arith.index_cast %get3A_603 : i32 to index
      %get3A_605 = arith.constant 464 : index
      %get3A_606 = tpu.vector_load %arg10[%get3A_604, %get3A_605] {strides = array<i32>} : memref<8x512xf32, #tpu.memory_space<vmem>>, vector<1x16xf32>,
      %get3A_607 = vector.shape_cast %get3A_606 : vector<1x16xf32> to vector<16xf32>
      %mul3A_608 = arith.mulf %get3A_607, %scan3A_398#1 : vector<16xf32>
      %add3A_609 = arith.addf %add3A_602, %mul3A_608 : vector<16xf32>
      %get3A_610 = arith.constant 1 : i32
      %get3A_611 = arith.index_cast %get3A_610 : i32 to index
      %get3A_612 = arith.constant 480 : index
      %get3A_613 = tpu.vector_load %arg10[%get3A_611, %get3A_612] {strides = array<i32>} : memref<8x512xf32, #tpu.memory_space<vmem>>, vector<1x16xf32>,
      %get3A_614 = vector.shape_cast %get3A_613 : vector<1x16xf32> to vector<16xf32>
      %mul3A_615 = arith.mulf %get3A_614, %scan3A_398#2 : vector<16xf32>
      %add3A_616 = arith.addf %add3A_609, %mul3A_615 : vector<16xf32>
      %get3A_617 = arith.constant 1 : i32
      %get3A_618 = arith.index_cast %get3A_617 : i32 to index
      %get3A_619 = arith.constant 496 : index
      %get3A_620 = tpu.vector_load %arg10[%get3A_618, %get3A_619] {strides = array<i32>} : memref<8x512xf32, #tpu.memory_space<vmem>>, vector<1x16xf32>,
      %get3A_621 = vector.shape_cast %get3A_620 : vector<1x16xf32> to vector<16xf32>
      %mul3A_622 = arith.mulf %get3A_621, %scan3A_398#3 : vector<16xf32>
      %add3A_623 = arith.addf %add3A_616, %mul3A_622 : vector<16xf32>
      %scan3A_624 = arith.constant 0 : i32
      %scan3A_625 = arith.constant 50 : i32
      %scan3A_626 = arith.addi %scan3A_624, %scan3A_625 : i32
      %scan3A_627 = arith.constant 1 : i32
      %scan3A_628:4 = scf.for %scan3A_2004 = %scan3A_624 to %scan3A_626 step %scan3A_627 iter_args(%scan3A_2005 = %broadcast_in_dim3A_5, %scan3A_2006 = %broadcast_in_dim3A_5, %scan3A_2007 = %broadcast_in_dim3A_5, %scan3A_2008 = %broadcast_in_dim3A_5) -> (vector<16xf32>, vector<16xf32>, vector<16xf32>, vector<16xf32>)  : i32 {
        %add3A_2009 = arith.constant 100 : i32
        %add3A_2010 = arith.addi %add3A_2009, %scan3A_2004 : i32
        %get3A_2011 = arith.index_cast %add3A_2010 : i32 to index
        %get3A_2012 = arith.constant 0 : index
        %get3A_2013 = tpu.vector_load %arg9[%get3A_2011, %get3A_2012] {strides = array<i32>} : memref<400x64xf32, #tpu.memory_space<vmem>>, vector<1x16xf32>,
        %get3A_2014 = vector.shape_cast %get3A_2013 : vector<1x16xf32> to vector<16xf32>
        %add3A_2015 = arith.addf %scan3A_2005, %get3A_2014 : vector<16xf32>
        %get3A_2016 = arith.index_cast %add3A_2010 : i32 to index
        %get3A_2017 = arith.constant 16 : index
        %get3A_2018 = tpu.vector_load %arg9[%get3A_2016, %get3A_2017] {strides = array<i32>} : memref<400x64xf32, #tpu.memory_space<vmem>>, vector<1x16xf32>,
        %get3A_2019 = vector.shape_cast %get3A_2018 : vector<1x16xf32> to vector<16xf32>
        %add3A_2020 = arith.addf %scan3A_2006, %get3A_2019 : vector<16xf32>
        %get3A_2021 = arith.index_cast %add3A_2010 : i32 to index
        %get3A_2022 = arith.constant 32 : index
        %get3A_2023 = tpu.vector_load %arg9[%get3A_2021, %get3A_2022] {strides = array<i32>} : memref<400x64xf32, #tpu.memory_space<vmem>>, vector<1x16xf32>,
        %get3A_2024 = vector.shape_cast %get3A_2023 : vector<1x16xf32> to vector<16xf32>
        %add3A_2025 = arith.addf %scan3A_2007, %get3A_2024 : vector<16xf32>
        %get3A_2026 = arith.index_cast %add3A_2010 : i32 to index
        %get3A_2027 = arith.constant 48 : index
        %get3A_2028 = tpu.vector_load %arg9[%get3A_2026, %get3A_2027] {strides = array<i32>} : memref<400x64xf32, #tpu.memory_space<vmem>>, vector<1x16xf32>,
        %get3A_2029 = vector.shape_cast %get3A_2028 : vector<1x16xf32> to vector<16xf32>
        %add3A_2030 = arith.addf %scan3A_2008, %get3A_2029 : vector<16xf32>
        scf.yield %add3A_2015, %add3A_2020, %add3A_2025, %add3A_2030 : vector<16xf32>, vector<16xf32>, vector<16xf32>, vector<16xf32>
      }
      %scan3A_629 = arith.constant 50 : i32
      %get3A_630 = arith.constant 2 : i32
      %get3A_631 = arith.index_cast %get3A_630 : i32 to index
      %get3A_632 = arith.constant 0 : index
      %get3A_633 = tpu.vector_load %arg10[%get3A_631, %get3A_632] {strides = array<i32>} : memref<8x512xf32, #tpu.memory_space<vmem>>, vector<1x16xf32>,
      %get3A_634 = vector.shape_cast %get3A_633 : vector<1x16xf32> to vector<16xf32>
      %mul3A_635 = arith.mulf %get3A_634, %scan3A_628#0 : vector<16xf32>
      %add3A_636 = arith.addf %add3A_427, %mul3A_635 : vector<16xf32>
      %get3A_637 = arith.constant 2 : i32
      %get3A_638 = arith.index_cast %get3A_637 : i32 to index
      %get3A_639 = arith.constant 16 : index
      %get3A_640 = tpu.vector_load %arg10[%get3A_638, %get3A_639] {strides = array<i32>} : memref<8x512xf32, #tpu.memory_space<vmem>>, vector<1x16xf32>,
      %get3A_641 = vector.shape_cast %get3A_640 : vector<1x16xf32> to vector<16xf32>
      %mul3A_642 = arith.mulf %get3A_641, %scan3A_628#1 : vector<16xf32>
      %add3A_643 = arith.addf %add3A_636, %mul3A_642 : vector<16xf32>
      %get3A_644 = arith.constant 2 : i32
      %get3A_645 = arith.index_cast %get3A_644 : i32 to index
      %get3A_646 = arith.constant 32 : index
      %get3A_647 = tpu.vector_load %arg10[%get3A_645, %get3A_646] {strides = array<i32>} : memref<8x512xf32, #tpu.memory_space<vmem>>, vector<1x16xf32>,
      %get3A_648 = vector.shape_cast %get3A_647 : vector<1x16xf32> to vector<16xf32>
      %mul3A_649 = arith.mulf %get3A_648, %scan3A_628#2 : vector<16xf32>
      %add3A_650 = arith.addf %add3A_643, %mul3A_649 : vector<16xf32>
      %get3A_651 = arith.constant 2 : i32
      %get3A_652 = arith.index_cast %get3A_651 : i32 to index
      %get3A_653 = arith.constant 48 : index
      %get3A_654 = tpu.vector_load %arg10[%get3A_652, %get3A_653] {strides = array<i32>} : memref<8x512xf32, #tpu.memory_space<vmem>>, vector<1x16xf32>,
      %get3A_655 = vector.shape_cast %get3A_654 : vector<1x16xf32> to vector<16xf32>
      %mul3A_656 = arith.mulf %get3A_655, %scan3A_628#3 : vector<16xf32>
      %add3A_657 = arith.addf %add3A_650, %mul3A_656 : vector<16xf32>
      %get3A_658 = arith.constant 2 : i32
      %get3A_659 = arith.index_cast %get3A_658 : i32 to index
      %get3A_660 = arith.constant 64 : index
      %get3A_661 = tpu.vector_load %arg10[%get3A_659, %get3A_660] {strides = array<i32>} : memref<8x512xf32, #tpu.memory_space<vmem>>, vector<1x16xf32>,
      %get3A_662 = vector.shape_cast %get3A_661 : vector<1x16xf32> to vector<16xf32>
      %mul3A_663 = arith.mulf %get3A_662, %scan3A_628#0 : vector<16xf32>
      %add3A_664 = arith.addf %add3A_455, %mul3A_663 : vector<16xf32>
      %get3A_665 = arith.constant 2 : i32
      %get3A_666 = arith.index_cast %get3A_665 : i32 to index
      %get3A_667 = arith.constant 80 : index
      %get3A_668 = tpu.vector_load %arg10[%get3A_666, %get3A_667] {strides = array<i32>} : memref<8x512xf32, #tpu.memory_space<vmem>>, vector<1x16xf32>,
      %get3A_669 = vector.shape_cast %get3A_668 : vector<1x16xf32> to vector<16xf32>
      %mul3A_670 = arith.mulf %get3A_669, %scan3A_628#1 : vector<16xf32>
      %add3A_671 = arith.addf %add3A_664, %mul3A_670 : vector<16xf32>
      %get3A_672 = arith.constant 2 : i32
      %get3A_673 = arith.index_cast %get3A_672 : i32 to index
      %get3A_674 = arith.constant 96 : index
      %get3A_675 = tpu.vector_load %arg10[%get3A_673, %get3A_674] {strides = array<i32>} : memref<8x512xf32, #tpu.memory_space<vmem>>, vector<1x16xf32>,
      %get3A_676 = vector.shape_cast %get3A_675 : vector<1x16xf32> to vector<16xf32>
      %mul3A_677 = arith.mulf %get3A_676, %scan3A_628#2 : vector<16xf32>
      %add3A_678 = arith.addf %add3A_671, %mul3A_677 : vector<16xf32>
      %get3A_679 = arith.constant 2 : i32
      %get3A_680 = arith.index_cast %get3A_679 : i32 to index
      %get3A_681 = arith.constant 112 : index
      %get3A_682 = tpu.vector_load %arg10[%get3A_680, %get3A_681] {strides = array<i32>} : memref<8x512xf32, #tpu.memory_space<vmem>>, vector<1x16xf32>,
      %get3A_683 = vector.shape_cast %get3A_682 : vector<1x16xf32> to vector<16xf32>
      %mul3A_684 = arith.mulf %get3A_683, %scan3A_628#3 : vector<16xf32>
      %add3A_685 = arith.addf %add3A_678, %mul3A_684 : vector<16xf32>
      %get3A_686 = arith.constant 2 : i32
      %get3A_687 = arith.index_cast %get3A_686 : i32 to index
      %get3A_688 = arith.constant 128 : index
      %get3A_689 = tpu.vector_load %arg10[%get3A_687, %get3A_688] {strides = array<i32>} : memref<8x512xf32, #tpu.memory_space<vmem>>, vector<1x16xf32>,
      %get3A_690 = vector.shape_cast %get3A_689 : vector<1x16xf32> to vector<16xf32>
      %mul3A_691 = arith.mulf %get3A_690, %scan3A_628#0 : vector<16xf32>
      %add3A_692 = arith.addf %add3A_483, %mul3A_691 : vector<16xf32>
      %get3A_693 = arith.constant 2 : i32
      %get3A_694 = arith.index_cast %get3A_693 : i32 to index
      %get3A_695 = arith.constant 144 : index
      %get3A_696 = tpu.vector_load %arg10[%get3A_694, %get3A_695] {strides = array<i32>} : memref<8x512xf32, #tpu.memory_space<vmem>>, vector<1x16xf32>,
      %get3A_697 = vector.shape_cast %get3A_696 : vector<1x16xf32> to vector<16xf32>
      %mul3A_698 = arith.mulf %get3A_697, %scan3A_628#1 : vector<16xf32>
      %add3A_699 = arith.addf %add3A_692, %mul3A_698 : vector<16xf32>
      %get3A_700 = arith.constant 2 : i32
      %get3A_701 = arith.index_cast %get3A_700 : i32 to index
      %get3A_702 = arith.constant 160 : index
      %get3A_703 = tpu.vector_load %arg10[%get3A_701, %get3A_702] {strides = array<i32>} : memref<8x512xf32, #tpu.memory_space<vmem>>, vector<1x16xf32>,
      %get3A_704 = vector.shape_cast %get3A_703 : vector<1x16xf32> to vector<16xf32>
      %mul3A_705 = arith.mulf %get3A_704, %scan3A_628#2 : vector<16xf32>
      %add3A_706 = arith.addf %add3A_699, %mul3A_705 : vector<16xf32>
      %get3A_707 = arith.constant 2 : i32
      %get3A_708 = arith.index_cast %get3A_707 : i32 to index
      %get3A_709 = arith.constant 176 : index
      %get3A_710 = tpu.vector_load %arg10[%get3A_708, %get3A_709] {strides = array<i32>} : memref<8x512xf32, #tpu.memory_space<vmem>>, vector<1x16xf32>,
      %get3A_711 = vector.shape_cast %get3A_710 : vector<1x16xf32> to vector<16xf32>
      %mul3A_712 = arith.mulf %get3A_711, %scan3A_628#3 : vector<16xf32>
      %add3A_713 = arith.addf %add3A_706, %mul3A_712 : vector<16xf32>
      %get3A_714 = arith.constant 2 : i32
      %get3A_715 = arith.index_cast %get3A_714 : i32 to index
      %get3A_716 = arith.constant 192 : index
      %get3A_717 = tpu.vector_load %arg10[%get3A_715, %get3A_716] {strides = array<i32>} : memref<8x512xf32, #tpu.memory_space<vmem>>, vector<1x16xf32>,
      %get3A_718 = vector.shape_cast %get3A_717 : vector<1x16xf32> to vector<16xf32>
      %mul3A_719 = arith.mulf %get3A_718, %scan3A_628#0 : vector<16xf32>
      %add3A_720 = arith.addf %add3A_511, %mul3A_719 : vector<16xf32>
      %get3A_721 = arith.constant 2 : i32
      %get3A_722 = arith.index_cast %get3A_721 : i32 to index
      %get3A_723 = arith.constant 208 : index
      %get3A_724 = tpu.vector_load %arg10[%get3A_722, %get3A_723] {strides = array<i32>} : memref<8x512xf32, #tpu.memory_space<vmem>>, vector<1x16xf32>,
      %get3A_725 = vector.shape_cast %get3A_724 : vector<1x16xf32> to vector<16xf32>
      %mul3A_726 = arith.mulf %get3A_725, %scan3A_628#1 : vector<16xf32>
      %add3A_727 = arith.addf %add3A_720, %mul3A_726 : vector<16xf32>
      %get3A_728 = arith.constant 2 : i32
      %get3A_729 = arith.index_cast %get3A_728 : i32 to index
      %get3A_730 = arith.constant 224 : index
      %get3A_731 = tpu.vector_load %arg10[%get3A_729, %get3A_730] {strides = array<i32>} : memref<8x512xf32, #tpu.memory_space<vmem>>, vector<1x16xf32>,
      %get3A_732 = vector.shape_cast %get3A_731 : vector<1x16xf32> to vector<16xf32>
      %mul3A_733 = arith.mulf %get3A_732, %scan3A_628#2 : vector<16xf32>
      %add3A_734 = arith.addf %add3A_727, %mul3A_733 : vector<16xf32>
      %get3A_735 = arith.constant 2 : i32
      %get3A_736 = arith.index_cast %get3A_735 : i32 to index
      %get3A_737 = arith.constant 240 : index
      %get3A_738 = tpu.vector_load %arg10[%get3A_736, %get3A_737] {strides = array<i32>} : memref<8x512xf32, #tpu.memory_space<vmem>>, vector<1x16xf32>,
      %get3A_739 = vector.shape_cast %get3A_738 : vector<1x16xf32> to vector<16xf32>
      %mul3A_740 = arith.mulf %get3A_739, %scan3A_628#3 : vector<16xf32>
      %add3A_741 = arith.addf %add3A_734, %mul3A_740 : vector<16xf32>
      %get3A_742 = arith.constant 2 : i32
      %get3A_743 = arith.index_cast %get3A_742 : i32 to index
      %get3A_744 = arith.constant 256 : index
      %get3A_745 = tpu.vector_load %arg10[%get3A_743, %get3A_744] {strides = array<i32>} : memref<8x512xf32, #tpu.memory_space<vmem>>, vector<1x16xf32>,
      %get3A_746 = vector.shape_cast %get3A_745 : vector<1x16xf32> to vector<16xf32>
      %mul3A_747 = arith.mulf %get3A_746, %scan3A_628#0 : vector<16xf32>
      %add3A_748 = arith.addf %add3A_539, %mul3A_747 : vector<16xf32>
      %get3A_749 = arith.constant 2 : i32
      %get3A_750 = arith.index_cast %get3A_749 : i32 to index
      %get3A_751 = arith.constant 272 : index
      %get3A_752 = tpu.vector_load %arg10[%get3A_750, %get3A_751] {strides = array<i32>} : memref<8x512xf32, #tpu.memory_space<vmem>>, vector<1x16xf32>,
      %get3A_753 = vector.shape_cast %get3A_752 : vector<1x16xf32> to vector<16xf32>
      %mul3A_754 = arith.mulf %get3A_753, %scan3A_628#1 : vector<16xf32>
      %add3A_755 = arith.addf %add3A_748, %mul3A_754 : vector<16xf32>
      %get3A_756 = arith.constant 2 : i32
      %get3A_757 = arith.index_cast %get3A_756 : i32 to index
      %get3A_758 = arith.constant 288 : index
      %get3A_759 = tpu.vector_load %arg10[%get3A_757, %get3A_758] {strides = array<i32>} : memref<8x512xf32, #tpu.memory_space<vmem>>, vector<1x16xf32>,
      %get3A_760 = vector.shape_cast %get3A_759 : vector<1x16xf32> to vector<16xf32>
      %mul3A_761 = arith.mulf %get3A_760, %scan3A_628#2 : vector<16xf32>
      %add3A_762 = arith.addf %add3A_755, %mul3A_761 : vector<16xf32>
      %get3A_763 = arith.constant 2 : i32
      %get3A_764 = arith.index_cast %get3A_763 : i32 to index
      %get3A_765 = arith.constant 304 : index
      %get3A_766 = tpu.vector_load %arg10[%get3A_764, %get3A_765] {strides = array<i32>} : memref<8x512xf32, #tpu.memory_space<vmem>>, vector<1x16xf32>,
      %get3A_767 = vector.shape_cast %get3A_766 : vector<1x16xf32> to vector<16xf32>
      %mul3A_768 = arith.mulf %get3A_767, %scan3A_628#3 : vector<16xf32>
      %add3A_769 = arith.addf %add3A_762, %mul3A_768 : vector<16xf32>
      %get3A_770 = arith.constant 2 : i32
      %get3A_771 = arith.index_cast %get3A_770 : i32 to index
      %get3A_772 = arith.constant 320 : index
      %get3A_773 = tpu.vector_load %arg10[%get3A_771, %get3A_772] {strides = array<i32>} : memref<8x512xf32, #tpu.memory_space<vmem>>, vector<1x16xf32>,
      %get3A_774 = vector.shape_cast %get3A_773 : vector<1x16xf32> to vector<16xf32>
      %mul3A_775 = arith.mulf %get3A_774, %scan3A_628#0 : vector<16xf32>
      %add3A_776 = arith.addf %add3A_567, %mul3A_775 : vector<16xf32>
      %get3A_777 = arith.constant 2 : i32
      %get3A_778 = arith.index_cast %get3A_777 : i32 to index
      %get3A_779 = arith.constant 336 : index
      %get3A_780 = tpu.vector_load %arg10[%get3A_778, %get3A_779] {strides = array<i32>} : memref<8x512xf32, #tpu.memory_space<vmem>>, vector<1x16xf32>,
      %get3A_781 = vector.shape_cast %get3A_780 : vector<1x16xf32> to vector<16xf32>
      %mul3A_782 = arith.mulf %get3A_781, %scan3A_628#1 : vector<16xf32>
      %add3A_783 = arith.addf %add3A_776, %mul3A_782 : vector<16xf32>
      %get3A_784 = arith.constant 2 : i32
      %get3A_785 = arith.index_cast %get3A_784 : i32 to index
      %get3A_786 = arith.constant 352 : index
      %get3A_787 = tpu.vector_load %arg10[%get3A_785, %get3A_786] {strides = array<i32>} : memref<8x512xf32, #tpu.memory_space<vmem>>, vector<1x16xf32>,
      %get3A_788 = vector.shape_cast %get3A_787 : vector<1x16xf32> to vector<16xf32>
      %mul3A_789 = arith.mulf %get3A_788, %scan3A_628#2 : vector<16xf32>
      %add3A_790 = arith.addf %add3A_783, %mul3A_789 : vector<16xf32>
      %get3A_791 = arith.constant 2 : i32
      %get3A_792 = arith.index_cast %get3A_791 : i32 to index
      %get3A_793 = arith.constant 368 : index
      %get3A_794 = tpu.vector_load %arg10[%get3A_792, %get3A_793] {strides = array<i32>} : memref<8x512xf32, #tpu.memory_space<vmem>>, vector<1x16xf32>,
      %get3A_795 = vector.shape_cast %get3A_794 : vector<1x16xf32> to vector<16xf32>
      %mul3A_796 = arith.mulf %get3A_795, %scan3A_628#3 : vector<16xf32>
      %add3A_797 = arith.addf %add3A_790, %mul3A_796 : vector<16xf32>
      %get3A_798 = arith.constant 2 : i32
      %get3A_799 = arith.index_cast %get3A_798 : i32 to index
      %get3A_800 = arith.constant 384 : index
      %get3A_801 = tpu.vector_load %arg10[%get3A_799, %get3A_800] {strides = array<i32>} : memref<8x512xf32, #tpu.memory_space<vmem>>, vector<1x16xf32>,
      %get3A_802 = vector.shape_cast %get3A_801 : vector<1x16xf32> to vector<16xf32>
      %mul3A_803 = arith.mulf %get3A_802, %scan3A_628#0 : vector<16xf32>
      %add3A_804 = arith.addf %add3A_595, %mul3A_803 : vector<16xf32>
      %get3A_805 = arith.constant 2 : i32
      %get3A_806 = arith.index_cast %get3A_805 : i32 to index
      %get3A_807 = arith.constant 400 : index
      %get3A_808 = tpu.vector_load %arg10[%get3A_806, %get3A_807] {strides = array<i32>} : memref<8x512xf32, #tpu.memory_space<vmem>>, vector<1x16xf32>,
      %get3A_809 = vector.shape_cast %get3A_808 : vector<1x16xf32> to vector<16xf32>
      %mul3A_810 = arith.mulf %get3A_809, %scan3A_628#1 : vector<16xf32>
      %add3A_811 = arith.addf %add3A_804, %mul3A_810 : vector<16xf32>
      %get3A_812 = arith.constant 2 : i32
      %get3A_813 = arith.index_cast %get3A_812 : i32 to index
      %get3A_814 = arith.constant 416 : index
      %get3A_815 = tpu.vector_load %arg10[%get3A_813, %get3A_814] {strides = array<i32>} : memref<8x512xf32, #tpu.memory_space<vmem>>, vector<1x16xf32>,
      %get3A_816 = vector.shape_cast %get3A_815 : vector<1x16xf32> to vector<16xf32>
      %mul3A_817 = arith.mulf %get3A_816, %scan3A_628#2 : vector<16xf32>
      %add3A_818 = arith.addf %add3A_811, %mul3A_817 : vector<16xf32>
      %get3A_819 = arith.constant 2 : i32
      %get3A_820 = arith.index_cast %get3A_819 : i32 to index
      %get3A_821 = arith.constant 432 : index
      %get3A_822 = tpu.vector_load %arg10[%get3A_820, %get3A_821] {strides = array<i32>} : memref<8x512xf32, #tpu.memory_space<vmem>>, vector<1x16xf32>,
      %get3A_823 = vector.shape_cast %get3A_822 : vector<1x16xf32> to vector<16xf32>
      %mul3A_824 = arith.mulf %get3A_823, %scan3A_628#3 : vector<16xf32>
      %add3A_825 = arith.addf %add3A_818, %mul3A_824 : vector<16xf32>
      %get3A_826 = arith.constant 2 : i32
      %get3A_827 = arith.index_cast %get3A_826 : i32 to index
      %get3A_828 = arith.constant 448 : index
      %get3A_829 = tpu.vector_load %arg10[%get3A_827, %get3A_828] {strides = array<i32>} : memref<8x512xf32, #tpu.memory_space<vmem>>, vector<1x16xf32>,
      %get3A_830 = vector.shape_cast %get3A_829 : vector<1x16xf32> to vector<16xf32>
      %mul3A_831 = arith.mulf %get3A_830, %scan3A_628#0 : vector<16xf32>
      %add3A_832 = arith.addf %add3A_623, %mul3A_831 : vector<16xf32>
      %get3A_833 = arith.constant 2 : i32
      %get3A_834 = arith.index_cast %get3A_833 : i32 to index
      %get3A_835 = arith.constant 464 : index
      %get3A_836 = tpu.vector_load %arg10[%get3A_834, %get3A_835] {strides = array<i32>} : memref<8x512xf32, #tpu.memory_space<vmem>>, vector<1x16xf32>,
      %get3A_837 = vector.shape_cast %get3A_836 : vector<1x16xf32> to vector<16xf32>
      %mul3A_838 = arith.mulf %get3A_837, %scan3A_628#1 : vector<16xf32>
      %add3A_839 = arith.addf %add3A_832, %mul3A_838 : vector<16xf32>
      %get3A_840 = arith.constant 2 : i32
      %get3A_841 = arith.index_cast %get3A_840 : i32 to index
      %get3A_842 = arith.constant 480 : index
      %get3A_843 = tpu.vector_load %arg10[%get3A_841, %get3A_842] {strides = array<i32>} : memref<8x512xf32, #tpu.memory_space<vmem>>, vector<1x16xf32>,
      %get3A_844 = vector.shape_cast %get3A_843 : vector<1x16xf32> to vector<16xf32>
      %mul3A_845 = arith.mulf %get3A_844, %scan3A_628#2 : vector<16xf32>
      %add3A_846 = arith.addf %add3A_839, %mul3A_845 : vector<16xf32>
      %get3A_847 = arith.constant 2 : i32
      %get3A_848 = arith.index_cast %get3A_847 : i32 to index
      %get3A_849 = arith.constant 496 : index
      %get3A_850 = tpu.vector_load %arg10[%get3A_848, %get3A_849] {strides = array<i32>} : memref<8x512xf32, #tpu.memory_space<vmem>>, vector<1x16xf32>,
      %get3A_851 = vector.shape_cast %get3A_850 : vector<1x16xf32> to vector<16xf32>
      %mul3A_852 = arith.mulf %get3A_851, %scan3A_628#3 : vector<16xf32>
      %add3A_853 = arith.addf %add3A_846, %mul3A_852 : vector<16xf32>
      %scan3A_854 = arith.constant 0 : i32
      %scan3A_855 = arith.constant 50 : i32
      %scan3A_856 = arith.addi %scan3A_854, %scan3A_855 : i32
      %scan3A_857 = arith.constant 1 : i32
      %scan3A_858:4 = scf.for %scan3A_2004 = %scan3A_854 to %scan3A_856 step %scan3A_857 iter_args(%scan3A_2005 = %broadcast_in_dim3A_5, %scan3A_2006 = %broadcast_in_dim3A_5, %scan3A_2007 = %broadcast_in_dim3A_5, %scan3A_2008 = %broadcast_in_dim3A_5) -> (vector<16xf32>, vector<16xf32>, vector<16xf32>, vector<16xf32>)  : i32 {
        %add3A_2009 = arith.constant 150 : i32
        %add3A_2010 = arith.addi %add3A_2009, %scan3A_2004 : i32
        %get3A_2011 = arith.index_cast %add3A_2010 : i32 to index
        %get3A_2012 = arith.constant 0 : index
        %get3A_2013 = tpu.vector_load %arg9[%get3A_2011, %get3A_2012] {strides = array<i32>} : memref<400x64xf32, #tpu.memory_space<vmem>>, vector<1x16xf32>,
        %get3A_2014 = vector.shape_cast %get3A_2013 : vector<1x16xf32> to vector<16xf32>
        %add3A_2015 = arith.addf %scan3A_2005, %get3A_2014 : vector<16xf32>
        %get3A_2016 = arith.index_cast %add3A_2010 : i32 to index
        %get3A_2017 = arith.constant 16 : index
        %get3A_2018 = tpu.vector_load %arg9[%get3A_2016, %get3A_2017] {strides = array<i32>} : memref<400x64xf32, #tpu.memory_space<vmem>>, vector<1x16xf32>,
        %get3A_2019 = vector.shape_cast %get3A_2018 : vector<1x16xf32> to vector<16xf32>
        %add3A_2020 = arith.addf %scan3A_2006, %get3A_2019 : vector<16xf32>
        %get3A_2021 = arith.index_cast %add3A_2010 : i32 to index
        %get3A_2022 = arith.constant 32 : index
        %get3A_2023 = tpu.vector_load %arg9[%get3A_2021, %get3A_2022] {strides = array<i32>} : memref<400x64xf32, #tpu.memory_space<vmem>>, vector<1x16xf32>,
        %get3A_2024 = vector.shape_cast %get3A_2023 : vector<1x16xf32> to vector<16xf32>
        %add3A_2025 = arith.addf %scan3A_2007, %get3A_2024 : vector<16xf32>
        %get3A_2026 = arith.index_cast %add3A_2010 : i32 to index
        %get3A_2027 = arith.constant 48 : index
        %get3A_2028 = tpu.vector_load %arg9[%get3A_2026, %get3A_2027] {strides = array<i32>} : memref<400x64xf32, #tpu.memory_space<vmem>>, vector<1x16xf32>,
        %get3A_2029 = vector.shape_cast %get3A_2028 : vector<1x16xf32> to vector<16xf32>
        %add3A_2030 = arith.addf %scan3A_2008, %get3A_2029 : vector<16xf32>
        scf.yield %add3A_2015, %add3A_2020, %add3A_2025, %add3A_2030 : vector<16xf32>, vector<16xf32>, vector<16xf32>, vector<16xf32>
      }
      %scan3A_859 = arith.constant 50 : i32
      %get3A_860 = arith.constant 3 : i32
      %get3A_861 = arith.index_cast %get3A_860 : i32 to index
      %get3A_862 = arith.constant 0 : index
      %get3A_863 = tpu.vector_load %arg10[%get3A_861, %get3A_862] {strides = array<i32>} : memref<8x512xf32, #tpu.memory_space<vmem>>, vector<1x16xf32>,
      %get3A_864 = vector.shape_cast %get3A_863 : vector<1x16xf32> to vector<16xf32>
      %mul3A_865 = arith.mulf %get3A_864, %scan3A_858#0 : vector<16xf32>
      %add3A_866 = arith.addf %add3A_657, %mul3A_865 : vector<16xf32>
      %get3A_867 = arith.constant 3 : i32
      %get3A_868 = arith.index_cast %get3A_867 : i32 to index
      %get3A_869 = arith.constant 16 : index
      %get3A_870 = tpu.vector_load %arg10[%get3A_868, %get3A_869] {strides = array<i32>} : memref<8x512xf32, #tpu.memory_space<vmem>>, vector<1x16xf32>,
      %get3A_871 = vector.shape_cast %get3A_870 : vector<1x16xf32> to vector<16xf32>
      %mul3A_872 = arith.mulf %get3A_871, %scan3A_858#1 : vector<16xf32>
      %add3A_873 = arith.addf %add3A_866, %mul3A_872 : vector<16xf32>
      %get3A_874 = arith.constant 3 : i32
      %get3A_875 = arith.index_cast %get3A_874 : i32 to index
      %get3A_876 = arith.constant 32 : index
      %get3A_877 = tpu.vector_load %arg10[%get3A_875, %get3A_876] {strides = array<i32>} : memref<8x512xf32, #tpu.memory_space<vmem>>, vector<1x16xf32>,
      %get3A_878 = vector.shape_cast %get3A_877 : vector<1x16xf32> to vector<16xf32>
      %mul3A_879 = arith.mulf %get3A_878, %scan3A_858#2 : vector<16xf32>
      %add3A_880 = arith.addf %add3A_873, %mul3A_879 : vector<16xf32>
      %get3A_881 = arith.constant 3 : i32
      %get3A_882 = arith.index_cast %get3A_881 : i32 to index
      %get3A_883 = arith.constant 48 : index
      %get3A_884 = tpu.vector_load %arg10[%get3A_882, %get3A_883] {strides = array<i32>} : memref<8x512xf32, #tpu.memory_space<vmem>>, vector<1x16xf32>,
      %get3A_885 = vector.shape_cast %get3A_884 : vector<1x16xf32> to vector<16xf32>
      %mul3A_886 = arith.mulf %get3A_885, %scan3A_858#3 : vector<16xf32>
      %add3A_887 = arith.addf %add3A_880, %mul3A_886 : vector<16xf32>
      %get3A_888 = arith.constant 3 : i32
      %get3A_889 = arith.index_cast %get3A_888 : i32 to index
      %get3A_890 = arith.constant 64 : index
      %get3A_891 = tpu.vector_load %arg10[%get3A_889, %get3A_890] {strides = array<i32>} : memref<8x512xf32, #tpu.memory_space<vmem>>, vector<1x16xf32>,
      %get3A_892 = vector.shape_cast %get3A_891 : vector<1x16xf32> to vector<16xf32>
      %mul3A_893 = arith.mulf %get3A_892, %scan3A_858#0 : vector<16xf32>
      %add3A_894 = arith.addf %add3A_685, %mul3A_893 : vector<16xf32>
      %get3A_895 = arith.constant 3 : i32
      %get3A_896 = arith.index_cast %get3A_895 : i32 to index
      %get3A_897 = arith.constant 80 : index
      %get3A_898 = tpu.vector_load %arg10[%get3A_896, %get3A_897] {strides = array<i32>} : memref<8x512xf32, #tpu.memory_space<vmem>>, vector<1x16xf32>,
      %get3A_899 = vector.shape_cast %get3A_898 : vector<1x16xf32> to vector<16xf32>
      %mul3A_900 = arith.mulf %get3A_899, %scan3A_858#1 : vector<16xf32>
      %add3A_901 = arith.addf %add3A_894, %mul3A_900 : vector<16xf32>
      %get3A_902 = arith.constant 3 : i32
      %get3A_903 = arith.index_cast %get3A_902 : i32 to index
      %get3A_904 = arith.constant 96 : index
      %get3A_905 = tpu.vector_load %arg10[%get3A_903, %get3A_904] {strides = array<i32>} : memref<8x512xf32, #tpu.memory_space<vmem>>, vector<1x16xf32>,
      %get3A_906 = vector.shape_cast %get3A_905 : vector<1x16xf32> to vector<16xf32>
      %mul3A_907 = arith.mulf %get3A_906, %scan3A_858#2 : vector<16xf32>
      %add3A_908 = arith.addf %add3A_901, %mul3A_907 : vector<16xf32>
      %get3A_909 = arith.constant 3 : i32
      %get3A_910 = arith.index_cast %get3A_909 : i32 to index
      %get3A_911 = arith.constant 112 : index
      %get3A_912 = tpu.vector_load %arg10[%get3A_910, %get3A_911] {strides = array<i32>} : memref<8x512xf32, #tpu.memory_space<vmem>>, vector<1x16xf32>,
      %get3A_913 = vector.shape_cast %get3A_912 : vector<1x16xf32> to vector<16xf32>
      %mul3A_914 = arith.mulf %get3A_913, %scan3A_858#3 : vector<16xf32>
      %add3A_915 = arith.addf %add3A_908, %mul3A_914 : vector<16xf32>
      %get3A_916 = arith.constant 3 : i32
      %get3A_917 = arith.index_cast %get3A_916 : i32 to index
      %get3A_918 = arith.constant 128 : index
      %get3A_919 = tpu.vector_load %arg10[%get3A_917, %get3A_918] {strides = array<i32>} : memref<8x512xf32, #tpu.memory_space<vmem>>, vector<1x16xf32>,
      %get3A_920 = vector.shape_cast %get3A_919 : vector<1x16xf32> to vector<16xf32>
      %mul3A_921 = arith.mulf %get3A_920, %scan3A_858#0 : vector<16xf32>
      %add3A_922 = arith.addf %add3A_713, %mul3A_921 : vector<16xf32>
      %get3A_923 = arith.constant 3 : i32
      %get3A_924 = arith.index_cast %get3A_923 : i32 to index
      %get3A_925 = arith.constant 144 : index
      %get3A_926 = tpu.vector_load %arg10[%get3A_924, %get3A_925] {strides = array<i32>} : memref<8x512xf32, #tpu.memory_space<vmem>>, vector<1x16xf32>,
      %get3A_927 = vector.shape_cast %get3A_926 : vector<1x16xf32> to vector<16xf32>
      %mul3A_928 = arith.mulf %get3A_927, %scan3A_858#1 : vector<16xf32>
      %add3A_929 = arith.addf %add3A_922, %mul3A_928 : vector<16xf32>
      %get3A_930 = arith.constant 3 : i32
      %get3A_931 = arith.index_cast %get3A_930 : i32 to index
      %get3A_932 = arith.constant 160 : index
      %get3A_933 = tpu.vector_load %arg10[%get3A_931, %get3A_932] {strides = array<i32>} : memref<8x512xf32, #tpu.memory_space<vmem>>, vector<1x16xf32>,
      %get3A_934 = vector.shape_cast %get3A_933 : vector<1x16xf32> to vector<16xf32>
      %mul3A_935 = arith.mulf %get3A_934, %scan3A_858#2 : vector<16xf32>
      %add3A_936 = arith.addf %add3A_929, %mul3A_935 : vector<16xf32>
      %get3A_937 = arith.constant 3 : i32
      %get3A_938 = arith.index_cast %get3A_937 : i32 to index
      %get3A_939 = arith.constant 176 : index
      %get3A_940 = tpu.vector_load %arg10[%get3A_938, %get3A_939] {strides = array<i32>} : memref<8x512xf32, #tpu.memory_space<vmem>>, vector<1x16xf32>,
      %get3A_941 = vector.shape_cast %get3A_940 : vector<1x16xf32> to vector<16xf32>
      %mul3A_942 = arith.mulf %get3A_941, %scan3A_858#3 : vector<16xf32>
      %add3A_943 = arith.addf %add3A_936, %mul3A_942 : vector<16xf32>
      %get3A_944 = arith.constant 3 : i32
      %get3A_945 = arith.index_cast %get3A_944 : i32 to index
      %get3A_946 = arith.constant 192 : index
      %get3A_947 = tpu.vector_load %arg10[%get3A_945, %get3A_946] {strides = array<i32>} : memref<8x512xf32, #tpu.memory_space<vmem>>, vector<1x16xf32>,
      %get3A_948 = vector.shape_cast %get3A_947 : vector<1x16xf32> to vector<16xf32>
      %mul3A_949 = arith.mulf %get3A_948, %scan3A_858#0 : vector<16xf32>
      %add3A_950 = arith.addf %add3A_741, %mul3A_949 : vector<16xf32>
      %get3A_951 = arith.constant 3 : i32
      %get3A_952 = arith.index_cast %get3A_951 : i32 to index
      %get3A_953 = arith.constant 208 : index
      %get3A_954 = tpu.vector_load %arg10[%get3A_952, %get3A_953] {strides = array<i32>} : memref<8x512xf32, #tpu.memory_space<vmem>>, vector<1x16xf32>,
      %get3A_955 = vector.shape_cast %get3A_954 : vector<1x16xf32> to vector<16xf32>
      %mul3A_956 = arith.mulf %get3A_955, %scan3A_858#1 : vector<16xf32>
      %add3A_957 = arith.addf %add3A_950, %mul3A_956 : vector<16xf32>
      %get3A_958 = arith.constant 3 : i32
      %get3A_959 = arith.index_cast %get3A_958 : i32 to index
      %get3A_960 = arith.constant 224 : index
      %get3A_961 = tpu.vector_load %arg10[%get3A_959, %get3A_960] {strides = array<i32>} : memref<8x512xf32, #tpu.memory_space<vmem>>, vector<1x16xf32>,
      %get3A_962 = vector.shape_cast %get3A_961 : vector<1x16xf32> to vector<16xf32>
      %mul3A_963 = arith.mulf %get3A_962, %scan3A_858#2 : vector<16xf32>
      %add3A_964 = arith.addf %add3A_957, %mul3A_963 : vector<16xf32>
      %get3A_965 = arith.constant 3 : i32
      %get3A_966 = arith.index_cast %get3A_965 : i32 to index
      %get3A_967 = arith.constant 240 : index
      %get3A_968 = tpu.vector_load %arg10[%get3A_966, %get3A_967] {strides = array<i32>} : memref<8x512xf32, #tpu.memory_space<vmem>>, vector<1x16xf32>,
      %get3A_969 = vector.shape_cast %get3A_968 : vector<1x16xf32> to vector<16xf32>
      %mul3A_970 = arith.mulf %get3A_969, %scan3A_858#3 : vector<16xf32>
      %add3A_971 = arith.addf %add3A_964, %mul3A_970 : vector<16xf32>
      %get3A_972 = arith.constant 3 : i32
      %get3A_973 = arith.index_cast %get3A_972 : i32 to index
      %get3A_974 = arith.constant 256 : index
      %get3A_975 = tpu.vector_load %arg10[%get3A_973, %get3A_974] {strides = array<i32>} : memref<8x512xf32, #tpu.memory_space<vmem>>, vector<1x16xf32>,
      %get3A_976 = vector.shape_cast %get3A_975 : vector<1x16xf32> to vector<16xf32>
      %mul3A_977 = arith.mulf %get3A_976, %scan3A_858#0 : vector<16xf32>
      %add3A_978 = arith.addf %add3A_769, %mul3A_977 : vector<16xf32>
      %get3A_979 = arith.constant 3 : i32
      %get3A_980 = arith.index_cast %get3A_979 : i32 to index
      %get3A_981 = arith.constant 272 : index
      %get3A_982 = tpu.vector_load %arg10[%get3A_980, %get3A_981] {strides = array<i32>} : memref<8x512xf32, #tpu.memory_space<vmem>>, vector<1x16xf32>,
      %get3A_983 = vector.shape_cast %get3A_982 : vector<1x16xf32> to vector<16xf32>
      %mul3A_984 = arith.mulf %get3A_983, %scan3A_858#1 : vector<16xf32>
      %add3A_985 = arith.addf %add3A_978, %mul3A_984 : vector<16xf32>
      %get3A_986 = arith.constant 3 : i32
      %get3A_987 = arith.index_cast %get3A_986 : i32 to index
      %get3A_988 = arith.constant 288 : index
      %get3A_989 = tpu.vector_load %arg10[%get3A_987, %get3A_988] {strides = array<i32>} : memref<8x512xf32, #tpu.memory_space<vmem>>, vector<1x16xf32>,
      %get3A_990 = vector.shape_cast %get3A_989 : vector<1x16xf32> to vector<16xf32>
      %mul3A_991 = arith.mulf %get3A_990, %scan3A_858#2 : vector<16xf32>
      %add3A_992 = arith.addf %add3A_985, %mul3A_991 : vector<16xf32>
      %get3A_993 = arith.constant 3 : i32
      %get3A_994 = arith.index_cast %get3A_993 : i32 to index
      %get3A_995 = arith.constant 304 : index
      %get3A_996 = tpu.vector_load %arg10[%get3A_994, %get3A_995] {strides = array<i32>} : memref<8x512xf32, #tpu.memory_space<vmem>>, vector<1x16xf32>,
      %get3A_997 = vector.shape_cast %get3A_996 : vector<1x16xf32> to vector<16xf32>
      %mul3A_998 = arith.mulf %get3A_997, %scan3A_858#3 : vector<16xf32>
      %add3A_999 = arith.addf %add3A_992, %mul3A_998 : vector<16xf32>
      %get3A_1000 = arith.constant 3 : i32
      %get3A_1001 = arith.index_cast %get3A_1000 : i32 to index
      %get3A_1002 = arith.constant 320 : index
      %get3A_1003 = tpu.vector_load %arg10[%get3A_1001, %get3A_1002] {strides = array<i32>} : memref<8x512xf32, #tpu.memory_space<vmem>>, vector<1x16xf32>,
      %get3A_1004 = vector.shape_cast %get3A_1003 : vector<1x16xf32> to vector<16xf32>
      %mul3A_1005 = arith.mulf %get3A_1004, %scan3A_858#0 : vector<16xf32>
      %add3A_1006 = arith.addf %add3A_797, %mul3A_1005 : vector<16xf32>
      %get3A_1007 = arith.constant 3 : i32
      %get3A_1008 = arith.index_cast %get3A_1007 : i32 to index
      %get3A_1009 = arith.constant 336 : index
      %get3A_1010 = tpu.vector_load %arg10[%get3A_1008, %get3A_1009] {strides = array<i32>} : memref<8x512xf32, #tpu.memory_space<vmem>>, vector<1x16xf32>,
      %get3A_1011 = vector.shape_cast %get3A_1010 : vector<1x16xf32> to vector<16xf32>
      %mul3A_1012 = arith.mulf %get3A_1011, %scan3A_858#1 : vector<16xf32>
      %add3A_1013 = arith.addf %add3A_1006, %mul3A_1012 : vector<16xf32>
      %get3A_1014 = arith.constant 3 : i32
      %get3A_1015 = arith.index_cast %get3A_1014 : i32 to index
      %get3A_1016 = arith.constant 352 : index
      %get3A_1017 = tpu.vector_load %arg10[%get3A_1015, %get3A_1016] {strides = array<i32>} : memref<8x512xf32, #tpu.memory_space<vmem>>, vector<1x16xf32>,
      %get3A_1018 = vector.shape_cast %get3A_1017 : vector<1x16xf32> to vector<16xf32>
      %mul3A_1019 = arith.mulf %get3A_1018, %scan3A_858#2 : vector<16xf32>
      %add3A_1020 = arith.addf %add3A_1013, %mul3A_1019 : vector<16xf32>
      %get3A_1021 = arith.constant 3 : i32
      %get3A_1022 = arith.index_cast %get3A_1021 : i32 to index
      %get3A_1023 = arith.constant 368 : index
      %get3A_1024 = tpu.vector_load %arg10[%get3A_1022, %get3A_1023] {strides = array<i32>} : memref<8x512xf32, #tpu.memory_space<vmem>>, vector<1x16xf32>,
      %get3A_1025 = vector.shape_cast %get3A_1024 : vector<1x16xf32> to vector<16xf32>
      %mul3A_1026 = arith.mulf %get3A_1025, %scan3A_858#3 : vector<16xf32>
      %add3A_1027 = arith.addf %add3A_1020, %mul3A_1026 : vector<16xf32>
      %get3A_1028 = arith.constant 3 : i32
      %get3A_1029 = arith.index_cast %get3A_1028 : i32 to index
      %get3A_1030 = arith.constant 384 : index
      %get3A_1031 = tpu.vector_load %arg10[%get3A_1029, %get3A_1030] {strides = array<i32>} : memref<8x512xf32, #tpu.memory_space<vmem>>, vector<1x16xf32>,
      %get3A_1032 = vector.shape_cast %get3A_1031 : vector<1x16xf32> to vector<16xf32>
      %mul3A_1033 = arith.mulf %get3A_1032, %scan3A_858#0 : vector<16xf32>
      %add3A_1034 = arith.addf %add3A_825, %mul3A_1033 : vector<16xf32>
      %get3A_1035 = arith.constant 3 : i32
      %get3A_1036 = arith.index_cast %get3A_1035 : i32 to index
      %get3A_1037 = arith.constant 400 : index
      %get3A_1038 = tpu.vector_load %arg10[%get3A_1036, %get3A_1037] {strides = array<i32>} : memref<8x512xf32, #tpu.memory_space<vmem>>, vector<1x16xf32>,
      %get3A_1039 = vector.shape_cast %get3A_1038 : vector<1x16xf32> to vector<16xf32>
      %mul3A_1040 = arith.mulf %get3A_1039, %scan3A_858#1 : vector<16xf32>
      %add3A_1041 = arith.addf %add3A_1034, %mul3A_1040 : vector<16xf32>
      %get3A_1042 = arith.constant 3 : i32
      %get3A_1043 = arith.index_cast %get3A_1042 : i32 to index
      %get3A_1044 = arith.constant 416 : index
      %get3A_1045 = tpu.vector_load %arg10[%get3A_1043, %get3A_1044] {strides = array<i32>} : memref<8x512xf32, #tpu.memory_space<vmem>>, vector<1x16xf32>,
      %get3A_1046 = vector.shape_cast %get3A_1045 : vector<1x16xf32> to vector<16xf32>
      %mul3A_1047 = arith.mulf %get3A_1046, %scan3A_858#2 : vector<16xf32>
      %add3A_1048 = arith.addf %add3A_1041, %mul3A_1047 : vector<16xf32>
      %get3A_1049 = arith.constant 3 : i32
      %get3A_1050 = arith.index_cast %get3A_1049 : i32 to index
      %get3A_1051 = arith.constant 432 : index
      %get3A_1052 = tpu.vector_load %arg10[%get3A_1050, %get3A_1051] {strides = array<i32>} : memref<8x512xf32, #tpu.memory_space<vmem>>, vector<1x16xf32>,
      %get3A_1053 = vector.shape_cast %get3A_1052 : vector<1x16xf32> to vector<16xf32>
      %mul3A_1054 = arith.mulf %get3A_1053, %scan3A_858#3 : vector<16xf32>
      %add3A_1055 = arith.addf %add3A_1048, %mul3A_1054 : vector<16xf32>
      %get3A_1056 = arith.constant 3 : i32
      %get3A_1057 = arith.index_cast %get3A_1056 : i32 to index
      %get3A_1058 = arith.constant 448 : index
      %get3A_1059 = tpu.vector_load %arg10[%get3A_1057, %get3A_1058] {strides = array<i32>} : memref<8x512xf32, #tpu.memory_space<vmem>>, vector<1x16xf32>,
      %get3A_1060 = vector.shape_cast %get3A_1059 : vector<1x16xf32> to vector<16xf32>
      %mul3A_1061 = arith.mulf %get3A_1060, %scan3A_858#0 : vector<16xf32>
      %add3A_1062 = arith.addf %add3A_853, %mul3A_1061 : vector<16xf32>
      %get3A_1063 = arith.constant 3 : i32
      %get3A_1064 = arith.index_cast %get3A_1063 : i32 to index
      %get3A_1065 = arith.constant 464 : index
      %get3A_1066 = tpu.vector_load %arg10[%get3A_1064, %get3A_1065] {strides = array<i32>} : memref<8x512xf32, #tpu.memory_space<vmem>>, vector<1x16xf32>,
      %get3A_1067 = vector.shape_cast %get3A_1066 : vector<1x16xf32> to vector<16xf32>
      %mul3A_1068 = arith.mulf %get3A_1067, %scan3A_858#1 : vector<16xf32>
      %add3A_1069 = arith.addf %add3A_1062, %mul3A_1068 : vector<16xf32>
      %get3A_1070 = arith.constant 3 : i32
      %get3A_1071 = arith.index_cast %get3A_1070 : i32 to index
      %get3A_1072 = arith.constant 480 : index
      %get3A_1073 = tpu.vector_load %arg10[%get3A_1071, %get3A_1072] {strides = array<i32>} : memref<8x512xf32, #tpu.memory_space<vmem>>, vector<1x16xf32>,
      %get3A_1074 = vector.shape_cast %get3A_1073 : vector<1x16xf32> to vector<16xf32>
      %mul3A_1075 = arith.mulf %get3A_1074, %scan3A_858#2 : vector<16xf32>
      %add3A_1076 = arith.addf %add3A_1069, %mul3A_1075 : vector<16xf32>
      %get3A_1077 = arith.constant 3 : i32
      %get3A_1078 = arith.index_cast %get3A_1077 : i32 to index
      %get3A_1079 = arith.constant 496 : index
      %get3A_1080 = tpu.vector_load %arg10[%get3A_1078, %get3A_1079] {strides = array<i32>} : memref<8x512xf32, #tpu.memory_space<vmem>>, vector<1x16xf32>,
      %get3A_1081 = vector.shape_cast %get3A_1080 : vector<1x16xf32> to vector<16xf32>
      %mul3A_1082 = arith.mulf %get3A_1081, %scan3A_858#3 : vector<16xf32>
      %add3A_1083 = arith.addf %add3A_1076, %mul3A_1082 : vector<16xf32>
      %scan3A_1084 = arith.constant 0 : i32
      %scan3A_1085 = arith.constant 50 : i32
      %scan3A_1086 = arith.addi %scan3A_1084, %scan3A_1085 : i32
      %scan3A_1087 = arith.constant 1 : i32
      %scan3A_1088:4 = scf.for %scan3A_2004 = %scan3A_1084 to %scan3A_1086 step %scan3A_1087 iter_args(%scan3A_2005 = %broadcast_in_dim3A_5, %scan3A_2006 = %broadcast_in_dim3A_5, %scan3A_2007 = %broadcast_in_dim3A_5, %scan3A_2008 = %broadcast_in_dim3A_5) -> (vector<16xf32>, vector<16xf32>, vector<16xf32>, vector<16xf32>)  : i32 {
        %add3A_2009 = arith.constant 200 : i32
        %add3A_2010 = arith.addi %add3A_2009, %scan3A_2004 : i32
        %get3A_2011 = arith.index_cast %add3A_2010 : i32 to index
        %get3A_2012 = arith.constant 0 : index
        %get3A_2013 = tpu.vector_load %arg9[%get3A_2011, %get3A_2012] {strides = array<i32>} : memref<400x64xf32, #tpu.memory_space<vmem>>, vector<1x16xf32>,
        %get3A_2014 = vector.shape_cast %get3A_2013 : vector<1x16xf32> to vector<16xf32>
        %add3A_2015 = arith.addf %scan3A_2005, %get3A_2014 : vector<16xf32>
        %get3A_2016 = arith.index_cast %add3A_2010 : i32 to index
        %get3A_2017 = arith.constant 16 : index
        %get3A_2018 = tpu.vector_load %arg9[%get3A_2016, %get3A_2017] {strides = array<i32>} : memref<400x64xf32, #tpu.memory_space<vmem>>, vector<1x16xf32>,
        %get3A_2019 = vector.shape_cast %get3A_2018 : vector<1x16xf32> to vector<16xf32>
        %add3A_2020 = arith.addf %scan3A_2006, %get3A_2019 : vector<16xf32>
        %get3A_2021 = arith.index_cast %add3A_2010 : i32 to index
        %get3A_2022 = arith.constant 32 : index
        %get3A_2023 = tpu.vector_load %arg9[%get3A_2021, %get3A_2022] {strides = array<i32>} : memref<400x64xf32, #tpu.memory_space<vmem>>, vector<1x16xf32>,
        %get3A_2024 = vector.shape_cast %get3A_2023 : vector<1x16xf32> to vector<16xf32>
        %add3A_2025 = arith.addf %scan3A_2007, %get3A_2024 : vector<16xf32>
        %get3A_2026 = arith.index_cast %add3A_2010 : i32 to index
        %get3A_2027 = arith.constant 48 : index
        %get3A_2028 = tpu.vector_load %arg9[%get3A_2026, %get3A_2027] {strides = array<i32>} : memref<400x64xf32, #tpu.memory_space<vmem>>, vector<1x16xf32>,
        %get3A_2029 = vector.shape_cast %get3A_2028 : vector<1x16xf32> to vector<16xf32>
        %add3A_2030 = arith.addf %scan3A_2008, %get3A_2029 : vector<16xf32>
        scf.yield %add3A_2015, %add3A_2020, %add3A_2025, %add3A_2030 : vector<16xf32>, vector<16xf32>, vector<16xf32>, vector<16xf32>
      }
      %scan3A_1089 = arith.constant 50 : i32
      %get3A_1090 = arith.constant 4 : i32
      %get3A_1091 = arith.index_cast %get3A_1090 : i32 to index
      %get3A_1092 = arith.constant 0 : index
      %get3A_1093 = tpu.vector_load %arg10[%get3A_1091, %get3A_1092] {strides = array<i32>} : memref<8x512xf32, #tpu.memory_space<vmem>>, vector<1x16xf32>,
      %get3A_1094 = vector.shape_cast %get3A_1093 : vector<1x16xf32> to vector<16xf32>
      %mul3A_1095 = arith.mulf %get3A_1094, %scan3A_1088#0 : vector<16xf32>
      %add3A_1096 = arith.addf %add3A_887, %mul3A_1095 : vector<16xf32>
      %get3A_1097 = arith.constant 4 : i32
      %get3A_1098 = arith.index_cast %get3A_1097 : i32 to index
      %get3A_1099 = arith.constant 16 : index
      %get3A_1100 = tpu.vector_load %arg10[%get3A_1098, %get3A_1099] {strides = array<i32>} : memref<8x512xf32, #tpu.memory_space<vmem>>, vector<1x16xf32>,
      %get3A_1101 = vector.shape_cast %get3A_1100 : vector<1x16xf32> to vector<16xf32>
      %mul3A_1102 = arith.mulf %get3A_1101, %scan3A_1088#1 : vector<16xf32>
      %add3A_1103 = arith.addf %add3A_1096, %mul3A_1102 : vector<16xf32>
      %get3A_1104 = arith.constant 4 : i32
      %get3A_1105 = arith.index_cast %get3A_1104 : i32 to index
      %get3A_1106 = arith.constant 32 : index
      %get3A_1107 = tpu.vector_load %arg10[%get3A_1105, %get3A_1106] {strides = array<i32>} : memref<8x512xf32, #tpu.memory_space<vmem>>, vector<1x16xf32>,
      %get3A_1108 = vector.shape_cast %get3A_1107 : vector<1x16xf32> to vector<16xf32>
      %mul3A_1109 = arith.mulf %get3A_1108, %scan3A_1088#2 : vector<16xf32>
      %add3A_1110 = arith.addf %add3A_1103, %mul3A_1109 : vector<16xf32>
      %get3A_1111 = arith.constant 4 : i32
      %get3A_1112 = arith.index_cast %get3A_1111 : i32 to index
      %get3A_1113 = arith.constant 48 : index
      %get3A_1114 = tpu.vector_load %arg10[%get3A_1112, %get3A_1113] {strides = array<i32>} : memref<8x512xf32, #tpu.memory_space<vmem>>, vector<1x16xf32>,
      %get3A_1115 = vector.shape_cast %get3A_1114 : vector<1x16xf32> to vector<16xf32>
      %mul3A_1116 = arith.mulf %get3A_1115, %scan3A_1088#3 : vector<16xf32>
      %add3A_1117 = arith.addf %add3A_1110, %mul3A_1116 : vector<16xf32>
      %get3A_1118 = arith.constant 4 : i32
      %get3A_1119 = arith.index_cast %get3A_1118 : i32 to index
      %get3A_1120 = arith.constant 64 : index
      %get3A_1121 = tpu.vector_load %arg10[%get3A_1119, %get3A_1120] {strides = array<i32>} : memref<8x512xf32, #tpu.memory_space<vmem>>, vector<1x16xf32>,
      %get3A_1122 = vector.shape_cast %get3A_1121 : vector<1x16xf32> to vector<16xf32>
      %mul3A_1123 = arith.mulf %get3A_1122, %scan3A_1088#0 : vector<16xf32>
      %add3A_1124 = arith.addf %add3A_915, %mul3A_1123 : vector<16xf32>
      %get3A_1125 = arith.constant 4 : i32
      %get3A_1126 = arith.index_cast %get3A_1125 : i32 to index
      %get3A_1127 = arith.constant 80 : index
      %get3A_1128 = tpu.vector_load %arg10[%get3A_1126, %get3A_1127] {strides = array<i32>} : memref<8x512xf32, #tpu.memory_space<vmem>>, vector<1x16xf32>,
      %get3A_1129 = vector.shape_cast %get3A_1128 : vector<1x16xf32> to vector<16xf32>
      %mul3A_1130 = arith.mulf %get3A_1129, %scan3A_1088#1 : vector<16xf32>
      %add3A_1131 = arith.addf %add3A_1124, %mul3A_1130 : vector<16xf32>
      %get3A_1132 = arith.constant 4 : i32
      %get3A_1133 = arith.index_cast %get3A_1132 : i32 to index
      %get3A_1134 = arith.constant 96 : index
      %get3A_1135 = tpu.vector_load %arg10[%get3A_1133, %get3A_1134] {strides = array<i32>} : memref<8x512xf32, #tpu.memory_space<vmem>>, vector<1x16xf32>,
      %get3A_1136 = vector.shape_cast %get3A_1135 : vector<1x16xf32> to vector<16xf32>
      %mul3A_1137 = arith.mulf %get3A_1136, %scan3A_1088#2 : vector<16xf32>
      %add3A_1138 = arith.addf %add3A_1131, %mul3A_1137 : vector<16xf32>
      %get3A_1139 = arith.constant 4 : i32
      %get3A_1140 = arith.index_cast %get3A_1139 : i32 to index
      %get3A_1141 = arith.constant 112 : index
      %get3A_1142 = tpu.vector_load %arg10[%get3A_1140, %get3A_1141] {strides = array<i32>} : memref<8x512xf32, #tpu.memory_space<vmem>>, vector<1x16xf32>,
      %get3A_1143 = vector.shape_cast %get3A_1142 : vector<1x16xf32> to vector<16xf32>
      %mul3A_1144 = arith.mulf %get3A_1143, %scan3A_1088#3 : vector<16xf32>
      %add3A_1145 = arith.addf %add3A_1138, %mul3A_1144 : vector<16xf32>
      %get3A_1146 = arith.constant 4 : i32
      %get3A_1147 = arith.index_cast %get3A_1146 : i32 to index
      %get3A_1148 = arith.constant 128 : index
      %get3A_1149 = tpu.vector_load %arg10[%get3A_1147, %get3A_1148] {strides = array<i32>} : memref<8x512xf32, #tpu.memory_space<vmem>>, vector<1x16xf32>,
      %get3A_1150 = vector.shape_cast %get3A_1149 : vector<1x16xf32> to vector<16xf32>
      %mul3A_1151 = arith.mulf %get3A_1150, %scan3A_1088#0 : vector<16xf32>
      %add3A_1152 = arith.addf %add3A_943, %mul3A_1151 : vector<16xf32>
      %get3A_1153 = arith.constant 4 : i32
      %get3A_1154 = arith.index_cast %get3A_1153 : i32 to index
      %get3A_1155 = arith.constant 144 : index
      %get3A_1156 = tpu.vector_load %arg10[%get3A_1154, %get3A_1155] {strides = array<i32>} : memref<8x512xf32, #tpu.memory_space<vmem>>, vector<1x16xf32>,
      %get3A_1157 = vector.shape_cast %get3A_1156 : vector<1x16xf32> to vector<16xf32>
      %mul3A_1158 = arith.mulf %get3A_1157, %scan3A_1088#1 : vector<16xf32>
      %add3A_1159 = arith.addf %add3A_1152, %mul3A_1158 : vector<16xf32>
      %get3A_1160 = arith.constant 4 : i32
      %get3A_1161 = arith.index_cast %get3A_1160 : i32 to index
      %get3A_1162 = arith.constant 160 : index
      %get3A_1163 = tpu.vector_load %arg10[%get3A_1161, %get3A_1162] {strides = array<i32>} : memref<8x512xf32, #tpu.memory_space<vmem>>, vector<1x16xf32>,
      %get3A_1164 = vector.shape_cast %get3A_1163 : vector<1x16xf32> to vector<16xf32>
      %mul3A_1165 = arith.mulf %get3A_1164, %scan3A_1088#2 : vector<16xf32>
      %add3A_1166 = arith.addf %add3A_1159, %mul3A_1165 : vector<16xf32>
      %get3A_1167 = arith.constant 4 : i32
      %get3A_1168 = arith.index_cast %get3A_1167 : i32 to index
      %get3A_1169 = arith.constant 176 : index
      %get3A_1170 = tpu.vector_load %arg10[%get3A_1168, %get3A_1169] {strides = array<i32>} : memref<8x512xf32, #tpu.memory_space<vmem>>, vector<1x16xf32>,
      %get3A_1171 = vector.shape_cast %get3A_1170 : vector<1x16xf32> to vector<16xf32>
      %mul3A_1172 = arith.mulf %get3A_1171, %scan3A_1088#3 : vector<16xf32>
      %add3A_1173 = arith.addf %add3A_1166, %mul3A_1172 : vector<16xf32>
      %get3A_1174 = arith.constant 4 : i32
      %get3A_1175 = arith.index_cast %get3A_1174 : i32 to index
      %get3A_1176 = arith.constant 192 : index
      %get3A_1177 = tpu.vector_load %arg10[%get3A_1175, %get3A_1176] {strides = array<i32>} : memref<8x512xf32, #tpu.memory_space<vmem>>, vector<1x16xf32>,
      %get3A_1178 = vector.shape_cast %get3A_1177 : vector<1x16xf32> to vector<16xf32>
      %mul3A_1179 = arith.mulf %get3A_1178, %scan3A_1088#0 : vector<16xf32>
      %add3A_1180 = arith.addf %add3A_971, %mul3A_1179 : vector<16xf32>
      %get3A_1181 = arith.constant 4 : i32
      %get3A_1182 = arith.index_cast %get3A_1181 : i32 to index
      %get3A_1183 = arith.constant 208 : index
      %get3A_1184 = tpu.vector_load %arg10[%get3A_1182, %get3A_1183] {strides = array<i32>} : memref<8x512xf32, #tpu.memory_space<vmem>>, vector<1x16xf32>,
      %get3A_1185 = vector.shape_cast %get3A_1184 : vector<1x16xf32> to vector<16xf32>
      %mul3A_1186 = arith.mulf %get3A_1185, %scan3A_1088#1 : vector<16xf32>
      %add3A_1187 = arith.addf %add3A_1180, %mul3A_1186 : vector<16xf32>
      %get3A_1188 = arith.constant 4 : i32
      %get3A_1189 = arith.index_cast %get3A_1188 : i32 to index
      %get3A_1190 = arith.constant 224 : index
      %get3A_1191 = tpu.vector_load %arg10[%get3A_1189, %get3A_1190] {strides = array<i32>} : memref<8x512xf32, #tpu.memory_space<vmem>>, vector<1x16xf32>,
      %get3A_1192 = vector.shape_cast %get3A_1191 : vector<1x16xf32> to vector<16xf32>
      %mul3A_1193 = arith.mulf %get3A_1192, %scan3A_1088#2 : vector<16xf32>
      %add3A_1194 = arith.addf %add3A_1187, %mul3A_1193 : vector<16xf32>
      %get3A_1195 = arith.constant 4 : i32
      %get3A_1196 = arith.index_cast %get3A_1195 : i32 to index
      %get3A_1197 = arith.constant 240 : index
      %get3A_1198 = tpu.vector_load %arg10[%get3A_1196, %get3A_1197] {strides = array<i32>} : memref<8x512xf32, #tpu.memory_space<vmem>>, vector<1x16xf32>,
      %get3A_1199 = vector.shape_cast %get3A_1198 : vector<1x16xf32> to vector<16xf32>
      %mul3A_1200 = arith.mulf %get3A_1199, %scan3A_1088#3 : vector<16xf32>
      %add3A_1201 = arith.addf %add3A_1194, %mul3A_1200 : vector<16xf32>
      %get3A_1202 = arith.constant 4 : i32
      %get3A_1203 = arith.index_cast %get3A_1202 : i32 to index
      %get3A_1204 = arith.constant 256 : index
      %get3A_1205 = tpu.vector_load %arg10[%get3A_1203, %get3A_1204] {strides = array<i32>} : memref<8x512xf32, #tpu.memory_space<vmem>>, vector<1x16xf32>,
      %get3A_1206 = vector.shape_cast %get3A_1205 : vector<1x16xf32> to vector<16xf32>
      %mul3A_1207 = arith.mulf %get3A_1206, %scan3A_1088#0 : vector<16xf32>
      %add3A_1208 = arith.addf %add3A_999, %mul3A_1207 : vector<16xf32>
      %get3A_1209 = arith.constant 4 : i32
      %get3A_1210 = arith.index_cast %get3A_1209 : i32 to index
      %get3A_1211 = arith.constant 272 : index
      %get3A_1212 = tpu.vector_load %arg10[%get3A_1210, %get3A_1211] {strides = array<i32>} : memref<8x512xf32, #tpu.memory_space<vmem>>, vector<1x16xf32>,
      %get3A_1213 = vector.shape_cast %get3A_1212 : vector<1x16xf32> to vector<16xf32>
      %mul3A_1214 = arith.mulf %get3A_1213, %scan3A_1088#1 : vector<16xf32>
      %add3A_1215 = arith.addf %add3A_1208, %mul3A_1214 : vector<16xf32>
      %get3A_1216 = arith.constant 4 : i32
      %get3A_1217 = arith.index_cast %get3A_1216 : i32 to index
      %get3A_1218 = arith.constant 288 : index
      %get3A_1219 = tpu.vector_load %arg10[%get3A_1217, %get3A_1218] {strides = array<i32>} : memref<8x512xf32, #tpu.memory_space<vmem>>, vector<1x16xf32>,
      %get3A_1220 = vector.shape_cast %get3A_1219 : vector<1x16xf32> to vector<16xf32>
      %mul3A_1221 = arith.mulf %get3A_1220, %scan3A_1088#2 : vector<16xf32>
      %add3A_1222 = arith.addf %add3A_1215, %mul3A_1221 : vector<16xf32>
      %get3A_1223 = arith.constant 4 : i32
      %get3A_1224 = arith.index_cast %get3A_1223 : i32 to index
      %get3A_1225 = arith.constant 304 : index
      %get3A_1226 = tpu.vector_load %arg10[%get3A_1224, %get3A_1225] {strides = array<i32>} : memref<8x512xf32, #tpu.memory_space<vmem>>, vector<1x16xf32>,
      %get3A_1227 = vector.shape_cast %get3A_1226 : vector<1x16xf32> to vector<16xf32>
      %mul3A_1228 = arith.mulf %get3A_1227, %scan3A_1088#3 : vector<16xf32>
      %add3A_1229 = arith.addf %add3A_1222, %mul3A_1228 : vector<16xf32>
      %get3A_1230 = arith.constant 4 : i32
      %get3A_1231 = arith.index_cast %get3A_1230 : i32 to index
      %get3A_1232 = arith.constant 320 : index
      %get3A_1233 = tpu.vector_load %arg10[%get3A_1231, %get3A_1232] {strides = array<i32>} : memref<8x512xf32, #tpu.memory_space<vmem>>, vector<1x16xf32>,
      %get3A_1234 = vector.shape_cast %get3A_1233 : vector<1x16xf32> to vector<16xf32>
      %mul3A_1235 = arith.mulf %get3A_1234, %scan3A_1088#0 : vector<16xf32>
      %add3A_1236 = arith.addf %add3A_1027, %mul3A_1235 : vector<16xf32>
      %get3A_1237 = arith.constant 4 : i32
      %get3A_1238 = arith.index_cast %get3A_1237 : i32 to index
      %get3A_1239 = arith.constant 336 : index
      %get3A_1240 = tpu.vector_load %arg10[%get3A_1238, %get3A_1239] {strides = array<i32>} : memref<8x512xf32, #tpu.memory_space<vmem>>, vector<1x16xf32>,
      %get3A_1241 = vector.shape_cast %get3A_1240 : vector<1x16xf32> to vector<16xf32>
      %mul3A_1242 = arith.mulf %get3A_1241, %scan3A_1088#1 : vector<16xf32>
      %add3A_1243 = arith.addf %add3A_1236, %mul3A_1242 : vector<16xf32>
      %get3A_1244 = arith.constant 4 : i32
      %get3A_1245 = arith.index_cast %get3A_1244 : i32 to index
      %get3A_1246 = arith.constant 352 : index
      %get3A_1247 = tpu.vector_load %arg10[%get3A_1245, %get3A_1246] {strides = array<i32>} : memref<8x512xf32, #tpu.memory_space<vmem>>, vector<1x16xf32>,
      %get3A_1248 = vector.shape_cast %get3A_1247 : vector<1x16xf32> to vector<16xf32>
      %mul3A_1249 = arith.mulf %get3A_1248, %scan3A_1088#2 : vector<16xf32>
      %add3A_1250 = arith.addf %add3A_1243, %mul3A_1249 : vector<16xf32>
      %get3A_1251 = arith.constant 4 : i32
      %get3A_1252 = arith.index_cast %get3A_1251 : i32 to index
      %get3A_1253 = arith.constant 368 : index
      %get3A_1254 = tpu.vector_load %arg10[%get3A_1252, %get3A_1253] {strides = array<i32>} : memref<8x512xf32, #tpu.memory_space<vmem>>, vector<1x16xf32>,
      %get3A_1255 = vector.shape_cast %get3A_1254 : vector<1x16xf32> to vector<16xf32>
      %mul3A_1256 = arith.mulf %get3A_1255, %scan3A_1088#3 : vector<16xf32>
      %add3A_1257 = arith.addf %add3A_1250, %mul3A_1256 : vector<16xf32>
      %get3A_1258 = arith.constant 4 : i32
      %get3A_1259 = arith.index_cast %get3A_1258 : i32 to index
      %get3A_1260 = arith.constant 384 : index
      %get3A_1261 = tpu.vector_load %arg10[%get3A_1259, %get3A_1260] {strides = array<i32>} : memref<8x512xf32, #tpu.memory_space<vmem>>, vector<1x16xf32>,
      %get3A_1262 = vector.shape_cast %get3A_1261 : vector<1x16xf32> to vector<16xf32>
      %mul3A_1263 = arith.mulf %get3A_1262, %scan3A_1088#0 : vector<16xf32>
      %add3A_1264 = arith.addf %add3A_1055, %mul3A_1263 : vector<16xf32>
      %get3A_1265 = arith.constant 4 : i32
      %get3A_1266 = arith.index_cast %get3A_1265 : i32 to index
      %get3A_1267 = arith.constant 400 : index
      %get3A_1268 = tpu.vector_load %arg10[%get3A_1266, %get3A_1267] {strides = array<i32>} : memref<8x512xf32, #tpu.memory_space<vmem>>, vector<1x16xf32>,
      %get3A_1269 = vector.shape_cast %get3A_1268 : vector<1x16xf32> to vector<16xf32>
      %mul3A_1270 = arith.mulf %get3A_1269, %scan3A_1088#1 : vector<16xf32>
      %add3A_1271 = arith.addf %add3A_1264, %mul3A_1270 : vector<16xf32>
      %get3A_1272 = arith.constant 4 : i32
      %get3A_1273 = arith.index_cast %get3A_1272 : i32 to index
      %get3A_1274 = arith.constant 416 : index
      %get3A_1275 = tpu.vector_load %arg10[%get3A_1273, %get3A_1274] {strides = array<i32>} : memref<8x512xf32, #tpu.memory_space<vmem>>, vector<1x16xf32>,
      %get3A_1276 = vector.shape_cast %get3A_1275 : vector<1x16xf32> to vector<16xf32>
      %mul3A_1277 = arith.mulf %get3A_1276, %scan3A_1088#2 : vector<16xf32>
      %add3A_1278 = arith.addf %add3A_1271, %mul3A_1277 : vector<16xf32>
      %get3A_1279 = arith.constant 4 : i32
      %get3A_1280 = arith.index_cast %get3A_1279 : i32 to index
      %get3A_1281 = arith.constant 432 : index
      %get3A_1282 = tpu.vector_load %arg10[%get3A_1280, %get3A_1281] {strides = array<i32>} : memref<8x512xf32, #tpu.memory_space<vmem>>, vector<1x16xf32>,
      %get3A_1283 = vector.shape_cast %get3A_1282 : vector<1x16xf32> to vector<16xf32>
      %mul3A_1284 = arith.mulf %get3A_1283, %scan3A_1088#3 : vector<16xf32>
      %add3A_1285 = arith.addf %add3A_1278, %mul3A_1284 : vector<16xf32>
      %get3A_1286 = arith.constant 4 : i32
      %get3A_1287 = arith.index_cast %get3A_1286 : i32 to index
      %get3A_1288 = arith.constant 448 : index
      %get3A_1289 = tpu.vector_load %arg10[%get3A_1287, %get3A_1288] {strides = array<i32>} : memref<8x512xf32, #tpu.memory_space<vmem>>, vector<1x16xf32>,
      %get3A_1290 = vector.shape_cast %get3A_1289 : vector<1x16xf32> to vector<16xf32>
      %mul3A_1291 = arith.mulf %get3A_1290, %scan3A_1088#0 : vector<16xf32>
      %add3A_1292 = arith.addf %add3A_1083, %mul3A_1291 : vector<16xf32>
      %get3A_1293 = arith.constant 4 : i32
      %get3A_1294 = arith.index_cast %get3A_1293 : i32 to index
      %get3A_1295 = arith.constant 464 : index
      %get3A_1296 = tpu.vector_load %arg10[%get3A_1294, %get3A_1295] {strides = array<i32>} : memref<8x512xf32, #tpu.memory_space<vmem>>, vector<1x16xf32>,
      %get3A_1297 = vector.shape_cast %get3A_1296 : vector<1x16xf32> to vector<16xf32>
      %mul3A_1298 = arith.mulf %get3A_1297, %scan3A_1088#1 : vector<16xf32>
      %add3A_1299 = arith.addf %add3A_1292, %mul3A_1298 : vector<16xf32>
      %get3A_1300 = arith.constant 4 : i32
      %get3A_1301 = arith.index_cast %get3A_1300 : i32 to index
      %get3A_1302 = arith.constant 480 : index
      %get3A_1303 = tpu.vector_load %arg10[%get3A_1301, %get3A_1302] {strides = array<i32>} : memref<8x512xf32, #tpu.memory_space<vmem>>, vector<1x16xf32>,
      %get3A_1304 = vector.shape_cast %get3A_1303 : vector<1x16xf32> to vector<16xf32>
      %mul3A_1305 = arith.mulf %get3A_1304, %scan3A_1088#2 : vector<16xf32>
      %add3A_1306 = arith.addf %add3A_1299, %mul3A_1305 : vector<16xf32>
      %get3A_1307 = arith.constant 4 : i32
      %get3A_1308 = arith.index_cast %get3A_1307 : i32 to index
      %get3A_1309 = arith.constant 496 : index
      %get3A_1310 = tpu.vector_load %arg10[%get3A_1308, %get3A_1309] {strides = array<i32>} : memref<8x512xf32, #tpu.memory_space<vmem>>, vector<1x16xf32>,
      %get3A_1311 = vector.shape_cast %get3A_1310 : vector<1x16xf32> to vector<16xf32>
      %mul3A_1312 = arith.mulf %get3A_1311, %scan3A_1088#3 : vector<16xf32>
      %add3A_1313 = arith.addf %add3A_1306, %mul3A_1312 : vector<16xf32>
      %scan3A_1314 = arith.constant 0 : i32
      %scan3A_1315 = arith.constant 50 : i32
      %scan3A_1316 = arith.addi %scan3A_1314, %scan3A_1315 : i32
      %scan3A_1317 = arith.constant 1 : i32
      %scan3A_1318:4 = scf.for %scan3A_2004 = %scan3A_1314 to %scan3A_1316 step %scan3A_1317 iter_args(%scan3A_2005 = %broadcast_in_dim3A_5, %scan3A_2006 = %broadcast_in_dim3A_5, %scan3A_2007 = %broadcast_in_dim3A_5, %scan3A_2008 = %broadcast_in_dim3A_5) -> (vector<16xf32>, vector<16xf32>, vector<16xf32>, vector<16xf32>)  : i32 {
        %add3A_2009 = arith.constant 250 : i32
        %add3A_2010 = arith.addi %add3A_2009, %scan3A_2004 : i32
        %get3A_2011 = arith.index_cast %add3A_2010 : i32 to index
        %get3A_2012 = arith.constant 0 : index
        %get3A_2013 = tpu.vector_load %arg9[%get3A_2011, %get3A_2012] {strides = array<i32>} : memref<400x64xf32, #tpu.memory_space<vmem>>, vector<1x16xf32>,
        %get3A_2014 = vector.shape_cast %get3A_2013 : vector<1x16xf32> to vector<16xf32>
        %add3A_2015 = arith.addf %scan3A_2005, %get3A_2014 : vector<16xf32>
        %get3A_2016 = arith.index_cast %add3A_2010 : i32 to index
        %get3A_2017 = arith.constant 16 : index
        %get3A_2018 = tpu.vector_load %arg9[%get3A_2016, %get3A_2017] {strides = array<i32>} : memref<400x64xf32, #tpu.memory_space<vmem>>, vector<1x16xf32>,
        %get3A_2019 = vector.shape_cast %get3A_2018 : vector<1x16xf32> to vector<16xf32>
        %add3A_2020 = arith.addf %scan3A_2006, %get3A_2019 : vector<16xf32>
        %get3A_2021 = arith.index_cast %add3A_2010 : i32 to index
        %get3A_2022 = arith.constant 32 : index
        %get3A_2023 = tpu.vector_load %arg9[%get3A_2021, %get3A_2022] {strides = array<i32>} : memref<400x64xf32, #tpu.memory_space<vmem>>, vector<1x16xf32>,
        %get3A_2024 = vector.shape_cast %get3A_2023 : vector<1x16xf32> to vector<16xf32>
        %add3A_2025 = arith.addf %scan3A_2007, %get3A_2024 : vector<16xf32>
        %get3A_2026 = arith.index_cast %add3A_2010 : i32 to index
        %get3A_2027 = arith.constant 48 : index
        %get3A_2028 = tpu.vector_load %arg9[%get3A_2026, %get3A_2027] {strides = array<i32>} : memref<400x64xf32, #tpu.memory_space<vmem>>, vector<1x16xf32>,
        %get3A_2029 = vector.shape_cast %get3A_2028 : vector<1x16xf32> to vector<16xf32>
        %add3A_2030 = arith.addf %scan3A_2008, %get3A_2029 : vector<16xf32>
        scf.yield %add3A_2015, %add3A_2020, %add3A_2025, %add3A_2030 : vector<16xf32>, vector<16xf32>, vector<16xf32>, vector<16xf32>
      }
      %scan3A_1319 = arith.constant 50 : i32
      %get3A_1320 = arith.constant 5 : i32
      %get3A_1321 = arith.index_cast %get3A_1320 : i32 to index
      %get3A_1322 = arith.constant 0 : index
      %get3A_1323 = tpu.vector_load %arg10[%get3A_1321, %get3A_1322] {strides = array<i32>} : memref<8x512xf32, #tpu.memory_space<vmem>>, vector<1x16xf32>,
      %get3A_1324 = vector.shape_cast %get3A_1323 : vector<1x16xf32> to vector<16xf32>
      %mul3A_1325 = arith.mulf %get3A_1324, %scan3A_1318#0 : vector<16xf32>
      %add3A_1326 = arith.addf %add3A_1117, %mul3A_1325 : vector<16xf32>
      %get3A_1327 = arith.constant 5 : i32
      %get3A_1328 = arith.index_cast %get3A_1327 : i32 to index
      %get3A_1329 = arith.constant 16 : index
      %get3A_1330 = tpu.vector_load %arg10[%get3A_1328, %get3A_1329] {strides = array<i32>} : memref<8x512xf32, #tpu.memory_space<vmem>>, vector<1x16xf32>,
      %get3A_1331 = vector.shape_cast %get3A_1330 : vector<1x16xf32> to vector<16xf32>
      %mul3A_1332 = arith.mulf %get3A_1331, %scan3A_1318#1 : vector<16xf32>
      %add3A_1333 = arith.addf %add3A_1326, %mul3A_1332 : vector<16xf32>
      %get3A_1334 = arith.constant 5 : i32
      %get3A_1335 = arith.index_cast %get3A_1334 : i32 to index
      %get3A_1336 = arith.constant 32 : index
      %get3A_1337 = tpu.vector_load %arg10[%get3A_1335, %get3A_1336] {strides = array<i32>} : memref<8x512xf32, #tpu.memory_space<vmem>>, vector<1x16xf32>,
      %get3A_1338 = vector.shape_cast %get3A_1337 : vector<1x16xf32> to vector<16xf32>
      %mul3A_1339 = arith.mulf %get3A_1338, %scan3A_1318#2 : vector<16xf32>
      %add3A_1340 = arith.addf %add3A_1333, %mul3A_1339 : vector<16xf32>
      %get3A_1341 = arith.constant 5 : i32
      %get3A_1342 = arith.index_cast %get3A_1341 : i32 to index
      %get3A_1343 = arith.constant 48 : index
      %get3A_1344 = tpu.vector_load %arg10[%get3A_1342, %get3A_1343] {strides = array<i32>} : memref<8x512xf32, #tpu.memory_space<vmem>>, vector<1x16xf32>,
      %get3A_1345 = vector.shape_cast %get3A_1344 : vector<1x16xf32> to vector<16xf32>
      %mul3A_1346 = arith.mulf %get3A_1345, %scan3A_1318#3 : vector<16xf32>
      %add3A_1347 = arith.addf %add3A_1340, %mul3A_1346 : vector<16xf32>
      %get3A_1348 = arith.constant 5 : i32
      %get3A_1349 = arith.index_cast %get3A_1348 : i32 to index
      %get3A_1350 = arith.constant 64 : index
      %get3A_1351 = tpu.vector_load %arg10[%get3A_1349, %get3A_1350] {strides = array<i32>} : memref<8x512xf32, #tpu.memory_space<vmem>>, vector<1x16xf32>,
      %get3A_1352 = vector.shape_cast %get3A_1351 : vector<1x16xf32> to vector<16xf32>
      %mul3A_1353 = arith.mulf %get3A_1352, %scan3A_1318#0 : vector<16xf32>
      %add3A_1354 = arith.addf %add3A_1145, %mul3A_1353 : vector<16xf32>
      %get3A_1355 = arith.constant 5 : i32
      %get3A_1356 = arith.index_cast %get3A_1355 : i32 to index
      %get3A_1357 = arith.constant 80 : index
      %get3A_1358 = tpu.vector_load %arg10[%get3A_1356, %get3A_1357] {strides = array<i32>} : memref<8x512xf32, #tpu.memory_space<vmem>>, vector<1x16xf32>,
      %get3A_1359 = vector.shape_cast %get3A_1358 : vector<1x16xf32> to vector<16xf32>
      %mul3A_1360 = arith.mulf %get3A_1359, %scan3A_1318#1 : vector<16xf32>
      %add3A_1361 = arith.addf %add3A_1354, %mul3A_1360 : vector<16xf32>
      %get3A_1362 = arith.constant 5 : i32
      %get3A_1363 = arith.index_cast %get3A_1362 : i32 to index
      %get3A_1364 = arith.constant 96 : index
      %get3A_1365 = tpu.vector_load %arg10[%get3A_1363, %get3A_1364] {strides = array<i32>} : memref<8x512xf32, #tpu.memory_space<vmem>>, vector<1x16xf32>,
      %get3A_1366 = vector.shape_cast %get3A_1365 : vector<1x16xf32> to vector<16xf32>
      %mul3A_1367 = arith.mulf %get3A_1366, %scan3A_1318#2 : vector<16xf32>
      %add3A_1368 = arith.addf %add3A_1361, %mul3A_1367 : vector<16xf32>
      %get3A_1369 = arith.constant 5 : i32
      %get3A_1370 = arith.index_cast %get3A_1369 : i32 to index
      %get3A_1371 = arith.constant 112 : index
      %get3A_1372 = tpu.vector_load %arg10[%get3A_1370, %get3A_1371] {strides = array<i32>} : memref<8x512xf32, #tpu.memory_space<vmem>>, vector<1x16xf32>,
      %get3A_1373 = vector.shape_cast %get3A_1372 : vector<1x16xf32> to vector<16xf32>
      %mul3A_1374 = arith.mulf %get3A_1373, %scan3A_1318#3 : vector<16xf32>
      %add3A_1375 = arith.addf %add3A_1368, %mul3A_1374 : vector<16xf32>
      %get3A_1376 = arith.constant 5 : i32
      %get3A_1377 = arith.index_cast %get3A_1376 : i32 to index
      %get3A_1378 = arith.constant 128 : index
      %get3A_1379 = tpu.vector_load %arg10[%get3A_1377, %get3A_1378] {strides = array<i32>} : memref<8x512xf32, #tpu.memory_space<vmem>>, vector<1x16xf32>,
      %get3A_1380 = vector.shape_cast %get3A_1379 : vector<1x16xf32> to vector<16xf32>
      %mul3A_1381 = arith.mulf %get3A_1380, %scan3A_1318#0 : vector<16xf32>
      %add3A_1382 = arith.addf %add3A_1173, %mul3A_1381 : vector<16xf32>
      %get3A_1383 = arith.constant 5 : i32
      %get3A_1384 = arith.index_cast %get3A_1383 : i32 to index
      %get3A_1385 = arith.constant 144 : index
      %get3A_1386 = tpu.vector_load %arg10[%get3A_1384, %get3A_1385] {strides = array<i32>} : memref<8x512xf32, #tpu.memory_space<vmem>>, vector<1x16xf32>,
      %get3A_1387 = vector.shape_cast %get3A_1386 : vector<1x16xf32> to vector<16xf32>
      %mul3A_1388 = arith.mulf %get3A_1387, %scan3A_1318#1 : vector<16xf32>
      %add3A_1389 = arith.addf %add3A_1382, %mul3A_1388 : vector<16xf32>
      %get3A_1390 = arith.constant 5 : i32
      %get3A_1391 = arith.index_cast %get3A_1390 : i32 to index
      %get3A_1392 = arith.constant 160 : index
      %get3A_1393 = tpu.vector_load %arg10[%get3A_1391, %get3A_1392] {strides = array<i32>} : memref<8x512xf32, #tpu.memory_space<vmem>>, vector<1x16xf32>,
      %get3A_1394 = vector.shape_cast %get3A_1393 : vector<1x16xf32> to vector<16xf32>
      %mul3A_1395 = arith.mulf %get3A_1394, %scan3A_1318#2 : vector<16xf32>
      %add3A_1396 = arith.addf %add3A_1389, %mul3A_1395 : vector<16xf32>
      %get3A_1397 = arith.constant 5 : i32
      %get3A_1398 = arith.index_cast %get3A_1397 : i32 to index
      %get3A_1399 = arith.constant 176 : index
      %get3A_1400 = tpu.vector_load %arg10[%get3A_1398, %get3A_1399] {strides = array<i32>} : memref<8x512xf32, #tpu.memory_space<vmem>>, vector<1x16xf32>,
      %get3A_1401 = vector.shape_cast %get3A_1400 : vector<1x16xf32> to vector<16xf32>
      %mul3A_1402 = arith.mulf %get3A_1401, %scan3A_1318#3 : vector<16xf32>
      %add3A_1403 = arith.addf %add3A_1396, %mul3A_1402 : vector<16xf32>
      %get3A_1404 = arith.constant 5 : i32
      %get3A_1405 = arith.index_cast %get3A_1404 : i32 to index
      %get3A_1406 = arith.constant 192 : index
      %get3A_1407 = tpu.vector_load %arg10[%get3A_1405, %get3A_1406] {strides = array<i32>} : memref<8x512xf32, #tpu.memory_space<vmem>>, vector<1x16xf32>,
      %get3A_1408 = vector.shape_cast %get3A_1407 : vector<1x16xf32> to vector<16xf32>
      %mul3A_1409 = arith.mulf %get3A_1408, %scan3A_1318#0 : vector<16xf32>
      %add3A_1410 = arith.addf %add3A_1201, %mul3A_1409 : vector<16xf32>
      %get3A_1411 = arith.constant 5 : i32
      %get3A_1412 = arith.index_cast %get3A_1411 : i32 to index
      %get3A_1413 = arith.constant 208 : index
      %get3A_1414 = tpu.vector_load %arg10[%get3A_1412, %get3A_1413] {strides = array<i32>} : memref<8x512xf32, #tpu.memory_space<vmem>>, vector<1x16xf32>,
      %get3A_1415 = vector.shape_cast %get3A_1414 : vector<1x16xf32> to vector<16xf32>
      %mul3A_1416 = arith.mulf %get3A_1415, %scan3A_1318#1 : vector<16xf32>
      %add3A_1417 = arith.addf %add3A_1410, %mul3A_1416 : vector<16xf32>
      %get3A_1418 = arith.constant 5 : i32
      %get3A_1419 = arith.index_cast %get3A_1418 : i32 to index
      %get3A_1420 = arith.constant 224 : index
      %get3A_1421 = tpu.vector_load %arg10[%get3A_1419, %get3A_1420] {strides = array<i32>} : memref<8x512xf32, #tpu.memory_space<vmem>>, vector<1x16xf32>,
      %get3A_1422 = vector.shape_cast %get3A_1421 : vector<1x16xf32> to vector<16xf32>
      %mul3A_1423 = arith.mulf %get3A_1422, %scan3A_1318#2 : vector<16xf32>
      %add3A_1424 = arith.addf %add3A_1417, %mul3A_1423 : vector<16xf32>
      %get3A_1425 = arith.constant 5 : i32
      %get3A_1426 = arith.index_cast %get3A_1425 : i32 to index
      %get3A_1427 = arith.constant 240 : index
      %get3A_1428 = tpu.vector_load %arg10[%get3A_1426, %get3A_1427] {strides = array<i32>} : memref<8x512xf32, #tpu.memory_space<vmem>>, vector<1x16xf32>,
      %get3A_1429 = vector.shape_cast %get3A_1428 : vector<1x16xf32> to vector<16xf32>
      %mul3A_1430 = arith.mulf %get3A_1429, %scan3A_1318#3 : vector<16xf32>
      %add3A_1431 = arith.addf %add3A_1424, %mul3A_1430 : vector<16xf32>
      %get3A_1432 = arith.constant 5 : i32
      %get3A_1433 = arith.index_cast %get3A_1432 : i32 to index
      %get3A_1434 = arith.constant 256 : index
      %get3A_1435 = tpu.vector_load %arg10[%get3A_1433, %get3A_1434] {strides = array<i32>} : memref<8x512xf32, #tpu.memory_space<vmem>>, vector<1x16xf32>,
      %get3A_1436 = vector.shape_cast %get3A_1435 : vector<1x16xf32> to vector<16xf32>
      %mul3A_1437 = arith.mulf %get3A_1436, %scan3A_1318#0 : vector<16xf32>
      %add3A_1438 = arith.addf %add3A_1229, %mul3A_1437 : vector<16xf32>
      %get3A_1439 = arith.constant 5 : i32
      %get3A_1440 = arith.index_cast %get3A_1439 : i32 to index
      %get3A_1441 = arith.constant 272 : index
      %get3A_1442 = tpu.vector_load %arg10[%get3A_1440, %get3A_1441] {strides = array<i32>} : memref<8x512xf32, #tpu.memory_space<vmem>>, vector<1x16xf32>,
      %get3A_1443 = vector.shape_cast %get3A_1442 : vector<1x16xf32> to vector<16xf32>
      %mul3A_1444 = arith.mulf %get3A_1443, %scan3A_1318#1 : vector<16xf32>
      %add3A_1445 = arith.addf %add3A_1438, %mul3A_1444 : vector<16xf32>
      %get3A_1446 = arith.constant 5 : i32
      %get3A_1447 = arith.index_cast %get3A_1446 : i32 to index
      %get3A_1448 = arith.constant 288 : index
      %get3A_1449 = tpu.vector_load %arg10[%get3A_1447, %get3A_1448] {strides = array<i32>} : memref<8x512xf32, #tpu.memory_space<vmem>>, vector<1x16xf32>,
      %get3A_1450 = vector.shape_cast %get3A_1449 : vector<1x16xf32> to vector<16xf32>
      %mul3A_1451 = arith.mulf %get3A_1450, %scan3A_1318#2 : vector<16xf32>
      %add3A_1452 = arith.addf %add3A_1445, %mul3A_1451 : vector<16xf32>
      %get3A_1453 = arith.constant 5 : i32
      %get3A_1454 = arith.index_cast %get3A_1453 : i32 to index
      %get3A_1455 = arith.constant 304 : index
      %get3A_1456 = tpu.vector_load %arg10[%get3A_1454, %get3A_1455] {strides = array<i32>} : memref<8x512xf32, #tpu.memory_space<vmem>>, vector<1x16xf32>,
      %get3A_1457 = vector.shape_cast %get3A_1456 : vector<1x16xf32> to vector<16xf32>
      %mul3A_1458 = arith.mulf %get3A_1457, %scan3A_1318#3 : vector<16xf32>
      %add3A_1459 = arith.addf %add3A_1452, %mul3A_1458 : vector<16xf32>
      %get3A_1460 = arith.constant 5 : i32
      %get3A_1461 = arith.index_cast %get3A_1460 : i32 to index
      %get3A_1462 = arith.constant 320 : index
      %get3A_1463 = tpu.vector_load %arg10[%get3A_1461, %get3A_1462] {strides = array<i32>} : memref<8x512xf32, #tpu.memory_space<vmem>>, vector<1x16xf32>,
      %get3A_1464 = vector.shape_cast %get3A_1463 : vector<1x16xf32> to vector<16xf32>
      %mul3A_1465 = arith.mulf %get3A_1464, %scan3A_1318#0 : vector<16xf32>
      %add3A_1466 = arith.addf %add3A_1257, %mul3A_1465 : vector<16xf32>
      %get3A_1467 = arith.constant 5 : i32
      %get3A_1468 = arith.index_cast %get3A_1467 : i32 to index
      %get3A_1469 = arith.constant 336 : index
      %get3A_1470 = tpu.vector_load %arg10[%get3A_1468, %get3A_1469] {strides = array<i32>} : memref<8x512xf32, #tpu.memory_space<vmem>>, vector<1x16xf32>,
      %get3A_1471 = vector.shape_cast %get3A_1470 : vector<1x16xf32> to vector<16xf32>
      %mul3A_1472 = arith.mulf %get3A_1471, %scan3A_1318#1 : vector<16xf32>
      %add3A_1473 = arith.addf %add3A_1466, %mul3A_1472 : vector<16xf32>
      %get3A_1474 = arith.constant 5 : i32
      %get3A_1475 = arith.index_cast %get3A_1474 : i32 to index
      %get3A_1476 = arith.constant 352 : index
      %get3A_1477 = tpu.vector_load %arg10[%get3A_1475, %get3A_1476] {strides = array<i32>} : memref<8x512xf32, #tpu.memory_space<vmem>>, vector<1x16xf32>,
      %get3A_1478 = vector.shape_cast %get3A_1477 : vector<1x16xf32> to vector<16xf32>
      %mul3A_1479 = arith.mulf %get3A_1478, %scan3A_1318#2 : vector<16xf32>
      %add3A_1480 = arith.addf %add3A_1473, %mul3A_1479 : vector<16xf32>
      %get3A_1481 = arith.constant 5 : i32
      %get3A_1482 = arith.index_cast %get3A_1481 : i32 to index
      %get3A_1483 = arith.constant 368 : index
      %get3A_1484 = tpu.vector_load %arg10[%get3A_1482, %get3A_1483] {strides = array<i32>} : memref<8x512xf32, #tpu.memory_space<vmem>>, vector<1x16xf32>,
      %get3A_1485 = vector.shape_cast %get3A_1484 : vector<1x16xf32> to vector<16xf32>
      %mul3A_1486 = arith.mulf %get3A_1485, %scan3A_1318#3 : vector<16xf32>
      %add3A_1487 = arith.addf %add3A_1480, %mul3A_1486 : vector<16xf32>
      %get3A_1488 = arith.constant 5 : i32
      %get3A_1489 = arith.index_cast %get3A_1488 : i32 to index
      %get3A_1490 = arith.constant 384 : index
      %get3A_1491 = tpu.vector_load %arg10[%get3A_1489, %get3A_1490] {strides = array<i32>} : memref<8x512xf32, #tpu.memory_space<vmem>>, vector<1x16xf32>,
      %get3A_1492 = vector.shape_cast %get3A_1491 : vector<1x16xf32> to vector<16xf32>
      %mul3A_1493 = arith.mulf %get3A_1492, %scan3A_1318#0 : vector<16xf32>
      %add3A_1494 = arith.addf %add3A_1285, %mul3A_1493 : vector<16xf32>
      %get3A_1495 = arith.constant 5 : i32
      %get3A_1496 = arith.index_cast %get3A_1495 : i32 to index
      %get3A_1497 = arith.constant 400 : index
      %get3A_1498 = tpu.vector_load %arg10[%get3A_1496, %get3A_1497] {strides = array<i32>} : memref<8x512xf32, #tpu.memory_space<vmem>>, vector<1x16xf32>,
      %get3A_1499 = vector.shape_cast %get3A_1498 : vector<1x16xf32> to vector<16xf32>
      %mul3A_1500 = arith.mulf %get3A_1499, %scan3A_1318#1 : vector<16xf32>
      %add3A_1501 = arith.addf %add3A_1494, %mul3A_1500 : vector<16xf32>
      %get3A_1502 = arith.constant 5 : i32
      %get3A_1503 = arith.index_cast %get3A_1502 : i32 to index
      %get3A_1504 = arith.constant 416 : index
      %get3A_1505 = tpu.vector_load %arg10[%get3A_1503, %get3A_1504] {strides = array<i32>} : memref<8x512xf32, #tpu.memory_space<vmem>>, vector<1x16xf32>,
      %get3A_1506 = vector.shape_cast %get3A_1505 : vector<1x16xf32> to vector<16xf32>
      %mul3A_1507 = arith.mulf %get3A_1506, %scan3A_1318#2 : vector<16xf32>
      %add3A_1508 = arith.addf %add3A_1501, %mul3A_1507 : vector<16xf32>
      %get3A_1509 = arith.constant 5 : i32
      %get3A_1510 = arith.index_cast %get3A_1509 : i32 to index
      %get3A_1511 = arith.constant 432 : index
      %get3A_1512 = tpu.vector_load %arg10[%get3A_1510, %get3A_1511] {strides = array<i32>} : memref<8x512xf32, #tpu.memory_space<vmem>>, vector<1x16xf32>,
      %get3A_1513 = vector.shape_cast %get3A_1512 : vector<1x16xf32> to vector<16xf32>
      %mul3A_1514 = arith.mulf %get3A_1513, %scan3A_1318#3 : vector<16xf32>
      %add3A_1515 = arith.addf %add3A_1508, %mul3A_1514 : vector<16xf32>
      %get3A_1516 = arith.constant 5 : i32
      %get3A_1517 = arith.index_cast %get3A_1516 : i32 to index
      %get3A_1518 = arith.constant 448 : index
      %get3A_1519 = tpu.vector_load %arg10[%get3A_1517, %get3A_1518] {strides = array<i32>} : memref<8x512xf32, #tpu.memory_space<vmem>>, vector<1x16xf32>,
      %get3A_1520 = vector.shape_cast %get3A_1519 : vector<1x16xf32> to vector<16xf32>
      %mul3A_1521 = arith.mulf %get3A_1520, %scan3A_1318#0 : vector<16xf32>
      %add3A_1522 = arith.addf %add3A_1313, %mul3A_1521 : vector<16xf32>
      %get3A_1523 = arith.constant 5 : i32
      %get3A_1524 = arith.index_cast %get3A_1523 : i32 to index
      %get3A_1525 = arith.constant 464 : index
      %get3A_1526 = tpu.vector_load %arg10[%get3A_1524, %get3A_1525] {strides = array<i32>} : memref<8x512xf32, #tpu.memory_space<vmem>>, vector<1x16xf32>,
      %get3A_1527 = vector.shape_cast %get3A_1526 : vector<1x16xf32> to vector<16xf32>
      %mul3A_1528 = arith.mulf %get3A_1527, %scan3A_1318#1 : vector<16xf32>
      %add3A_1529 = arith.addf %add3A_1522, %mul3A_1528 : vector<16xf32>
      %get3A_1530 = arith.constant 5 : i32
      %get3A_1531 = arith.index_cast %get3A_1530 : i32 to index
      %get3A_1532 = arith.constant 480 : index
      %get3A_1533 = tpu.vector_load %arg10[%get3A_1531, %get3A_1532] {strides = array<i32>} : memref<8x512xf32, #tpu.memory_space<vmem>>, vector<1x16xf32>,
      %get3A_1534 = vector.shape_cast %get3A_1533 : vector<1x16xf32> to vector<16xf32>
      %mul3A_1535 = arith.mulf %get3A_1534, %scan3A_1318#2 : vector<16xf32>
      %add3A_1536 = arith.addf %add3A_1529, %mul3A_1535 : vector<16xf32>
      %get3A_1537 = arith.constant 5 : i32
      %get3A_1538 = arith.index_cast %get3A_1537 : i32 to index
      %get3A_1539 = arith.constant 496 : index
      %get3A_1540 = tpu.vector_load %arg10[%get3A_1538, %get3A_1539] {strides = array<i32>} : memref<8x512xf32, #tpu.memory_space<vmem>>, vector<1x16xf32>,
      %get3A_1541 = vector.shape_cast %get3A_1540 : vector<1x16xf32> to vector<16xf32>
      %mul3A_1542 = arith.mulf %get3A_1541, %scan3A_1318#3 : vector<16xf32>
      %add3A_1543 = arith.addf %add3A_1536, %mul3A_1542 : vector<16xf32>
      %scan3A_1544 = arith.constant 0 : i32
      %scan3A_1545 = arith.constant 50 : i32
      %scan3A_1546 = arith.addi %scan3A_1544, %scan3A_1545 : i32
      %scan3A_1547 = arith.constant 1 : i32
      %scan3A_1548:4 = scf.for %scan3A_2004 = %scan3A_1544 to %scan3A_1546 step %scan3A_1547 iter_args(%scan3A_2005 = %broadcast_in_dim3A_5, %scan3A_2006 = %broadcast_in_dim3A_5, %scan3A_2007 = %broadcast_in_dim3A_5, %scan3A_2008 = %broadcast_in_dim3A_5) -> (vector<16xf32>, vector<16xf32>, vector<16xf32>, vector<16xf32>)  : i32 {
        %add3A_2009 = arith.constant 300 : i32
        %add3A_2010 = arith.addi %add3A_2009, %scan3A_2004 : i32
        %get3A_2011 = arith.index_cast %add3A_2010 : i32 to index
        %get3A_2012 = arith.constant 0 : index
        %get3A_2013 = tpu.vector_load %arg9[%get3A_2011, %get3A_2012] {strides = array<i32>} : memref<400x64xf32, #tpu.memory_space<vmem>>, vector<1x16xf32>,
        %get3A_2014 = vector.shape_cast %get3A_2013 : vector<1x16xf32> to vector<16xf32>
        %add3A_2015 = arith.addf %scan3A_2005, %get3A_2014 : vector<16xf32>
        %get3A_2016 = arith.index_cast %add3A_2010 : i32 to index
        %get3A_2017 = arith.constant 16 : index
        %get3A_2018 = tpu.vector_load %arg9[%get3A_2016, %get3A_2017] {strides = array<i32>} : memref<400x64xf32, #tpu.memory_space<vmem>>, vector<1x16xf32>,
        %get3A_2019 = vector.shape_cast %get3A_2018 : vector<1x16xf32> to vector<16xf32>
        %add3A_2020 = arith.addf %scan3A_2006, %get3A_2019 : vector<16xf32>
        %get3A_2021 = arith.index_cast %add3A_2010 : i32 to index
        %get3A_2022 = arith.constant 32 : index
        %get3A_2023 = tpu.vector_load %arg9[%get3A_2021, %get3A_2022] {strides = array<i32>} : memref<400x64xf32, #tpu.memory_space<vmem>>, vector<1x16xf32>,
        %get3A_2024 = vector.shape_cast %get3A_2023 : vector<1x16xf32> to vector<16xf32>
        %add3A_2025 = arith.addf %scan3A_2007, %get3A_2024 : vector<16xf32>
        %get3A_2026 = arith.index_cast %add3A_2010 : i32 to index
        %get3A_2027 = arith.constant 48 : index
        %get3A_2028 = tpu.vector_load %arg9[%get3A_2026, %get3A_2027] {strides = array<i32>} : memref<400x64xf32, #tpu.memory_space<vmem>>, vector<1x16xf32>,
        %get3A_2029 = vector.shape_cast %get3A_2028 : vector<1x16xf32> to vector<16xf32>
        %add3A_2030 = arith.addf %scan3A_2008, %get3A_2029 : vector<16xf32>
        scf.yield %add3A_2015, %add3A_2020, %add3A_2025, %add3A_2030 : vector<16xf32>, vector<16xf32>, vector<16xf32>, vector<16xf32>
      }
      %scan3A_1549 = arith.constant 50 : i32
      %get3A_1550 = arith.constant 6 : i32
      %get3A_1551 = arith.index_cast %get3A_1550 : i32 to index
      %get3A_1552 = arith.constant 0 : index
      %get3A_1553 = tpu.vector_load %arg10[%get3A_1551, %get3A_1552] {strides = array<i32>} : memref<8x512xf32, #tpu.memory_space<vmem>>, vector<1x16xf32>,
      %get3A_1554 = vector.shape_cast %get3A_1553 : vector<1x16xf32> to vector<16xf32>
      %mul3A_1555 = arith.mulf %get3A_1554, %scan3A_1548#0 : vector<16xf32>
      %add3A_1556 = arith.addf %add3A_1347, %mul3A_1555 : vector<16xf32>
      %get3A_1557 = arith.constant 6 : i32
      %get3A_1558 = arith.index_cast %get3A_1557 : i32 to index
      %get3A_1559 = arith.constant 16 : index
      %get3A_1560 = tpu.vector_load %arg10[%get3A_1558, %get3A_1559] {strides = array<i32>} : memref<8x512xf32, #tpu.memory_space<vmem>>, vector<1x16xf32>,
      %get3A_1561 = vector.shape_cast %get3A_1560 : vector<1x16xf32> to vector<16xf32>
      %mul3A_1562 = arith.mulf %get3A_1561, %scan3A_1548#1 : vector<16xf32>
      %add3A_1563 = arith.addf %add3A_1556, %mul3A_1562 : vector<16xf32>
      %get3A_1564 = arith.constant 6 : i32
      %get3A_1565 = arith.index_cast %get3A_1564 : i32 to index
      %get3A_1566 = arith.constant 32 : index
      %get3A_1567 = tpu.vector_load %arg10[%get3A_1565, %get3A_1566] {strides = array<i32>} : memref<8x512xf32, #tpu.memory_space<vmem>>, vector<1x16xf32>,
      %get3A_1568 = vector.shape_cast %get3A_1567 : vector<1x16xf32> to vector<16xf32>
      %mul3A_1569 = arith.mulf %get3A_1568, %scan3A_1548#2 : vector<16xf32>
      %add3A_1570 = arith.addf %add3A_1563, %mul3A_1569 : vector<16xf32>
      %get3A_1571 = arith.constant 6 : i32
      %get3A_1572 = arith.index_cast %get3A_1571 : i32 to index
      %get3A_1573 = arith.constant 48 : index
      %get3A_1574 = tpu.vector_load %arg10[%get3A_1572, %get3A_1573] {strides = array<i32>} : memref<8x512xf32, #tpu.memory_space<vmem>>, vector<1x16xf32>,
      %get3A_1575 = vector.shape_cast %get3A_1574 : vector<1x16xf32> to vector<16xf32>
      %mul3A_1576 = arith.mulf %get3A_1575, %scan3A_1548#3 : vector<16xf32>
      %add3A_1577 = arith.addf %add3A_1570, %mul3A_1576 : vector<16xf32>
      %get3A_1578 = arith.constant 6 : i32
      %get3A_1579 = arith.index_cast %get3A_1578 : i32 to index
      %get3A_1580 = arith.constant 64 : index
      %get3A_1581 = tpu.vector_load %arg10[%get3A_1579, %get3A_1580] {strides = array<i32>} : memref<8x512xf32, #tpu.memory_space<vmem>>, vector<1x16xf32>,
      %get3A_1582 = vector.shape_cast %get3A_1581 : vector<1x16xf32> to vector<16xf32>
      %mul3A_1583 = arith.mulf %get3A_1582, %scan3A_1548#0 : vector<16xf32>
      %add3A_1584 = arith.addf %add3A_1375, %mul3A_1583 : vector<16xf32>
      %get3A_1585 = arith.constant 6 : i32
      %get3A_1586 = arith.index_cast %get3A_1585 : i32 to index
      %get3A_1587 = arith.constant 80 : index
      %get3A_1588 = tpu.vector_load %arg10[%get3A_1586, %get3A_1587] {strides = array<i32>} : memref<8x512xf32, #tpu.memory_space<vmem>>, vector<1x16xf32>,
      %get3A_1589 = vector.shape_cast %get3A_1588 : vector<1x16xf32> to vector<16xf32>
      %mul3A_1590 = arith.mulf %get3A_1589, %scan3A_1548#1 : vector<16xf32>
      %add3A_1591 = arith.addf %add3A_1584, %mul3A_1590 : vector<16xf32>
      %get3A_1592 = arith.constant 6 : i32
      %get3A_1593 = arith.index_cast %get3A_1592 : i32 to index
      %get3A_1594 = arith.constant 96 : index
      %get3A_1595 = tpu.vector_load %arg10[%get3A_1593, %get3A_1594] {strides = array<i32>} : memref<8x512xf32, #tpu.memory_space<vmem>>, vector<1x16xf32>,
      %get3A_1596 = vector.shape_cast %get3A_1595 : vector<1x16xf32> to vector<16xf32>
      %mul3A_1597 = arith.mulf %get3A_1596, %scan3A_1548#2 : vector<16xf32>
      %add3A_1598 = arith.addf %add3A_1591, %mul3A_1597 : vector<16xf32>
      %get3A_1599 = arith.constant 6 : i32
      %get3A_1600 = arith.index_cast %get3A_1599 : i32 to index
      %get3A_1601 = arith.constant 112 : index
      %get3A_1602 = tpu.vector_load %arg10[%get3A_1600, %get3A_1601] {strides = array<i32>} : memref<8x512xf32, #tpu.memory_space<vmem>>, vector<1x16xf32>,
      %get3A_1603 = vector.shape_cast %get3A_1602 : vector<1x16xf32> to vector<16xf32>
      %mul3A_1604 = arith.mulf %get3A_1603, %scan3A_1548#3 : vector<16xf32>
      %add3A_1605 = arith.addf %add3A_1598, %mul3A_1604 : vector<16xf32>
      %get3A_1606 = arith.constant 6 : i32
      %get3A_1607 = arith.index_cast %get3A_1606 : i32 to index
      %get3A_1608 = arith.constant 128 : index
      %get3A_1609 = tpu.vector_load %arg10[%get3A_1607, %get3A_1608] {strides = array<i32>} : memref<8x512xf32, #tpu.memory_space<vmem>>, vector<1x16xf32>,
      %get3A_1610 = vector.shape_cast %get3A_1609 : vector<1x16xf32> to vector<16xf32>
      %mul3A_1611 = arith.mulf %get3A_1610, %scan3A_1548#0 : vector<16xf32>
      %add3A_1612 = arith.addf %add3A_1403, %mul3A_1611 : vector<16xf32>
      %get3A_1613 = arith.constant 6 : i32
      %get3A_1614 = arith.index_cast %get3A_1613 : i32 to index
      %get3A_1615 = arith.constant 144 : index
      %get3A_1616 = tpu.vector_load %arg10[%get3A_1614, %get3A_1615] {strides = array<i32>} : memref<8x512xf32, #tpu.memory_space<vmem>>, vector<1x16xf32>,
      %get3A_1617 = vector.shape_cast %get3A_1616 : vector<1x16xf32> to vector<16xf32>
      %mul3A_1618 = arith.mulf %get3A_1617, %scan3A_1548#1 : vector<16xf32>
      %add3A_1619 = arith.addf %add3A_1612, %mul3A_1618 : vector<16xf32>
      %get3A_1620 = arith.constant 6 : i32
      %get3A_1621 = arith.index_cast %get3A_1620 : i32 to index
      %get3A_1622 = arith.constant 160 : index
      %get3A_1623 = tpu.vector_load %arg10[%get3A_1621, %get3A_1622] {strides = array<i32>} : memref<8x512xf32, #tpu.memory_space<vmem>>, vector<1x16xf32>,
      %get3A_1624 = vector.shape_cast %get3A_1623 : vector<1x16xf32> to vector<16xf32>
      %mul3A_1625 = arith.mulf %get3A_1624, %scan3A_1548#2 : vector<16xf32>
      %add3A_1626 = arith.addf %add3A_1619, %mul3A_1625 : vector<16xf32>
      %get3A_1627 = arith.constant 6 : i32
      %get3A_1628 = arith.index_cast %get3A_1627 : i32 to index
      %get3A_1629 = arith.constant 176 : index
      %get3A_1630 = tpu.vector_load %arg10[%get3A_1628, %get3A_1629] {strides = array<i32>} : memref<8x512xf32, #tpu.memory_space<vmem>>, vector<1x16xf32>,
      %get3A_1631 = vector.shape_cast %get3A_1630 : vector<1x16xf32> to vector<16xf32>
      %mul3A_1632 = arith.mulf %get3A_1631, %scan3A_1548#3 : vector<16xf32>
      %add3A_1633 = arith.addf %add3A_1626, %mul3A_1632 : vector<16xf32>
      %get3A_1634 = arith.constant 6 : i32
      %get3A_1635 = arith.index_cast %get3A_1634 : i32 to index
      %get3A_1636 = arith.constant 192 : index
      %get3A_1637 = tpu.vector_load %arg10[%get3A_1635, %get3A_1636] {strides = array<i32>} : memref<8x512xf32, #tpu.memory_space<vmem>>, vector<1x16xf32>,
      %get3A_1638 = vector.shape_cast %get3A_1637 : vector<1x16xf32> to vector<16xf32>
      %mul3A_1639 = arith.mulf %get3A_1638, %scan3A_1548#0 : vector<16xf32>
      %add3A_1640 = arith.addf %add3A_1431, %mul3A_1639 : vector<16xf32>
      %get3A_1641 = arith.constant 6 : i32
      %get3A_1642 = arith.index_cast %get3A_1641 : i32 to index
      %get3A_1643 = arith.constant 208 : index
      %get3A_1644 = tpu.vector_load %arg10[%get3A_1642, %get3A_1643] {strides = array<i32>} : memref<8x512xf32, #tpu.memory_space<vmem>>, vector<1x16xf32>,
      %get3A_1645 = vector.shape_cast %get3A_1644 : vector<1x16xf32> to vector<16xf32>
      %mul3A_1646 = arith.mulf %get3A_1645, %scan3A_1548#1 : vector<16xf32>
      %add3A_1647 = arith.addf %add3A_1640, %mul3A_1646 : vector<16xf32>
      %get3A_1648 = arith.constant 6 : i32
      %get3A_1649 = arith.index_cast %get3A_1648 : i32 to index
      %get3A_1650 = arith.constant 224 : index
      %get3A_1651 = tpu.vector_load %arg10[%get3A_1649, %get3A_1650] {strides = array<i32>} : memref<8x512xf32, #tpu.memory_space<vmem>>, vector<1x16xf32>,
      %get3A_1652 = vector.shape_cast %get3A_1651 : vector<1x16xf32> to vector<16xf32>
      %mul3A_1653 = arith.mulf %get3A_1652, %scan3A_1548#2 : vector<16xf32>
      %add3A_1654 = arith.addf %add3A_1647, %mul3A_1653 : vector<16xf32>
      %get3A_1655 = arith.constant 6 : i32
      %get3A_1656 = arith.index_cast %get3A_1655 : i32 to index
      %get3A_1657 = arith.constant 240 : index
      %get3A_1658 = tpu.vector_load %arg10[%get3A_1656, %get3A_1657] {strides = array<i32>} : memref<8x512xf32, #tpu.memory_space<vmem>>, vector<1x16xf32>,
      %get3A_1659 = vector.shape_cast %get3A_1658 : vector<1x16xf32> to vector<16xf32>
      %mul3A_1660 = arith.mulf %get3A_1659, %scan3A_1548#3 : vector<16xf32>
      %add3A_1661 = arith.addf %add3A_1654, %mul3A_1660 : vector<16xf32>
      %get3A_1662 = arith.constant 6 : i32
      %get3A_1663 = arith.index_cast %get3A_1662 : i32 to index
      %get3A_1664 = arith.constant 256 : index
      %get3A_1665 = tpu.vector_load %arg10[%get3A_1663, %get3A_1664] {strides = array<i32>} : memref<8x512xf32, #tpu.memory_space<vmem>>, vector<1x16xf32>,
      %get3A_1666 = vector.shape_cast %get3A_1665 : vector<1x16xf32> to vector<16xf32>
      %mul3A_1667 = arith.mulf %get3A_1666, %scan3A_1548#0 : vector<16xf32>
      %add3A_1668 = arith.addf %add3A_1459, %mul3A_1667 : vector<16xf32>
      %get3A_1669 = arith.constant 6 : i32
      %get3A_1670 = arith.index_cast %get3A_1669 : i32 to index
      %get3A_1671 = arith.constant 272 : index
      %get3A_1672 = tpu.vector_load %arg10[%get3A_1670, %get3A_1671] {strides = array<i32>} : memref<8x512xf32, #tpu.memory_space<vmem>>, vector<1x16xf32>,
      %get3A_1673 = vector.shape_cast %get3A_1672 : vector<1x16xf32> to vector<16xf32>
      %mul3A_1674 = arith.mulf %get3A_1673, %scan3A_1548#1 : vector<16xf32>
      %add3A_1675 = arith.addf %add3A_1668, %mul3A_1674 : vector<16xf32>
      %get3A_1676 = arith.constant 6 : i32
      %get3A_1677 = arith.index_cast %get3A_1676 : i32 to index
      %get3A_1678 = arith.constant 288 : index
      %get3A_1679 = tpu.vector_load %arg10[%get3A_1677, %get3A_1678] {strides = array<i32>} : memref<8x512xf32, #tpu.memory_space<vmem>>, vector<1x16xf32>,
      %get3A_1680 = vector.shape_cast %get3A_1679 : vector<1x16xf32> to vector<16xf32>
      %mul3A_1681 = arith.mulf %get3A_1680, %scan3A_1548#2 : vector<16xf32>
      %add3A_1682 = arith.addf %add3A_1675, %mul3A_1681 : vector<16xf32>
      %get3A_1683 = arith.constant 6 : i32
      %get3A_1684 = arith.index_cast %get3A_1683 : i32 to index
      %get3A_1685 = arith.constant 304 : index
      %get3A_1686 = tpu.vector_load %arg10[%get3A_1684, %get3A_1685] {strides = array<i32>} : memref<8x512xf32, #tpu.memory_space<vmem>>, vector<1x16xf32>,
      %get3A_1687 = vector.shape_cast %get3A_1686 : vector<1x16xf32> to vector<16xf32>
      %mul3A_1688 = arith.mulf %get3A_1687, %scan3A_1548#3 : vector<16xf32>
      %add3A_1689 = arith.addf %add3A_1682, %mul3A_1688 : vector<16xf32>
      %get3A_1690 = arith.constant 6 : i32
      %get3A_1691 = arith.index_cast %get3A_1690 : i32 to index
      %get3A_1692 = arith.constant 320 : index
      %get3A_1693 = tpu.vector_load %arg10[%get3A_1691, %get3A_1692] {strides = array<i32>} : memref<8x512xf32, #tpu.memory_space<vmem>>, vector<1x16xf32>,
      %get3A_1694 = vector.shape_cast %get3A_1693 : vector<1x16xf32> to vector<16xf32>
      %mul3A_1695 = arith.mulf %get3A_1694, %scan3A_1548#0 : vector<16xf32>
      %add3A_1696 = arith.addf %add3A_1487, %mul3A_1695 : vector<16xf32>
      %get3A_1697 = arith.constant 6 : i32
      %get3A_1698 = arith.index_cast %get3A_1697 : i32 to index
      %get3A_1699 = arith.constant 336 : index
      %get3A_1700 = tpu.vector_load %arg10[%get3A_1698, %get3A_1699] {strides = array<i32>} : memref<8x512xf32, #tpu.memory_space<vmem>>, vector<1x16xf32>,
      %get3A_1701 = vector.shape_cast %get3A_1700 : vector<1x16xf32> to vector<16xf32>
      %mul3A_1702 = arith.mulf %get3A_1701, %scan3A_1548#1 : vector<16xf32>
      %add3A_1703 = arith.addf %add3A_1696, %mul3A_1702 : vector<16xf32>
      %get3A_1704 = arith.constant 6 : i32
      %get3A_1705 = arith.index_cast %get3A_1704 : i32 to index
      %get3A_1706 = arith.constant 352 : index
      %get3A_1707 = tpu.vector_load %arg10[%get3A_1705, %get3A_1706] {strides = array<i32>} : memref<8x512xf32, #tpu.memory_space<vmem>>, vector<1x16xf32>,
      %get3A_1708 = vector.shape_cast %get3A_1707 : vector<1x16xf32> to vector<16xf32>
      %mul3A_1709 = arith.mulf %get3A_1708, %scan3A_1548#2 : vector<16xf32>
      %add3A_1710 = arith.addf %add3A_1703, %mul3A_1709 : vector<16xf32>
      %get3A_1711 = arith.constant 6 : i32
      %get3A_1712 = arith.index_cast %get3A_1711 : i32 to index
      %get3A_1713 = arith.constant 368 : index
      %get3A_1714 = tpu.vector_load %arg10[%get3A_1712, %get3A_1713] {strides = array<i32>} : memref<8x512xf32, #tpu.memory_space<vmem>>, vector<1x16xf32>,
      %get3A_1715 = vector.shape_cast %get3A_1714 : vector<1x16xf32> to vector<16xf32>
      %mul3A_1716 = arith.mulf %get3A_1715, %scan3A_1548#3 : vector<16xf32>
      %add3A_1717 = arith.addf %add3A_1710, %mul3A_1716 : vector<16xf32>
      %get3A_1718 = arith.constant 6 : i32
      %get3A_1719 = arith.index_cast %get3A_1718 : i32 to index
      %get3A_1720 = arith.constant 384 : index
      %get3A_1721 = tpu.vector_load %arg10[%get3A_1719, %get3A_1720] {strides = array<i32>} : memref<8x512xf32, #tpu.memory_space<vmem>>, vector<1x16xf32>,
      %get3A_1722 = vector.shape_cast %get3A_1721 : vector<1x16xf32> to vector<16xf32>
      %mul3A_1723 = arith.mulf %get3A_1722, %scan3A_1548#0 : vector<16xf32>
      %add3A_1724 = arith.addf %add3A_1515, %mul3A_1723 : vector<16xf32>
      %get3A_1725 = arith.constant 6 : i32
      %get3A_1726 = arith.index_cast %get3A_1725 : i32 to index
      %get3A_1727 = arith.constant 400 : index
      %get3A_1728 = tpu.vector_load %arg10[%get3A_1726, %get3A_1727] {strides = array<i32>} : memref<8x512xf32, #tpu.memory_space<vmem>>, vector<1x16xf32>,
      %get3A_1729 = vector.shape_cast %get3A_1728 : vector<1x16xf32> to vector<16xf32>
      %mul3A_1730 = arith.mulf %get3A_1729, %scan3A_1548#1 : vector<16xf32>
      %add3A_1731 = arith.addf %add3A_1724, %mul3A_1730 : vector<16xf32>
      %get3A_1732 = arith.constant 6 : i32
      %get3A_1733 = arith.index_cast %get3A_1732 : i32 to index
      %get3A_1734 = arith.constant 416 : index
      %get3A_1735 = tpu.vector_load %arg10[%get3A_1733, %get3A_1734] {strides = array<i32>} : memref<8x512xf32, #tpu.memory_space<vmem>>, vector<1x16xf32>,
      %get3A_1736 = vector.shape_cast %get3A_1735 : vector<1x16xf32> to vector<16xf32>
      %mul3A_1737 = arith.mulf %get3A_1736, %scan3A_1548#2 : vector<16xf32>
      %add3A_1738 = arith.addf %add3A_1731, %mul3A_1737 : vector<16xf32>
      %get3A_1739 = arith.constant 6 : i32
      %get3A_1740 = arith.index_cast %get3A_1739 : i32 to index
      %get3A_1741 = arith.constant 432 : index
      %get3A_1742 = tpu.vector_load %arg10[%get3A_1740, %get3A_1741] {strides = array<i32>} : memref<8x512xf32, #tpu.memory_space<vmem>>, vector<1x16xf32>,
      %get3A_1743 = vector.shape_cast %get3A_1742 : vector<1x16xf32> to vector<16xf32>
      %mul3A_1744 = arith.mulf %get3A_1743, %scan3A_1548#3 : vector<16xf32>
      %add3A_1745 = arith.addf %add3A_1738, %mul3A_1744 : vector<16xf32>
      %get3A_1746 = arith.constant 6 : i32
      %get3A_1747 = arith.index_cast %get3A_1746 : i32 to index
      %get3A_1748 = arith.constant 448 : index
      %get3A_1749 = tpu.vector_load %arg10[%get3A_1747, %get3A_1748] {strides = array<i32>} : memref<8x512xf32, #tpu.memory_space<vmem>>, vector<1x16xf32>,
      %get3A_1750 = vector.shape_cast %get3A_1749 : vector<1x16xf32> to vector<16xf32>
      %mul3A_1751 = arith.mulf %get3A_1750, %scan3A_1548#0 : vector<16xf32>
      %add3A_1752 = arith.addf %add3A_1543, %mul3A_1751 : vector<16xf32>
      %get3A_1753 = arith.constant 6 : i32
      %get3A_1754 = arith.index_cast %get3A_1753 : i32 to index
      %get3A_1755 = arith.constant 464 : index
      %get3A_1756 = tpu.vector_load %arg10[%get3A_1754, %get3A_1755] {strides = array<i32>} : memref<8x512xf32, #tpu.memory_space<vmem>>, vector<1x16xf32>,
      %get3A_1757 = vector.shape_cast %get3A_1756 : vector<1x16xf32> to vector<16xf32>
      %mul3A_1758 = arith.mulf %get3A_1757, %scan3A_1548#1 : vector<16xf32>
      %add3A_1759 = arith.addf %add3A_1752, %mul3A_1758 : vector<16xf32>
      %get3A_1760 = arith.constant 6 : i32
      %get3A_1761 = arith.index_cast %get3A_1760 : i32 to index
      %get3A_1762 = arith.constant 480 : index
      %get3A_1763 = tpu.vector_load %arg10[%get3A_1761, %get3A_1762] {strides = array<i32>} : memref<8x512xf32, #tpu.memory_space<vmem>>, vector<1x16xf32>,
      %get3A_1764 = vector.shape_cast %get3A_1763 : vector<1x16xf32> to vector<16xf32>
      %mul3A_1765 = arith.mulf %get3A_1764, %scan3A_1548#2 : vector<16xf32>
      %add3A_1766 = arith.addf %add3A_1759, %mul3A_1765 : vector<16xf32>
      %get3A_1767 = arith.constant 6 : i32
      %get3A_1768 = arith.index_cast %get3A_1767 : i32 to index
      %get3A_1769 = arith.constant 496 : index
      %get3A_1770 = tpu.vector_load %arg10[%get3A_1768, %get3A_1769] {strides = array<i32>} : memref<8x512xf32, #tpu.memory_space<vmem>>, vector<1x16xf32>,
      %get3A_1771 = vector.shape_cast %get3A_1770 : vector<1x16xf32> to vector<16xf32>
      %mul3A_1772 = arith.mulf %get3A_1771, %scan3A_1548#3 : vector<16xf32>
      %add3A_1773 = arith.addf %add3A_1766, %mul3A_1772 : vector<16xf32>
      %scan3A_1774 = arith.constant 0 : i32
      %scan3A_1775 = arith.constant 50 : i32
      %scan3A_1776 = arith.addi %scan3A_1774, %scan3A_1775 : i32
      %scan3A_1777 = arith.constant 1 : i32
      %scan3A_1778:4 = scf.for %scan3A_2004 = %scan3A_1774 to %scan3A_1776 step %scan3A_1777 iter_args(%scan3A_2005 = %broadcast_in_dim3A_5, %scan3A_2006 = %broadcast_in_dim3A_5, %scan3A_2007 = %broadcast_in_dim3A_5, %scan3A_2008 = %broadcast_in_dim3A_5) -> (vector<16xf32>, vector<16xf32>, vector<16xf32>, vector<16xf32>)  : i32 {
        %add3A_2009 = arith.constant 350 : i32
        %add3A_2010 = arith.addi %add3A_2009, %scan3A_2004 : i32
        %get3A_2011 = arith.index_cast %add3A_2010 : i32 to index
        %get3A_2012 = arith.constant 0 : index
        %get3A_2013 = tpu.vector_load %arg9[%get3A_2011, %get3A_2012] {strides = array<i32>} : memref<400x64xf32, #tpu.memory_space<vmem>>, vector<1x16xf32>,
        %get3A_2014 = vector.shape_cast %get3A_2013 : vector<1x16xf32> to vector<16xf32>
        %add3A_2015 = arith.addf %scan3A_2005, %get3A_2014 : vector<16xf32>
        %get3A_2016 = arith.index_cast %add3A_2010 : i32 to index
        %get3A_2017 = arith.constant 16 : index
        %get3A_2018 = tpu.vector_load %arg9[%get3A_2016, %get3A_2017] {strides = array<i32>} : memref<400x64xf32, #tpu.memory_space<vmem>>, vector<1x16xf32>,
        %get3A_2019 = vector.shape_cast %get3A_2018 : vector<1x16xf32> to vector<16xf32>
        %add3A_2020 = arith.addf %scan3A_2006, %get3A_2019 : vector<16xf32>
        %get3A_2021 = arith.index_cast %add3A_2010 : i32 to index
        %get3A_2022 = arith.constant 32 : index
        %get3A_2023 = tpu.vector_load %arg9[%get3A_2021, %get3A_2022] {strides = array<i32>} : memref<400x64xf32, #tpu.memory_space<vmem>>, vector<1x16xf32>,
        %get3A_2024 = vector.shape_cast %get3A_2023 : vector<1x16xf32> to vector<16xf32>
        %add3A_2025 = arith.addf %scan3A_2007, %get3A_2024 : vector<16xf32>
        %get3A_2026 = arith.index_cast %add3A_2010 : i32 to index
        %get3A_2027 = arith.constant 48 : index
        %get3A_2028 = tpu.vector_load %arg9[%get3A_2026, %get3A_2027] {strides = array<i32>} : memref<400x64xf32, #tpu.memory_space<vmem>>, vector<1x16xf32>,
        %get3A_2029 = vector.shape_cast %get3A_2028 : vector<1x16xf32> to vector<16xf32>
        %add3A_2030 = arith.addf %scan3A_2008, %get3A_2029 : vector<16xf32>
        scf.yield %add3A_2015, %add3A_2020, %add3A_2025, %add3A_2030 : vector<16xf32>, vector<16xf32>, vector<16xf32>, vector<16xf32>
      }
      %scan3A_1779 = arith.constant 50 : i32
      %get3A_1780 = arith.constant 7 : i32
      %get3A_1781 = arith.index_cast %get3A_1780 : i32 to index
      %get3A_1782 = arith.constant 0 : index
      %get3A_1783 = tpu.vector_load %arg10[%get3A_1781, %get3A_1782] {strides = array<i32>} : memref<8x512xf32, #tpu.memory_space<vmem>>, vector<1x16xf32>,
      %get3A_1784 = vector.shape_cast %get3A_1783 : vector<1x16xf32> to vector<16xf32>
      %mul3A_1785 = arith.mulf %get3A_1784, %scan3A_1778#0 : vector<16xf32>
      %add3A_1786 = arith.addf %add3A_1577, %mul3A_1785 : vector<16xf32>
      %get3A_1787 = arith.constant 7 : i32
      %get3A_1788 = arith.index_cast %get3A_1787 : i32 to index
      %get3A_1789 = arith.constant 16 : index
      %get3A_1790 = tpu.vector_load %arg10[%get3A_1788, %get3A_1789] {strides = array<i32>} : memref<8x512xf32, #tpu.memory_space<vmem>>, vector<1x16xf32>,
      %get3A_1791 = vector.shape_cast %get3A_1790 : vector<1x16xf32> to vector<16xf32>
      %mul3A_1792 = arith.mulf %get3A_1791, %scan3A_1778#1 : vector<16xf32>
      %add3A_1793 = arith.addf %add3A_1786, %mul3A_1792 : vector<16xf32>
      %get3A_1794 = arith.constant 7 : i32
      %get3A_1795 = arith.index_cast %get3A_1794 : i32 to index
      %get3A_1796 = arith.constant 32 : index
      %get3A_1797 = tpu.vector_load %arg10[%get3A_1795, %get3A_1796] {strides = array<i32>} : memref<8x512xf32, #tpu.memory_space<vmem>>, vector<1x16xf32>,
      %get3A_1798 = vector.shape_cast %get3A_1797 : vector<1x16xf32> to vector<16xf32>
      %mul3A_1799 = arith.mulf %get3A_1798, %scan3A_1778#2 : vector<16xf32>
      %add3A_1800 = arith.addf %add3A_1793, %mul3A_1799 : vector<16xf32>
      %get3A_1801 = arith.constant 7 : i32
      %get3A_1802 = arith.index_cast %get3A_1801 : i32 to index
      %get3A_1803 = arith.constant 48 : index
      %get3A_1804 = tpu.vector_load %arg10[%get3A_1802, %get3A_1803] {strides = array<i32>} : memref<8x512xf32, #tpu.memory_space<vmem>>, vector<1x16xf32>,
      %get3A_1805 = vector.shape_cast %get3A_1804 : vector<1x16xf32> to vector<16xf32>
      %mul3A_1806 = arith.mulf %get3A_1805, %scan3A_1778#3 : vector<16xf32>
      %add3A_1807 = arith.addf %add3A_1800, %mul3A_1806 : vector<16xf32>
      %get3A_1808 = arith.constant 7 : i32
      %get3A_1809 = arith.index_cast %get3A_1808 : i32 to index
      %get3A_1810 = arith.constant 64 : index
      %get3A_1811 = tpu.vector_load %arg10[%get3A_1809, %get3A_1810] {strides = array<i32>} : memref<8x512xf32, #tpu.memory_space<vmem>>, vector<1x16xf32>,
      %get3A_1812 = vector.shape_cast %get3A_1811 : vector<1x16xf32> to vector<16xf32>
      %mul3A_1813 = arith.mulf %get3A_1812, %scan3A_1778#0 : vector<16xf32>
      %add3A_1814 = arith.addf %add3A_1605, %mul3A_1813 : vector<16xf32>
      %get3A_1815 = arith.constant 7 : i32
      %get3A_1816 = arith.index_cast %get3A_1815 : i32 to index
      %get3A_1817 = arith.constant 80 : index
      %get3A_1818 = tpu.vector_load %arg10[%get3A_1816, %get3A_1817] {strides = array<i32>} : memref<8x512xf32, #tpu.memory_space<vmem>>, vector<1x16xf32>,
      %get3A_1819 = vector.shape_cast %get3A_1818 : vector<1x16xf32> to vector<16xf32>
      %mul3A_1820 = arith.mulf %get3A_1819, %scan3A_1778#1 : vector<16xf32>
      %add3A_1821 = arith.addf %add3A_1814, %mul3A_1820 : vector<16xf32>
      %get3A_1822 = arith.constant 7 : i32
      %get3A_1823 = arith.index_cast %get3A_1822 : i32 to index
      %get3A_1824 = arith.constant 96 : index
      %get3A_1825 = tpu.vector_load %arg10[%get3A_1823, %get3A_1824] {strides = array<i32>} : memref<8x512xf32, #tpu.memory_space<vmem>>, vector<1x16xf32>,
      %get3A_1826 = vector.shape_cast %get3A_1825 : vector<1x16xf32> to vector<16xf32>
      %mul3A_1827 = arith.mulf %get3A_1826, %scan3A_1778#2 : vector<16xf32>
      %add3A_1828 = arith.addf %add3A_1821, %mul3A_1827 : vector<16xf32>
      %get3A_1829 = arith.constant 7 : i32
      %get3A_1830 = arith.index_cast %get3A_1829 : i32 to index
      %get3A_1831 = arith.constant 112 : index
      %get3A_1832 = tpu.vector_load %arg10[%get3A_1830, %get3A_1831] {strides = array<i32>} : memref<8x512xf32, #tpu.memory_space<vmem>>, vector<1x16xf32>,
      %get3A_1833 = vector.shape_cast %get3A_1832 : vector<1x16xf32> to vector<16xf32>
      %mul3A_1834 = arith.mulf %get3A_1833, %scan3A_1778#3 : vector<16xf32>
      %add3A_1835 = arith.addf %add3A_1828, %mul3A_1834 : vector<16xf32>
      %get3A_1836 = arith.constant 7 : i32
      %get3A_1837 = arith.index_cast %get3A_1836 : i32 to index
      %get3A_1838 = arith.constant 128 : index
      %get3A_1839 = tpu.vector_load %arg10[%get3A_1837, %get3A_1838] {strides = array<i32>} : memref<8x512xf32, #tpu.memory_space<vmem>>, vector<1x16xf32>,
      %get3A_1840 = vector.shape_cast %get3A_1839 : vector<1x16xf32> to vector<16xf32>
      %mul3A_1841 = arith.mulf %get3A_1840, %scan3A_1778#0 : vector<16xf32>
      %add3A_1842 = arith.addf %add3A_1633, %mul3A_1841 : vector<16xf32>
      %get3A_1843 = arith.constant 7 : i32
      %get3A_1844 = arith.index_cast %get3A_1843 : i32 to index
      %get3A_1845 = arith.constant 144 : index
      %get3A_1846 = tpu.vector_load %arg10[%get3A_1844, %get3A_1845] {strides = array<i32>} : memref<8x512xf32, #tpu.memory_space<vmem>>, vector<1x16xf32>,
      %get3A_1847 = vector.shape_cast %get3A_1846 : vector<1x16xf32> to vector<16xf32>
      %mul3A_1848 = arith.mulf %get3A_1847, %scan3A_1778#1 : vector<16xf32>
      %add3A_1849 = arith.addf %add3A_1842, %mul3A_1848 : vector<16xf32>
      %get3A_1850 = arith.constant 7 : i32
      %get3A_1851 = arith.index_cast %get3A_1850 : i32 to index
      %get3A_1852 = arith.constant 160 : index
      %get3A_1853 = tpu.vector_load %arg10[%get3A_1851, %get3A_1852] {strides = array<i32>} : memref<8x512xf32, #tpu.memory_space<vmem>>, vector<1x16xf32>,
      %get3A_1854 = vector.shape_cast %get3A_1853 : vector<1x16xf32> to vector<16xf32>
      %mul3A_1855 = arith.mulf %get3A_1854, %scan3A_1778#2 : vector<16xf32>
      %add3A_1856 = arith.addf %add3A_1849, %mul3A_1855 : vector<16xf32>
      %get3A_1857 = arith.constant 7 : i32
      %get3A_1858 = arith.index_cast %get3A_1857 : i32 to index
      %get3A_1859 = arith.constant 176 : index
      %get3A_1860 = tpu.vector_load %arg10[%get3A_1858, %get3A_1859] {strides = array<i32>} : memref<8x512xf32, #tpu.memory_space<vmem>>, vector<1x16xf32>,
      %get3A_1861 = vector.shape_cast %get3A_1860 : vector<1x16xf32> to vector<16xf32>
      %mul3A_1862 = arith.mulf %get3A_1861, %scan3A_1778#3 : vector<16xf32>
      %add3A_1863 = arith.addf %add3A_1856, %mul3A_1862 : vector<16xf32>
      %get3A_1864 = arith.constant 7 : i32
      %get3A_1865 = arith.index_cast %get3A_1864 : i32 to index
      %get3A_1866 = arith.constant 192 : index
      %get3A_1867 = tpu.vector_load %arg10[%get3A_1865, %get3A_1866] {strides = array<i32>} : memref<8x512xf32, #tpu.memory_space<vmem>>, vector<1x16xf32>,
      %get3A_1868 = vector.shape_cast %get3A_1867 : vector<1x16xf32> to vector<16xf32>
      %mul3A_1869 = arith.mulf %get3A_1868, %scan3A_1778#0 : vector<16xf32>
      %add3A_1870 = arith.addf %add3A_1661, %mul3A_1869 : vector<16xf32>
      %get3A_1871 = arith.constant 7 : i32
      %get3A_1872 = arith.index_cast %get3A_1871 : i32 to index
      %get3A_1873 = arith.constant 208 : index
      %get3A_1874 = tpu.vector_load %arg10[%get3A_1872, %get3A_1873] {strides = array<i32>} : memref<8x512xf32, #tpu.memory_space<vmem>>, vector<1x16xf32>,
      %get3A_1875 = vector.shape_cast %get3A_1874 : vector<1x16xf32> to vector<16xf32>
      %mul3A_1876 = arith.mulf %get3A_1875, %scan3A_1778#1 : vector<16xf32>
      %add3A_1877 = arith.addf %add3A_1870, %mul3A_1876 : vector<16xf32>
      %get3A_1878 = arith.constant 7 : i32
      %get3A_1879 = arith.index_cast %get3A_1878 : i32 to index
      %get3A_1880 = arith.constant 224 : index
      %get3A_1881 = tpu.vector_load %arg10[%get3A_1879, %get3A_1880] {strides = array<i32>} : memref<8x512xf32, #tpu.memory_space<vmem>>, vector<1x16xf32>,
      %get3A_1882 = vector.shape_cast %get3A_1881 : vector<1x16xf32> to vector<16xf32>
      %mul3A_1883 = arith.mulf %get3A_1882, %scan3A_1778#2 : vector<16xf32>
      %add3A_1884 = arith.addf %add3A_1877, %mul3A_1883 : vector<16xf32>
      %get3A_1885 = arith.constant 7 : i32
      %get3A_1886 = arith.index_cast %get3A_1885 : i32 to index
      %get3A_1887 = arith.constant 240 : index
      %get3A_1888 = tpu.vector_load %arg10[%get3A_1886, %get3A_1887] {strides = array<i32>} : memref<8x512xf32, #tpu.memory_space<vmem>>, vector<1x16xf32>,
      %get3A_1889 = vector.shape_cast %get3A_1888 : vector<1x16xf32> to vector<16xf32>
      %mul3A_1890 = arith.mulf %get3A_1889, %scan3A_1778#3 : vector<16xf32>
      %add3A_1891 = arith.addf %add3A_1884, %mul3A_1890 : vector<16xf32>
      %get3A_1892 = arith.constant 7 : i32
      %get3A_1893 = arith.index_cast %get3A_1892 : i32 to index
      %get3A_1894 = arith.constant 256 : index
      %get3A_1895 = tpu.vector_load %arg10[%get3A_1893, %get3A_1894] {strides = array<i32>} : memref<8x512xf32, #tpu.memory_space<vmem>>, vector<1x16xf32>,
      %get3A_1896 = vector.shape_cast %get3A_1895 : vector<1x16xf32> to vector<16xf32>
      %mul3A_1897 = arith.mulf %get3A_1896, %scan3A_1778#0 : vector<16xf32>
      %add3A_1898 = arith.addf %add3A_1689, %mul3A_1897 : vector<16xf32>
      %get3A_1899 = arith.constant 7 : i32
      %get3A_1900 = arith.index_cast %get3A_1899 : i32 to index
      %get3A_1901 = arith.constant 272 : index
      %get3A_1902 = tpu.vector_load %arg10[%get3A_1900, %get3A_1901] {strides = array<i32>} : memref<8x512xf32, #tpu.memory_space<vmem>>, vector<1x16xf32>,
      %get3A_1903 = vector.shape_cast %get3A_1902 : vector<1x16xf32> to vector<16xf32>
      %mul3A_1904 = arith.mulf %get3A_1903, %scan3A_1778#1 : vector<16xf32>
      %add3A_1905 = arith.addf %add3A_1898, %mul3A_1904 : vector<16xf32>
      %get3A_1906 = arith.constant 7 : i32
      %get3A_1907 = arith.index_cast %get3A_1906 : i32 to index
      %get3A_1908 = arith.constant 288 : index
      %get3A_1909 = tpu.vector_load %arg10[%get3A_1907, %get3A_1908] {strides = array<i32>} : memref<8x512xf32, #tpu.memory_space<vmem>>, vector<1x16xf32>,
      %get3A_1910 = vector.shape_cast %get3A_1909 : vector<1x16xf32> to vector<16xf32>
      %mul3A_1911 = arith.mulf %get3A_1910, %scan3A_1778#2 : vector<16xf32>
      %add3A_1912 = arith.addf %add3A_1905, %mul3A_1911 : vector<16xf32>
      %get3A_1913 = arith.constant 7 : i32
      %get3A_1914 = arith.index_cast %get3A_1913 : i32 to index
      %get3A_1915 = arith.constant 304 : index
      %get3A_1916 = tpu.vector_load %arg10[%get3A_1914, %get3A_1915] {strides = array<i32>} : memref<8x512xf32, #tpu.memory_space<vmem>>, vector<1x16xf32>,
      %get3A_1917 = vector.shape_cast %get3A_1916 : vector<1x16xf32> to vector<16xf32>
      %mul3A_1918 = arith.mulf %get3A_1917, %scan3A_1778#3 : vector<16xf32>
      %add3A_1919 = arith.addf %add3A_1912, %mul3A_1918 : vector<16xf32>
      %get3A_1920 = arith.constant 7 : i32
      %get3A_1921 = arith.index_cast %get3A_1920 : i32 to index
      %get3A_1922 = arith.constant 320 : index
      %get3A_1923 = tpu.vector_load %arg10[%get3A_1921, %get3A_1922] {strides = array<i32>} : memref<8x512xf32, #tpu.memory_space<vmem>>, vector<1x16xf32>,
      %get3A_1924 = vector.shape_cast %get3A_1923 : vector<1x16xf32> to vector<16xf32>
      %mul3A_1925 = arith.mulf %get3A_1924, %scan3A_1778#0 : vector<16xf32>
      %add3A_1926 = arith.addf %add3A_1717, %mul3A_1925 : vector<16xf32>
      %get3A_1927 = arith.constant 7 : i32
      %get3A_1928 = arith.index_cast %get3A_1927 : i32 to index
      %get3A_1929 = arith.constant 336 : index
      %get3A_1930 = tpu.vector_load %arg10[%get3A_1928, %get3A_1929] {strides = array<i32>} : memref<8x512xf32, #tpu.memory_space<vmem>>, vector<1x16xf32>,
      %get3A_1931 = vector.shape_cast %get3A_1930 : vector<1x16xf32> to vector<16xf32>
      %mul3A_1932 = arith.mulf %get3A_1931, %scan3A_1778#1 : vector<16xf32>
      %add3A_1933 = arith.addf %add3A_1926, %mul3A_1932 : vector<16xf32>
      %get3A_1934 = arith.constant 7 : i32
      %get3A_1935 = arith.index_cast %get3A_1934 : i32 to index
      %get3A_1936 = arith.constant 352 : index
      %get3A_1937 = tpu.vector_load %arg10[%get3A_1935, %get3A_1936] {strides = array<i32>} : memref<8x512xf32, #tpu.memory_space<vmem>>, vector<1x16xf32>,
      %get3A_1938 = vector.shape_cast %get3A_1937 : vector<1x16xf32> to vector<16xf32>
      %mul3A_1939 = arith.mulf %get3A_1938, %scan3A_1778#2 : vector<16xf32>
      %add3A_1940 = arith.addf %add3A_1933, %mul3A_1939 : vector<16xf32>
      %get3A_1941 = arith.constant 7 : i32
      %get3A_1942 = arith.index_cast %get3A_1941 : i32 to index
      %get3A_1943 = arith.constant 368 : index
      %get3A_1944 = tpu.vector_load %arg10[%get3A_1942, %get3A_1943] {strides = array<i32>} : memref<8x512xf32, #tpu.memory_space<vmem>>, vector<1x16xf32>,
      %get3A_1945 = vector.shape_cast %get3A_1944 : vector<1x16xf32> to vector<16xf32>
      %mul3A_1946 = arith.mulf %get3A_1945, %scan3A_1778#3 : vector<16xf32>
      %add3A_1947 = arith.addf %add3A_1940, %mul3A_1946 : vector<16xf32>
      %get3A_1948 = arith.constant 7 : i32
      %get3A_1949 = arith.index_cast %get3A_1948 : i32 to index
      %get3A_1950 = arith.constant 384 : index
      %get3A_1951 = tpu.vector_load %arg10[%get3A_1949, %get3A_1950] {strides = array<i32>} : memref<8x512xf32, #tpu.memory_space<vmem>>, vector<1x16xf32>,
      %get3A_1952 = vector.shape_cast %get3A_1951 : vector<1x16xf32> to vector<16xf32>
      %mul3A_1953 = arith.mulf %get3A_1952, %scan3A_1778#0 : vector<16xf32>
      %add3A_1954 = arith.addf %add3A_1745, %mul3A_1953 : vector<16xf32>
      %get3A_1955 = arith.constant 7 : i32
      %get3A_1956 = arith.index_cast %get3A_1955 : i32 to index
      %get3A_1957 = arith.constant 400 : index
      %get3A_1958 = tpu.vector_load %arg10[%get3A_1956, %get3A_1957] {strides = array<i32>} : memref<8x512xf32, #tpu.memory_space<vmem>>, vector<1x16xf32>,
      %get3A_1959 = vector.shape_cast %get3A_1958 : vector<1x16xf32> to vector<16xf32>
      %mul3A_1960 = arith.mulf %get3A_1959, %scan3A_1778#1 : vector<16xf32>
      %add3A_1961 = arith.addf %add3A_1954, %mul3A_1960 : vector<16xf32>
      %get3A_1962 = arith.constant 7 : i32
      %get3A_1963 = arith.index_cast %get3A_1962 : i32 to index
      %get3A_1964 = arith.constant 416 : index
      %get3A_1965 = tpu.vector_load %arg10[%get3A_1963, %get3A_1964] {strides = array<i32>} : memref<8x512xf32, #tpu.memory_space<vmem>>, vector<1x16xf32>,
      %get3A_1966 = vector.shape_cast %get3A_1965 : vector<1x16xf32> to vector<16xf32>
      %mul3A_1967 = arith.mulf %get3A_1966, %scan3A_1778#2 : vector<16xf32>
      %add3A_1968 = arith.addf %add3A_1961, %mul3A_1967 : vector<16xf32>
      %get3A_1969 = arith.constant 7 : i32
      %get3A_1970 = arith.index_cast %get3A_1969 : i32 to index
      %get3A_1971 = arith.constant 432 : index
      %get3A_1972 = tpu.vector_load %arg10[%get3A_1970, %get3A_1971] {strides = array<i32>} : memref<8x512xf32, #tpu.memory_space<vmem>>, vector<1x16xf32>,
      %get3A_1973 = vector.shape_cast %get3A_1972 : vector<1x16xf32> to vector<16xf32>
      %mul3A_1974 = arith.mulf %get3A_1973, %scan3A_1778#3 : vector<16xf32>
      %add3A_1975 = arith.addf %add3A_1968, %mul3A_1974 : vector<16xf32>
      %get3A_1976 = arith.constant 7 : i32
      %get3A_1977 = arith.index_cast %get3A_1976 : i32 to index
      %get3A_1978 = arith.constant 448 : index
      %get3A_1979 = tpu.vector_load %arg10[%get3A_1977, %get3A_1978] {strides = array<i32>} : memref<8x512xf32, #tpu.memory_space<vmem>>, vector<1x16xf32>,
      %get3A_1980 = vector.shape_cast %get3A_1979 : vector<1x16xf32> to vector<16xf32>
      %mul3A_1981 = arith.mulf %get3A_1980, %scan3A_1778#0 : vector<16xf32>
      %add3A_1982 = arith.addf %add3A_1773, %mul3A_1981 : vector<16xf32>
      %get3A_1983 = arith.constant 7 : i32
      %get3A_1984 = arith.index_cast %get3A_1983 : i32 to index
      %get3A_1985 = arith.constant 464 : index
      %get3A_1986 = tpu.vector_load %arg10[%get3A_1984, %get3A_1985] {strides = array<i32>} : memref<8x512xf32, #tpu.memory_space<vmem>>, vector<1x16xf32>,
      %get3A_1987 = vector.shape_cast %get3A_1986 : vector<1x16xf32> to vector<16xf32>
      %mul3A_1988 = arith.mulf %get3A_1987, %scan3A_1778#1 : vector<16xf32>
      %add3A_1989 = arith.addf %add3A_1982, %mul3A_1988 : vector<16xf32>
      %get3A_1990 = arith.constant 7 : i32
      %get3A_1991 = arith.index_cast %get3A_1990 : i32 to index
      %get3A_1992 = arith.constant 480 : index
      %get3A_1993 = tpu.vector_load %arg10[%get3A_1991, %get3A_1992] {strides = array<i32>} : memref<8x512xf32, #tpu.memory_space<vmem>>, vector<1x16xf32>,
      %get3A_1994 = vector.shape_cast %get3A_1993 : vector<1x16xf32> to vector<16xf32>
      %mul3A_1995 = arith.mulf %get3A_1994, %scan3A_1778#2 : vector<16xf32>
      %add3A_1996 = arith.addf %add3A_1989, %mul3A_1995 : vector<16xf32>
      %get3A_1997 = arith.constant 7 : i32
      %get3A_1998 = arith.index_cast %get3A_1997 : i32 to index
      %get3A_1999 = arith.constant 496 : index
      %get3A_2000 = tpu.vector_load %arg10[%get3A_1998, %get3A_1999] {strides = array<i32>} : memref<8x512xf32, #tpu.memory_space<vmem>>, vector<1x16xf32>,
      %get3A_2001 = vector.shape_cast %get3A_2000 : vector<1x16xf32> to vector<16xf32>
      %mul3A_2002 = arith.mulf %get3A_2001, %scan3A_1778#3 : vector<16xf32>
      %add3A_2003 = arith.addf %add3A_1996, %mul3A_2002 : vector<16xf32>
      scf.yield %add3A_1807, %add3A_1835, %add3A_1863, %add3A_1891, %add3A_1919, %add3A_1947, %add3A_1975, %add3A_2003 : vector<16xf32>, vector<16xf32>, vector<16xf32>, vector<16xf32>, vector<16xf32>, vector<16xf32>, vector<16xf32>, vector<16xf32>
    }
    %scan3A_10 = arith.constant 16 : i32
    %swap3A = arith.constant 0 : i32
    %swap3A_11 = arith.index_cast %swap3A : i32 to index
    %swap3A_12 = arith.constant 0 : index
    %swap3A_13 = tpu.vector_load %arg11[%swap3A_11, %swap3A_12] {strides = array<i32>} : memref<8x16xf32, #tpu.memory_space<vmem>>, vector<1x16xf32>,
    %swap3A_14 = vector.shape_cast %swap3A_13 : vector<1x16xf32> to vector<16xf32>
    %swap3A_15 = vector.shape_cast %scan3A_9#0 : vector<16xf32> to vector<1x16xf32>
    tpu.vector_store %arg11[%swap3A_11, %swap3A_12], %swap3A_15 {strides = array<i32>} : memref<8x16xf32, #tpu.memory_space<vmem>>, vector<1x16xf32>,
    %swap3A_16 = arith.constant 1 : i32
    %swap3A_17 = arith.index_cast %swap3A_16 : i32 to index
    %swap3A_18 = arith.constant 0 : index
    %swap3A_19 = tpu.vector_load %arg11[%swap3A_17, %swap3A_18] {strides = array<i32>} : memref<8x16xf32, #tpu.memory_space<vmem>>, vector<1x16xf32>,
    %swap3A_20 = vector.shape_cast %swap3A_19 : vector<1x16xf32> to vector<16xf32>
    %swap3A_21 = vector.shape_cast %scan3A_9#1 : vector<16xf32> to vector<1x16xf32>
    tpu.vector_store %arg11[%swap3A_17, %swap3A_18], %swap3A_21 {strides = array<i32>} : memref<8x16xf32, #tpu.memory_space<vmem>>, vector<1x16xf32>,
    %swap3A_22 = arith.constant 2 : i32
    %swap3A_23 = arith.index_cast %swap3A_22 : i32 to index
    %swap3A_24 = arith.constant 0 : index
    %swap3A_25 = tpu.vector_load %arg11[%swap3A_23, %swap3A_24] {strides = array<i32>} : memref<8x16xf32, #tpu.memory_space<vmem>>, vector<1x16xf32>,
    %swap3A_26 = vector.shape_cast %swap3A_25 : vector<1x16xf32> to vector<16xf32>
    %swap3A_27 = vector.shape_cast %scan3A_9#2 : vector<16xf32> to vector<1x16xf32>
    tpu.vector_store %arg11[%swap3A_23, %swap3A_24], %swap3A_27 {strides = array<i32>} : memref<8x16xf32, #tpu.memory_space<vmem>>, vector<1x16xf32>,
    %swap3A_28 = arith.constant 3 : i32
    %swap3A_29 = arith.index_cast %swap3A_28 : i32 to index
    %swap3A_30 = arith.constant 0 : index
    %swap3A_31 = tpu.vector_load %arg11[%swap3A_29, %swap3A_30] {strides = array<i32>} : memref<8x16xf32, #tpu.memory_space<vmem>>, vector<1x16xf32>,
    %swap3A_32 = vector.shape_cast %swap3A_31 : vector<1x16xf32> to vector<16xf32>
    %swap3A_33 = vector.shape_cast %scan3A_9#3 : vector<16xf32> to vector<1x16xf32>
    tpu.vector_store %arg11[%swap3A_29, %swap3A_30], %swap3A_33 {strides = array<i32>} : memref<8x16xf32, #tpu.memory_space<vmem>>, vector<1x16xf32>,
    %swap3A_34 = arith.constant 4 : i32
    %swap3A_35 = arith.index_cast %swap3A_34 : i32 to index
    %swap3A_36 = arith.constant 0 : index
    %swap3A_37 = tpu.vector_load %arg11[%swap3A_35, %swap3A_36] {strides = array<i32>} : memref<8x16xf32, #tpu.memory_space<vmem>>, vector<1x16xf32>,
    %swap3A_38 = vector.shape_cast %swap3A_37 : vector<1x16xf32> to vector<16xf32>
    %swap3A_39 = vector.shape_cast %scan3A_9#4 : vector<16xf32> to vector<1x16xf32>
    tpu.vector_store %arg11[%swap3A_35, %swap3A_36], %swap3A_39 {strides = array<i32>} : memref<8x16xf32, #tpu.memory_space<vmem>>, vector<1x16xf32>,
    %swap3A_40 = arith.constant 5 : i32
    %swap3A_41 = arith.index_cast %swap3A_40 : i32 to index
    %swap3A_42 = arith.constant 0 : index
    %swap3A_43 = tpu.vector_load %arg11[%swap3A_41, %swap3A_42] {strides = array<i32>} : memref<8x16xf32, #tpu.memory_space<vmem>>, vector<1x16xf32>,
    %swap3A_44 = vector.shape_cast %swap3A_43 : vector<1x16xf32> to vector<16xf32>
    %swap3A_45 = vector.shape_cast %scan3A_9#5 : vector<16xf32> to vector<1x16xf32>
    tpu.vector_store %arg11[%swap3A_41, %swap3A_42], %swap3A_45 {strides = array<i32>} : memref<8x16xf32, #tpu.memory_space<vmem>>, vector<1x16xf32>,
    %swap3A_46 = arith.constant 6 : i32
    %swap3A_47 = arith.index_cast %swap3A_46 : i32 to index
    %swap3A_48 = arith.constant 0 : index
    %swap3A_49 = tpu.vector_load %arg11[%swap3A_47, %swap3A_48] {strides = array<i32>} : memref<8x16xf32, #tpu.memory_space<vmem>>, vector<1x16xf32>,
    %swap3A_50 = vector.shape_cast %swap3A_49 : vector<1x16xf32> to vector<16xf32>
    %swap3A_51 = vector.shape_cast %scan3A_9#6 : vector<16xf32> to vector<1x16xf32>
    tpu.vector_store %arg11[%swap3A_47, %swap3A_48], %swap3A_51 {strides = array<i32>} : memref<8x16xf32, #tpu.memory_space<vmem>>, vector<1x16xf32>,
    %swap3A_52 = arith.constant 7 : i32
    %swap3A_53 = arith.index_cast %swap3A_52 : i32 to index
    %swap3A_54 = arith.constant 0 : index
    %swap3A_55 = tpu.vector_load %arg11[%swap3A_53, %swap3A_54] {strides = array<i32>} : memref<8x16xf32, #tpu.memory_space<vmem>>, vector<1x16xf32>,
    %swap3A_56 = vector.shape_cast %swap3A_55 : vector<1x16xf32> to vector<16xf32>
    %swap3A_57 = vector.shape_cast %scan3A_9#7 : vector<16xf32> to vector<1x16xf32>
    tpu.vector_store %arg11[%swap3A_53, %swap3A_54], %swap3A_57 {strides = array<i32>} : memref<8x16xf32, #tpu.memory_space<vmem>>, vector<1x16xf32>,
    "tpu.region"() ({
      %run_scoped3A = tpu.sem_alloc : memref<!tpu.dma_semaphore, #tpu.memory_space<semaphore_mem>>
      %dma_start3A = arith.constant 0 : i32
      %dma_start3A_58 = arith.constant 0 : i32
      %dma_start3A_59 = tpu.memref_slice %arg6[%add3A, %dma_start3A, %dma_start3A_58] : memref<32x8x16xf32, #tpu.memory_space<hbm>> -> memref<1x8x16xf32, #tpu.memory_space<hbm>>
      %dma_start3A_60 = tpu.memref_squeeze %dma_start3A_59 : memref<1x8x16xf32, #tpu.memory_space<hbm>> -> memref<8x16xf32, #tpu.memory_space<hbm>>
      %dma_start3A_61 = arith.constant 0 : i32
      %dma_start3A_62 = arith.constant 0 : i32
      %dma_start3A_63 = tpu.memref_slice %arg6[%add3A, %dma_start3A_61, %dma_start3A_62] : memref<32x8x16xf32, #tpu.memory_space<hbm>> -> memref<1x8x16xf32, #tpu.memory_space<hbm>>
      %dma_start3A_64 = tpu.memref_squeeze %dma_start3A_63 : memref<1x8x16xf32, #tpu.memory_space<hbm>> -> memref<8x16xf32, #tpu.memory_space<hbm>>
      tpu.enqueue_dma source(%arg11 : memref<8x16xf32, #tpu.memory_space<vmem>>) target(%dma_start3A_64 : memref<8x16xf32, #tpu.memory_space<hbm>>) target_semaphore(%run_scoped3A : memref<!tpu.dma_semaphore, #tpu.memory_space<semaphore_mem>>)
      %dma_wait3A = arith.constant 0 : i32
      %dma_wait3A_65 = arith.constant 0 : i32
      %dma_wait3A_66 = tpu.memref_slice %arg6[%add3A, %dma_wait3A, %dma_wait3A_65] : memref<32x8x16xf32, #tpu.memory_space<hbm>> -> memref<1x8x16xf32, #tpu.memory_space<hbm>>
      %dma_wait3A_67 = tpu.memref_squeeze %dma_wait3A_66 : memref<1x8x16xf32, #tpu.memory_space<hbm>> -> memref<8x16xf32, #tpu.memory_space<hbm>>
      %dma_wait3A_68 = arith.constant 0 : i32
      %dma_wait3A_69 = arith.constant 0 : i32
      %dma_wait3A_70 = tpu.memref_slice %arg6[%add3A, %dma_wait3A_68, %dma_wait3A_69] : memref<32x8x16xf32, #tpu.memory_space<hbm>> -> memref<1x8x16xf32, #tpu.memory_space<hbm>>
      %dma_wait3A_71 = tpu.memref_squeeze %dma_wait3A_70 : memref<1x8x16xf32, #tpu.memory_space<hbm>> -> memref<8x16xf32, #tpu.memory_space<hbm>>
      tpu.wait_dma2 semaphore(%run_scoped3A : memref<!tpu.dma_semaphore, #tpu.memory_space<semaphore_mem>>) src(%arg11 : memref<8x16xf32, #tpu.memory_space<vmem>>) dst(%dma_wait3A_71 : memref<8x16xf32, #tpu.memory_space<hbm>>)
      tpu.yield
    }) : () -> ()
    return
  }
}

module attributes {stable_mosaic.version = 14 : i64} {
  func.func @_tc_finish(%arg0: memref<32x8x16xf32, #tpu.memory_space<vmem>>, %arg1: memref<1x8xf32, #tpu.memory_space<vmem>>) attributes {dimension_semantics = [], scalar_prefetch = 0 : i64, scratch_operands = 0 : i64, tpu.core_type = #tpu.core_type<tc>} {
    %get3A = arith.constant 0 : index
    %get3A_0 = arith.constant 0 : index
    %get3A_1 = arith.constant 0 : index
    %get3A_2 = vector.load %arg0[%get3A, %get3A_0, %get3A_1] : memref<32x8x16xf32, #tpu.memory_space<vmem>>, vector<32x8x16xf32>
    %reduce_sum3A = arith.constant dense<0.000000e+00> : vector<8xf32>
    %reduce_sum3A_3 = vector.multi_reduction <add>, %get3A_2, %reduce_sum3A [0, 2] : vector<32x8x16xf32> to vector<8xf32>
    %reshape3A = vector.shape_cast %reduce_sum3A_3 : vector<8xf32> to vector<1x8xf32>
    %logistic3A = arith.negf %reshape3A : vector<1x8xf32>
    %logistic3A_4 = math.exp %logistic3A : vector<1x8xf32>
    %logistic3A_5 = arith.constant 1.000000e+00 : f32
    %logistic3A_6 = vector.broadcast %logistic3A_5 : f32 to vector<1x8xf32>
    %logistic3A_7 = arith.addf %logistic3A_6, %logistic3A_4 : vector<1x8xf32>
    %logistic3A_8 = arith.divf %logistic3A_6, %logistic3A_7 : vector<1x8xf32>
    %swap3A = arith.constant 0 : index
    %swap3A_9 = arith.constant 0 : index
    %swap3A_10 = vector.load %arg1[%swap3A, %swap3A_9] : memref<1x8xf32, #tpu.memory_space<vmem>>, vector<1x8xf32>
    tpu.vector_store %arg1[%swap3A, %swap3A_9], %logistic3A_8 {strides = array<i32>} : memref<1x8xf32, #tpu.memory_space<vmem>>, vector<1x8xf32>,
    return
  }
}

</mosaic_0001>

<sc_bundles>
// kernel: kernel.4.cloned.1.call-start
scs
__scs_entry_jumppad:
0x0: {  	(pc) =	sbr.rel $0x88, $3  }
0x1: {  	(tag) =	ssettag $0x0;
	lr =	simm.s32 $0x1  }
0x2: {  	[smem:$0x3F9E] =	sst lr;
	_ =	strace $0xD0000000  }
0x3: {  	_ = 	snop  }
0x4: {  	_ = 	snop  }
0x5: {  	_ = 	snop  }
0x6: {  	_ = 	snop  }
0x7: {  	_ = 	snop  }
__scs_overlays_trampoline_lowered:
0x8: {  	[smem:$0x3FAD] =	sst s0  }
0x9: {  	[smem:$0x3FAE] =	sst s1  }
0xa: {  	[smem:$0x3FAF] =	sst s2  }
0xb: {  	[smem:$0x3FB0] =	sst s3  }
0xc: {  	[smem:$0x3FB1] =	sst s4  }
0xd: {  	[smem:$0x3FB2] =	sst s5  }
0xe: {  	[smem:$0x3FB3] =	sst s6  }
0xf: {  	[smem:$0x3FB4] =	sst s7  }
0x10: {  	[smem:$0x3FB5] =	sst s8  }
0x11: {  	[smem:$0x3FB6] =	sst s9;
	s0 =	simm.s32 @!p0 $0x0  }
0x12: {  	s1 =	sld [smem:$0x3F9C];
	s0 =	simm.s32 @p0 $0x1  }
0x13: {  	[smem:$0x3FB7] =	sst s0;
	s0 =	simm.s32 @!p1 $0x0  }
0x14: {  	s2 =	sld [smem:$0x3F9B];
	s0 =	simm.s32 @p1 $0x1  }
0x15: {  	[smem:$0x3FB8] =	sst s0;
	s0 =	simm.s32 @!p2 $0x0  }
0x16: {  	s3 =	sld [smem:$0x3FDB];
	s0 =	simm.s32 @p2 $0x1  }
0x17: {  	s4 =	simm.s32 $0x1BF5;
	[smem:$0x3FBA] =	sst s0  }
0x18: {  	s0 =	sld [smem:$0x3F9D];
	_ =	swait.ge [sflag:s4], $0x0  }
0x19: {  	s7 =	sld [smem:$0x3F9E]  }
0x1a: {  	s8 =	sadd.s32 $0xFFFFE003, lr  }
0x1b: {  	s9 =	sadd.s32 $0xFFFFFEF7, lr;
	s5 =	simm.s32 $0xFFFFFFFF;
	p2 =	slt.u32 s8, $0xFFFFF086  }
0x1c: {  	p1 =	slt.u32 s9, $0xF7A;
	s5 =	simm.s32 @!p2 $0x0  }
0x1d: {  	s5 =	simm.s32 @p1 $0x1;
	p0 =	seq.s32 s7, s2  }
0x1e: {  	s7 =	smul.u32 @!p0 $0xF7A, s2;
	p2 =	seq.s32 @!p0 s5, $0x0  }
0x1f: {  	s9 =	smul.u32 $0xF7A, s1;
	s8 =	simm.s32 @!p0 $0x1BF5;
	p2 =	por !p2, p0  }
0x20: {  	[sflag:s8] =	ssyncset.s32 @!p0 $0xFFFFF086;
	s6 =	sadd.s32 @!p0 s3, s7;
	s7 =	simm.s32 @!p0 $0x108  }
0x21: {  	s3 =	sadd.s32 s3, s9;
	s6 =	sadd.s32 @!p0 $0x88, s6;
	s7 =	simm.s32 @p2 $0x1082  }
0x22: {  	[simem:s7], [sflag:s8] =	dma.local @!p0 [hbm:s6], $0xF7A  }
0x23: {  	s9 =	sor.u32 $0xD0000000, s2;
	s6 =	simm.s32 $0x108;
	_ =	swait.ge @!p0 [sflag:s8], $0x0  }
0x24: {  	s3 =	sadd.s32 $0x88, s3;
	s6 =	simm.s32 @!p1 $0x1082;
	[sflag:s4] =	ssyncset.s32 $0xFFFFF086  }
0x25: {  	[simem:s6], [sflag:s4] =	dma.local [hbm:s3], $0xF7A  }
0x26: {  	[smem:$0x3F9E] =	sst s1;
	(tag) =	ssettag s2;
	_ =	strace s9  }
0x27: {  	s1 =	sld [smem:$0x3FAE]  }
0x28: {  	s2 =	sld [smem:$0x3FAF]  }
0x29: {  	s4 =	sld [smem:$0x3FB1]  }
0x2a: {  	p0 =	seq.s32 s5, $0x0;
	s5 =	sld [smem:$0x3FB2]  }
0x2b: {  	s6 =	sld [smem:$0x3FB3]  }
0x2c: {  	s7 =	sld [smem:$0x3FB4]  }
0x2d: {  	s3 =	simm.s32 $0x108;
	s8 =	sld [smem:$0x3FB5]  }
0x2e: {  	s3 =	simm.s32 @!p0 $0x1082;
	s9 =	sld [smem:$0x3FB6]  }
0x2f: {  	lr =	sadd.s32 s0, s3;
	s0 =	sld [smem:$0x3FAD]  }
0x30: {  	s3 =	sld [smem:$0x3FB0]  }
0x31: {  	[smem:$0x3FB9] =	sst s10  }
0x32: {  	s10 =	sld [smem:$0x3FB7];
	_ =	sdelay $0x3  }
0x33: {  	p0 =	seq.s32 s10, $0x1;
	s10 =	sld [smem:$0x3FB9];
	_ =	sdelay $0x3  }
0x34: {  	[smem:$0x3FB9] =	sst s10  }
0x35: {  	s10 =	sld [smem:$0x3FB8];
	_ =	sdelay $0x3  }
0x36: {  	p1 =	seq.s32 s10, $0x1;
	s10 =	sld [smem:$0x3FB9];
	_ =	sdelay $0x3  }
0x37: {  	[smem:$0x3FB9] =	sst s10  }
0x38: {  	s10 =	sld [smem:$0x3FBA]  }
0x39: {  	_ = 	snop;
	(pc) =	sbr.ind lr, $3  }
0x3a: {  	_ = 	snop  }
0x3b: {  	_ = 	snop  }
0x3c: {  	p2 =	seq.s32 s10, $0x1;
	s10 =	sld [smem:$0x3FB9]  }
0x3d: {  	_ =	shalt  }
0x3e: {  	_ =	shalt  }
0x3f: {  	_ =	shalt  }
0x40: {  	_ =	shalt  }
0x41: {  	_ =	shalt  }
0x42: {  	_ =	shalt  }
0x43: {  	_ =	shalt  }
0x44: {  	_ =	shalt  }
0x45: {  	_ =	shalt  }
0x46: {  	_ =	shalt  }
0x47: {  	_ =	shalt  }
0x48: {  	_ =	shalt  }
0x49: {  	_ =	shalt  }
0x4a: {  	_ =	shalt  }
0x4b: {  	_ =	shalt  }
0x4c: {  	_ =	shalt  }
0x4d: {  	_ =	shalt  }
0x4e: {  	_ =	shalt  }
0x4f: {  	_ =	shalt  }
0x50: {  	_ =	shalt  }
0x51: {  	_ =	shalt  }
0x52: {  	_ =	shalt  }
0x53: {  	_ =	shalt  }
0x54: {  	_ =	shalt  }
0x55: {  	_ =	shalt  }
0x56: {  	_ =	shalt  }
0x57: {  	_ =	shalt  }
0x58: {  	_ =	shalt  }
0x59: {  	_ =	shalt  }
0x5a: {  	_ =	shalt  }
0x5b: {  	_ =	shalt  }
0x5c: {  	_ =	shalt  }
0x5d: {  	_ =	shalt  }
0x5e: {  	_ =	shalt  }
0x5f: {  	_ =	shalt  }
0x60: {  	_ =	shalt  }
0x61: {  	_ =	shalt  }
0x62: {  	_ =	shalt  }
0x63: {  	_ =	shalt  }
0x64: {  	_ =	shalt  }
0x65: {  	_ =	shalt  }
0x66: {  	_ =	shalt  }
0x67: {  	_ =	shalt  }
0x68: {  	_ =	shalt  }
0x69: {  	_ =	shalt  }
0x6a: {  	_ =	shalt  }
0x6b: {  	_ =	shalt  }
0x6c: {  	_ =	shalt  }
0x6d: {  	_ =	shalt  }
0x6e: {  	_ =	shalt  }
0x6f: {  	_ =	shalt  }
0x70: {  	_ =	shalt  }
0x71: {  	_ =	shalt  }
0x72: {  	_ =	shalt  }
0x73: {  	_ =	shalt  }
0x74: {  	_ =	shalt  }
0x75: {  	_ =	shalt  }
0x76: {  	_ =	shalt  }
0x77: {  	_ =	shalt  }
0x78: {  	_ =	shalt  }
0x79: {  	_ =	shalt  }
0x7a: {  	_ =	shalt  }
0x7b: {  	_ =	shalt  }
0x7c: {  	_ =	shalt  }
0x7d: {  	_ =	shalt  }
0x7e: {  	_ =	shalt  }
0x7f: {  	_ =	shalt  }
0x80: {  	_ =	shalt  }
0x81: {  	_ =	shalt  }
0x82: {  	_ =	shalt  }
0x83: {  	_ =	shalt  }
0x84: {  	_ =	shalt  }
0x85: {  	_ =	shalt  }
0x86: {  	_ =	shalt  }
0x87: {  	_ =	shalt  }
.Lfunc_end0:
.L_simem_size_0:
called_computation.2_lowered:
.L_overlay_start_0:
0x88: {  	s2 =	sld [smem:$0x3FD9]  }
0x89: {  	s3 =	sld [smem:$0x3FFE];
	_ =	sdelay $0x1  }
0x8a: {  	s1 =	srdreg.scid  }
0x8b: {  	s0 =	sand.u32 $0x1, s1  }
0x8c: {  	s16 =	sshll.u32 s0, $0xA;
	s2 =	sadd.s32 s3, s2  }
0x8d: {  	s2 =	sadd.s32 s2, s16  }
0x8e: {  	[smem:$0x3FC5] =	sst s2  }
0x8f: {  	_ = 	snop  }
0x90: {  	(tm) =	ssettm $0x1  }
0x91: {  	s17 =	sld [smem:$0x3FFB];
	_ =	sdelay $0x3  }
0x92: {  	_ =	strace s17  }
0x93: {  	s2 =	sld [smem:$0x3FFC];
	_ =	sdelay $0x3  }
0x94: {  	_ =	strace s2  }
0x95: {  	s2 =	sld [smem:$0x3FFD];
	_ =	sdelay $0x3  }
0x96: {  	_ =	strace s2  }
0x97: {  	_ =	strace $0x8FFFFFFF  }
0x98: {  	s18 =	sld [smem:$0x3FDB];
	_ =	sdelay $0x1  }
0x99: {  	s19 =	simm.s32 $_scs_section_size  }
0x9a: {  	s4 =	simm.s32 $_size__tile_overlayer_lowered;
	s5 =	simm.s32 $_tile_overlayer_lowered  }
0x9b: {  	s22 =	simm.s32 $0x1BFF;
	s21 =	sshll.u32 s5, $0x1;
	s2 =	sadd.s32 s19, s18  }
0x9c: {  	s6 =	simm.s32 $0x0;
	s20 =	sshll.u32 s4, $0x1;
	s4 =	sadd.s32 s21, s2  }
0x9d: {  	[timem:s6], [sflag:s22] =	dma.local [hbm:s4], s20  }
0x9e: {  	_ =	swait.ge [sflag:s22], s20  }
0x9f: {  	s3 =	ssub.s32 $0x0, s20;
	[sflag:s22] =	ssyncset.done $0x0  }
0xa0: {  	[sflag:s22] =	ssyncadd.s32 s3;
	_ =	sdelay $0x1  }
0xa1: {  	s23 =	simm.s32 $0x1B8B  }
0xa2: {  	_ =	swait.ge [sflag:s23], $0x1  }
0xa3: {  	[sflag:s23] =	ssyncset.done $0x0  }
0xa4: {  	s25 =	simm.s32 $0x1B8E;
	s24 =	sld [smem:$0x3FFE];
	[sflag:s23] =	ssyncadd.s32 $0xFFFFFFFF  }
0xa5: {  	s26 =	simm.s32 $execute0_lowered;
	[smem:$0x3FD2] =	sst s25  }
0xa6: {  	s4 =	sshll.u32 s26, $0x1;
	_ =	strace $0x8000004C;
	[dreg:$0x1] =	wrdreg $0xFFFFFFFF  }
0xa7: {  	s28 =	simm.s32 $_size_execute0_lowered;
	s2 =	sadd.s32 s2, s4;
	[dreg:$0x0] =	wrdreg $0x0  }
0xa8: {  	s4 =	sshll.u32 s28, $0x1;
	[dreg:$0x2] =	wrdreg s2  }
0xa9: {  	[dreg:$0x3] =	wrdreg s4  }
0xaa: {  	[dreg:$0x4] =	wrdreg $0xC0  }
0xab: {  	_ =	task [dreg:s6], $0x5FFFF  }
0xac: {  	[dreg:$0x1] =	wrdreg $0xFFFFFFFF  }
0xad: {  	[dreg:$0x0] =	wrdreg $0x60  }
0xae: {  	[dreg:$0x2] =	wrdreg s24  }
0xaf: {  	[dreg:$0x3] =	wrdreg $0x9  }
0xb0: {  	_ =	task.clear_ibuf [dreg:s6], $0x4FFFF;
	_ =	strace $0x9000004C  }
0xb1: {  	s29 =	simm.s32 $0x9;
	_ =	strace $0x8000004E  }
0xb2: {  	_ =	swait.ge [sflag:s29], $0x1  }
0xb3: {  	[sflag:s29] =	ssyncadd.s32 $0xFFFFFFFF  }
0xb4: {  	_ =	strace $0x9000004E  }
0xb5: {  	_ =	sfence  }
0xb6: {  	s30 =	sld [smem:$0x0];
	_ =	sdelay $0x2  }
0xb7: {  	s31 =	sshll.u32 s1, $0xD;
	s1 =	sshrl.u32 s1, $0x2  }
0xb8: {  	s3 =	sand.u32 $0x4000, s31;
	s1 =	sadd.s32 s1, s30  }
0xb9: {  	s0 =	sor.u32 s3, s0;
	s1 =	sshll.u32 s1, $0x11  }
0xba: {  	s0 =	sor.u32 s1, s0  }
0xbb: {  	s0 =	sadd.s32 $0x8F2B, s0  }
0xbc: {  	[sflag:s0] =	ssyncadd.remote.s32 $0x1  }
0xbd: {  	_ =	sfence.sel $0xFFFF  }
0xbe: {  	[dreg:$0x0] =	wrdreg $0xFFFFFFFF;
	(pc) =	sbr.abs _section_cstart, $3  }
0xbf: {  	[dreg:$0x1] =	wrdreg $0xFFFFFFFF  }
0xc0: {  	_ =	task.clear_ibuf [dreg:s6], $0x2FFFF;
	_ =	strace $0x9FFFFFFF  }
0xc1: {  	(tm) =	ssettm $0x7FFFFFFF  }
tec
execute0_lowered:
.L_overlay_start_1:
0x0: {  	(tag) =	ssettag $0x1  }
0x1: {  	s1 =	srdreg.scid  }
0x2: {  	s0 =	stileid.u32;
	s5 =	rddreg [dreg:$0x0]  }
0x3: {  	s2 =	simm.s32 $0x0;
	s10 =	simm.s32 $0x1900;
	s11 =	simm.s32 $0x50  }
0x4: {  	s12 =	simm.s32 $0x1980;
	s13 =	simm.s32 $0x2D80;
	s14 =	simm.s32 $0x4180  }
0x5: {  	s15 =	simm.s32 $0x5580;
	s16 =	simm.s32 $0x6980;
	s17 =	simm.s32 $0x8  }
0x6: {  	s18 =	simm.s32 $0x7D80;
	s19 =	simm.s32 $0x1;
	s20 =	simm.s32 $0x8D80  }
0x7: {  	s4 =	sand.u32 $0x1, s1;
	s30 =	sshll.u32 s0, $0x1;
	s1 =	rddreg [dreg:$0x1]  }
0x8: {  	s21 =	simm.s32 $0x0;
	[smem:$0x7FF] =	sst s2;
	s6 =	sor.u32 s4, s30  }
0x9: {  	_ =	strace $0x8000004D;
	s8 =	ssub.s32 $0x2, s4;
	s3 =	smul.u32 $0x320, s6  }
0xa: {  	s4 =	sadd.s32 $0x61B800, s5;
	s6 =	sshll.u32 s6, $0x4;
	s31 =	sshrl.u32 s8, $0x1  }
0xb: {  	s9 =	sadd.s32 s6, s5;
	s8 =	ssub.s32 s8, s31;
	s7 =	sadd.s32 s3, s5  }
0xc: {  	s3 =	sadd.s32 $0xDC3000, s5;
	s6 =	sadd.s32 $0xC36000, s9;
	s8 =	smax.u32 s8, $0x1  }
0xd: {  	s5 =	sadd.s32 $0xC36200, s7;
	s7 =	sadd.s32 $0xC3C600, s9;
	s9 =	simm.s32 $0x2  }
.LBB2_1:
0xe: {  	[tilespmem:s2], [sflag:$0x2] =	stream.linear.gather [hbm4b:s5+s2], $0x1900, $0x38;
	[tilespmem:$0x8E00] =	vst v63  }
0xf: {  	_ =	swait.ge [sflag:s9], $0x1900  }
0x10: {  	[sflag:s9] =	ssyncset.done $0x0  }
0x11: {  	[sflag:s9] =	ssyncadd.s32 $0xFFFFE700  }
0x12: {  	[tilespmem:s10], [sflag:$0x2] =	stream.linear.gather [hbm4b:s6+s2], $0x80, $0x38;
	[tilespmem:$0x8E00] =	vst v63  }
0x13: {  	v0 =	vimm.f32 $0.0e+00;
	v1 =	vimm.f32 $0.0e+00;
	_ =	swait.ge [sflag:s9], $0x80  }
0x14: {  	v6 =	vimm.f32 $0.0e+00;
	v7 =	vimm.f32 $0.0e+00;
	v2 =	vimm.f32 $0.0e+00;
	[sflag:s9] =	ssyncset.done $0x0  }
0x15: {  	v3 =	vimm.f32 $0.0e+00;
	v4 =	vimm.f32 $0.0e+00;
	v5 =	vimm.f32 $0.0e+00;
	s22 =	simm.s32 $0x0;
	[sflag:s9] =	ssyncadd.s32 $0xFFFFFF80  }
.LBB2_2:
0x16: {  	s23 =	smul.u32 $0x640, s22;
	_ =	sdelay $0x1  }
0x17: {  	s23 =	sshra.s32 s23, $0x2  }
0x18: {  	[tilespmem:s12], [sflag:$0x1] =	stream.indirect.gather [hbm4b:s3+s11], $0x40, s23, s11, $0xb8;
	[tilespmem:$0x8E00] =	vst v63  }
0x19: {  	s24 =	sadd.s32 $0x50, s23  }
0x1a: {  	[tilespmem:s13], [sflag:$0x1] =	stream.indirect.gather [hbm4b:s3+s11], $0x40, s24, s11, $0xb8;
	[tilespmem:$0x8E00] =	vst v63  }
0x1b: {  	s28 =	sadd.s32 $0xA0, s23  }
0x1c: {  	[tilespmem:s14], [sflag:$0x1] =	stream.indirect.gather [hbm4b:s3+s11], $0x40, s28, s11, $0xb8;
	[tilespmem:$0x8E00] =	vst v63  }
0x1d: {  	s29 =	sadd.s32 $0xF0, s23  }
0x1e: {  	[tilespmem:s15], [sflag:$0x1] =	stream.indirect.gather [hbm4b:s3+s11], $0x40, s29, s11, $0xb8;
	[tilespmem:$0x8E00] =	vst v63  }
0x1f: {  	s30 =	sshll.u32 s22, $0x3;
	s23 =	sadd.s32 $0x140, s23  }
0x20: {  	[tilespmem:s16], [sflag:$0x1] =	stream.indirect.gather [hbm4b:s3+s11], $0x40, s23, s11, $0xb8;
	[tilespmem:$0x8E00] =	vst v63  }
0x21: {  	s23 =	sand.u32 $0x3FFFFFF8, s30  }
0x22: {  	s23 =	sadd.s32 $0x1900, s23  }
0x23: {  	[tilespmem:s18], [sflag:$0x1] =	stream.indirect.gather [hbm4b:s4+s17], $0x200, s23, s17, $0xb8;
	[tilespmem:$0x8E00] =	vst v63  }
0x24: {  	_ =	swait.ge [sflag:s19], $0x1400  }
0x25: {  	[sflag:s19] =	ssyncset.done $0x0  }
0x26: {  	[sflag:s19] =	ssyncadd.s32 $0xFFFFEC00  }
0x27: {  	_ =	swait.ge [sflag:s19], $0x1400  }
0x28: {  	[sflag:s19] =	ssyncset.done $0x0  }
0x29: {  	[sflag:s19] =	ssyncadd.s32 $0xFFFFEC00  }
0x2a: {  	_ =	swait.ge [sflag:s19], $0x1400  }
0x2b: {  	[sflag:s19] =	ssyncset.done $0x0  }
0x2c: {  	[sflag:s19] =	ssyncadd.s32 $0xFFFFEC00  }
0x2d: {  	_ =	swait.ge [sflag:s19], $0x1400  }
0x2e: {  	[sflag:s19] =	ssyncset.done $0x0  }
0x2f: {  	[sflag:s19] =	ssyncadd.s32 $0xFFFFEC00  }
0x30: {  	_ =	swait.ge [sflag:s19], $0x1400  }
0x31: {  	[sflag:s19] =	ssyncset.done $0x0  }
0x32: {  	[sflag:s19] =	ssyncadd.s32 $0xFFFFEC00  }
0x33: {  	_ =	swait.ge [sflag:s19], $0x1000  }
0x34: {  	[sflag:s19] =	ssyncset.done $0x0  }
0x35: {  	s31 =	simm.s32 $0x0;
	[sflag:s19] =	ssyncadd.s32 $0xFFFFF000  }
0x36: {  	v14 =	vld [tilespmem:s31+$0x19B0]  }
0x37: {  	v15 =	vld [tilespmem:s31+$0x1980]  }
0x38: {  	v16 =	vimm.f32 $0.0e+00;
	v13 =	vld [tilespmem:s31+$0x1990]  }
0x39: {  	v8 =	vimm.f32 $0.0e+00;
	v10 =	vimm.f32 $0.0e+00;
	v18 =	vimm.f32 $0.0e+00;
	s23 =	simm.s32 $0x100;
	v17 =	vld [tilespmem:s31+$0x19A0]  }
.LBB2_3:
0x3a: {  	p0 =	sne.s32 s23, $0x3100  }
.Ltmp0:
0x3b: {  	s24 =	sshra.s32 s23, $0x2;
	s23 =	sadd.s32 $0x100, s23;
	v16 =	vadd.f32 v14, v16;
	(pc) =	sbr.rel @p0 .LBB2_3-.Ltmp0, $4  }
0x3c: {  	v14 =	vld [tilespmem:s24+$0x19B0];
	v8 =	vadd.f32 v15, v8  }
0x3d: {  	v15 =	vld [tilespmem:s24+$0x1980];
	v10 =	vadd.f32 v13, v10  }
0x3e: {  	v13 =	vld [tilespmem:s24+$0x1990];
	v18 =	vadd.f32 v17, v18  }
0x3f: {  	v17 =	vld [tilespmem:s24+$0x19A0]  }
0x40: {  	v9 =	vld [tilespmem:$0x7D90];
	_ =	sdelay $0x4  }
0x41: {  	[tilespmem:$0x1FE10] =	vst v9;
	v9 =	vld [tilespmem:$0x7DA0];
	_ =	sdelay $0x4  }
0x42: {  	[tilespmem:$0x1FE20] =	vst v9;
	v9 =	vld [tilespmem:$0x7DB0];
	_ =	sdelay $0x4  }
0x43: {  	[tilespmem:$0x1FE30] =	vst v9;
	v9 =	vld [tilespmem:$0x7DC0];
	_ =	sdelay $0x4  }
0x44: {  	[tilespmem:$0x1FE40] =	vst v9;
	v9 =	vld [tilespmem:$0x7DD0];
	_ =	sdelay $0x4  }
0x45: {  	[tilespmem:$0x1FE50] =	vst v9;
	v9 =	vld [tilespmem:$0x7DE0];
	_ =	sdelay $0x4  }
0x46: {  	[tilespmem:$0x1FE60] =	vst v9;
	v9 =	vld [tilespmem:$0x7DF0];
	_ =	sdelay $0x4  }
0x47: {  	[tilespmem:$0x1FE70] =	vst v9;
	v9 =	vld [tilespmem:$0x7E00];
	_ =	sdelay $0x4  }
0x48: {  	[tilespmem:$0x1FE80] =	vst v9;
	v9 =	vld [tilespmem:$0x7E10];
	_ =	sdelay $0x4  }
0x49: {  	[tilespmem:$0x1FE90] =	vst v9;
	v9 =	vld [tilespmem:$0x7E20];
	_ =	sdelay $0x4  }
0x4a: {  	[tilespmem:$0x1FEA0] =	vst v9;
	v9 =	vld [tilespmem:$0x7E30];
	_ =	sdelay $0x4  }
0x4b: {  	[tilespmem:$0x1FEB0] =	vst v9;
	v9 =	vld [tilespmem:$0x7E40];
	_ =	sdelay $0x4  }
0x4c: {  	[tilespmem:$0x1FEC0] =	vst v9;
	v9 =	vld [tilespmem:$0x7E50];
	_ =	sdelay $0x4  }
0x4d: {  	[tilespmem:$0x1FED0] =	vst v9;
	v9 =	vld [tilespmem:$0x7E60];
	_ =	sdelay $0x4  }
0x4e: {  	[tilespmem:$0x1FEE0] =	vst v9;
	v9 =	vld [tilespmem:$0x7E70];
	_ =	sdelay $0x4  }
0x4f: {  	[tilespmem:$0x1FEF0] =	vst v9;
	v9 =	vld [tilespmem:$0x7E80];
	_ =	sdelay $0x4  }
0x50: {  	[tilespmem:$0x1FF00] =	vst v9;
	v9 =	vld [tilespmem:$0x7E90];
	_ =	sdelay $0x4  }
0x51: {  	[tilespmem:$0x1FF10] =	vst v9;
	v9 =	vld [tilespmem:$0x7EA0];
	_ =	sdelay $0x4  }
0x52: {  	[tilespmem:$0x1FF20] =	vst v9;
	v9 =	vld [tilespmem:$0x7EB0];
	_ =	sdelay $0x4  }
0x53: {  	[tilespmem:$0x1FF30] =	vst v9;
	v9 =	vld [tilespmem:$0x7EC0];
	_ =	sdelay $0x4  }
0x54: {  	[tilespmem:$0x1FF40] =	vst v9;
	v9 =	vld [tilespmem:$0x7ED0];
	_ =	sdelay $0x4  }
0x55: {  	[tilespmem:$0x1FF50] =	vst v9;
	v9 =	vld [tilespmem:$0x7EE0];
	_ =	sdelay $0x4  }
0x56: {  	[tilespmem:$0x1FF60] =	vst v9;
	v9 =	vld [tilespmem:$0x7EF0];
	_ =	sdelay $0x4  }
0x57: {  	[tilespmem:$0x1FF70] =	vst v9;
	v9 =	vld [tilespmem:$0x7F00];
	_ =	sdelay $0x4  }
0x58: {  	[tilespmem:$0x1FF80] =	vst v9;
	v9 =	vld [tilespmem:$0x7F10];
	_ =	sdelay $0x4  }
0x59: {  	[tilespmem:$0x1FF90] =	vst v9;
	v9 =	vld [tilespmem:$0x7F20];
	_ =	sdelay $0x4  }
0x5a: {  	[tilespmem:$0x1FFA0] =	vst v9;
	v9 =	vld [tilespmem:$0x7F30];
	_ =	sdelay $0x4  }
0x5b: {  	[tilespmem:$0x1FFB0] =	vst v9;
	v9 =	vld [tilespmem:$0x7F40];
	_ =	sdelay $0x4  }
0x5c: {  	[tilespmem:$0x1FFC0] =	vst v9;
	v9 =	vld [tilespmem:$0x7F50];
	_ =	sdelay $0x4  }
0x5d: {  	[tilespmem:$0x1FFD0] =	vst v9;
	v9 =	vld [tilespmem:$0x7F60];
	_ =	sdelay $0x4  }
0x5e: {  	[tilespmem:$0x1FFE0] =	vst v9;
	v9 =	vld [tilespmem:$0x7F70]  }
0x5f: {  	v33 =	vld [tilespmem:$0x7D80];
	s24 =	simm.s32 $0x0  }
0x60: {  	v12 =	vld [tilespmem:s24+$0x2630]  }
0x61: {  	v19 =	vimm.f32 $0.0e+00;
	v30 =	vadd.f32 v14, v16;
	v14 =	vld [tilespmem:s24+$0x2600]  }
0x62: {  	v16 =	vimm.f32 $0.0e+00;
	v44 =	vadd.f32 v15, v8;
	v15 =	vadd.f32 v17, v18;
	v17 =	vld [tilespmem:s24+$0x2610]  }
0x63: {  	s23 =	simm.s32 $0x100;
	v8 =	vimm.f32 $0.0e+00;
	v60 =	vadd.f32 v13, v10;
	v10 =	vimm.f32 $0.0e+00;
	v18 =	vld [tilespmem:s24+$0x2620];
	[tilespmem:$0x1FFF0] =	vst v9  }
.LBB2_5:
0x64: {  	p0 =	sne.s32 s23, $0x3100  }
.Ltmp1:
0x65: {  	s24 =	sshra.s32 s23, $0x2;
	s23 =	sadd.s32 $0x100, s23;
	v16 =	vadd.f32 v12, v16;
	(pc) =	sbr.rel @p0 .LBB2_5-.Ltmp1, $4  }
0x66: {  	v12 =	vld [tilespmem:s24+$0x2630];
	v8 =	vadd.f32 v14, v8  }
0x67: {  	v14 =	vld [tilespmem:s24+$0x2600];
	v10 =	vadd.f32 v17, v10  }
0x68: {  	v17 =	vld [tilespmem:s24+$0x2610];
	v19 =	vadd.f32 v18, v19  }
0x69: {  	v18 =	vld [tilespmem:s24+$0x2620]  }
0x6a: {  	v9 =	vld [tilespmem:$0x7F80];
	_ =	sdelay $0x4  }
0x6b: {  	[tilespmem:$0x1FC10] =	vst v9;
	v9 =	vld [tilespmem:$0x7F90];
	_ =	sdelay $0x4  }
0x6c: {  	[tilespmem:$0x1FC20] =	vst v9;
	v9 =	vld [tilespmem:$0x7FA0];
	_ =	sdelay $0x4  }
0x6d: {  	[tilespmem:$0x1FC30] =	vst v9;
	v9 =	vld [tilespmem:$0x7FB0];
	_ =	sdelay $0x4  }
0x6e: {  	[tilespmem:$0x1FC40] =	vst v9;
	v9 =	vld [tilespmem:$0x7FC0];
	_ =	sdelay $0x4  }
0x6f: {  	[tilespmem:$0x1FC50] =	vst v9;
	v9 =	vld [tilespmem:$0x7FD0];
	_ =	sdelay $0x4  }
0x70: {  	[tilespmem:$0x1FC60] =	vst v9;
	v9 =	vld [tilespmem:$0x7FE0];
	_ =	sdelay $0x4  }
0x71: {  	[tilespmem:$0x1FC70] =	vst v9;
	v9 =	vld [tilespmem:$0x7FF0];
	_ =	sdelay $0x4  }
0x72: {  	[tilespmem:$0x1FC80] =	vst v9;
	v9 =	vld [tilespmem:$0x8000];
	_ =	sdelay $0x4  }
0x73: {  	[tilespmem:$0x1FC90] =	vst v9;
	v9 =	vld [tilespmem:$0x8010];
	_ =	sdelay $0x4  }
0x74: {  	[tilespmem:$0x1FCA0] =	vst v9;
	v9 =	vld [tilespmem:$0x8020];
	_ =	sdelay $0x4  }
0x75: {  	[tilespmem:$0x1FCB0] =	vst v9;
	v9 =	vld [tilespmem:$0x8030];
	_ =	sdelay $0x4  }
0x76: {  	[tilespmem:$0x1FCC0] =	vst v9;
	v9 =	vld [tilespmem:$0x8040];
	_ =	sdelay $0x4  }
0x77: {  	[tilespmem:$0x1FCD0] =	vst v9;
	v9 =	vld [tilespmem:$0x8050];
	_ =	sdelay $0x4  }
0x78: {  	[tilespmem:$0x1FCE0] =	vst v9;
	v9 =	vld [tilespmem:$0x8060];
	_ =	sdelay $0x4  }
0x79: {  	[tilespmem:$0x1FCF0] =	vst v9;
	v9 =	vld [tilespmem:$0x8070];
	_ =	sdelay $0x4  }
0x7a: {  	[tilespmem:$0x1FD00] =	vst v9;
	v9 =	vld [tilespmem:$0x8080];
	_ =	sdelay $0x4  }
0x7b: {  	[tilespmem:$0x1FD10] =	vst v9;
	v9 =	vld [tilespmem:$0x8090];
	_ =	sdelay $0x4  }
0x7c: {  	[tilespmem:$0x1FD20] =	vst v9;
	v9 =	vld [tilespmem:$0x80A0];
	_ =	sdelay $0x4  }
0x7d: {  	[tilespmem:$0x1FD30] =	vst v9;
	v9 =	vld [tilespmem:$0x80B0];
	_ =	sdelay $0x4  }
0x7e: {  	[tilespmem:$0x1FD40] =	vst v9;
	v9 =	vld [tilespmem:$0x80C0];
	_ =	sdelay $0x4  }
0x7f: {  	[tilespmem:$0x1FD50] =	vst v9;
	v9 =	vld [tilespmem:$0x80D0];
	_ =	sdelay $0x4  }
0x80: {  	[tilespmem:$0x1FD60] =	vst v9;
	v9 =	vld [tilespmem:$0x80E0];
	_ =	sdelay $0x4  }
0x81: {  	[tilespmem:$0x1FD70] =	vst v9;
	v9 =	vld [tilespmem:$0x80F0];
	_ =	sdelay $0x4  }
0x82: {  	[tilespmem:$0x1FD80] =	vst v9;
	v9 =	vld [tilespmem:$0x8100];
	_ =	sdelay $0x4  }
0x83: {  	[tilespmem:$0x1FD90] =	vst v9;
	v9 =	vld [tilespmem:$0x8110];
	_ =	sdelay $0x4  }
0x84: {  	[tilespmem:$0x1FDA0] =	vst v9;
	v9 =	vld [tilespmem:$0x8120];
	_ =	sdelay $0x4  }
0x85: {  	[tilespmem:$0x1FDB0] =	vst v9;
	v9 =	vld [tilespmem:$0x8130];
	_ =	sdelay $0x4  }
0x86: {  	[tilespmem:$0x1FDC0] =	vst v9;
	v9 =	vld [tilespmem:$0x8140];
	_ =	sdelay $0x4  }
0x87: {  	[tilespmem:$0x1FDD0] =	vst v9;
	v9 =	vld [tilespmem:$0x8150];
	_ =	sdelay $0x4  }
0x88: {  	[tilespmem:$0x1FDE0] =	vst v9;
	v9 =	vld [tilespmem:$0x8160];
	_ =	sdelay $0x4  }
0x89: {  	[tilespmem:$0x1FDF0] =	vst v9;
	v9 =	vld [tilespmem:$0x8170]  }
0x8a: {  	s24 =	simm.s32 $0x0  }
0x8b: {  	v13 =	vld [tilespmem:s24+$0x32B0]  }
0x8c: {  	v21 =	vadd.f32 v12, v16;
	v46 =	vadd.f32 v14, v8;
	v14 =	vld [tilespmem:s24+$0x3280]  }
0x8d: {  	v16 =	vimm.f32 $0.0e+00;
	v8 =	vimm.f32 $0.0e+00;
	v52 =	vadd.f32 v17, v10;
	v17 =	vld [tilespmem:s24+$0x3290]  }
0x8e: {  	s23 =	simm.s32 $0x100;
	v10 =	vimm.f32 $0.0e+00;
	v25 =	vadd.f32 v18, v19;
	v18 =	vld [tilespmem:s24+$0x32A0];
	v19 =	vimm.f32 $0.0e+00;
	[tilespmem:$0x1FE00] =	vst v9  }
.LBB2_7:
0x8f: {  	p0 =	sne.s32 s23, $0x3100  }
.Ltmp2:
0x90: {  	s24 =	sshra.s32 s23, $0x2;
	s23 =	sadd.s32 $0x100, s23;
	v16 =	vadd.f32 v13, v16;
	(pc) =	sbr.rel @p0 .LBB2_7-.Ltmp2, $4  }
0x91: {  	v13 =	vld [tilespmem:s24+$0x32B0];
	v8 =	vadd.f32 v14, v8  }
0x92: {  	v14 =	vld [tilespmem:s24+$0x3280];
	v10 =	vadd.f32 v17, v10  }
0x93: {  	v17 =	vld [tilespmem:s24+$0x3290];
	v19 =	vadd.f32 v18, v19  }
0x94: {  	v18 =	vld [tilespmem:s24+$0x32A0]  }
0x95: {  	v9 =	vld [tilespmem:$0x8190];
	_ =	sdelay $0x4  }
0x96: {  	[tilespmem:$0x1FA30] =	vst v9;
	v9 =	vld [tilespmem:$0x81A0];
	_ =	sdelay $0x4  }
0x97: {  	[tilespmem:$0x1FA40] =	vst v9;
	v9 =	vld [tilespmem:$0x81B0];
	_ =	sdelay $0x4  }
0x98: {  	[tilespmem:$0x1FA50] =	vst v9;
	v9 =	vld [tilespmem:$0x81D0];
	_ =	sdelay $0x4  }
0x99: {  	[tilespmem:$0x1FA60] =	vst v9;
	v9 =	vld [tilespmem:$0x81E0];
	_ =	sdelay $0x4  }
0x9a: {  	[tilespmem:$0x1FA70] =	vst v9;
	v9 =	vld [tilespmem:$0x81F0];
	_ =	sdelay $0x4  }
0x9b: {  	[tilespmem:$0x1FA80] =	vst v9;
	v9 =	vld [tilespmem:$0x8200];
	_ =	sdelay $0x4  }
0x9c: {  	[tilespmem:$0x1FA90] =	vst v9;
	v9 =	vld [tilespmem:$0x8210];
	_ =	sdelay $0x4  }
0x9d: {  	[tilespmem:$0x1FAA0] =	vst v9;
	v9 =	vld [tilespmem:$0x8220];
	_ =	sdelay $0x4  }
0x9e: {  	[tilespmem:$0x1FAB0] =	vst v9;
	v9 =	vld [tilespmem:$0x8230];
	_ =	sdelay $0x4  }
0x9f: {  	[tilespmem:$0x1FAC0] =	vst v9;
	v9 =	vld [tilespmem:$0x8240];
	_ =	sdelay $0x4  }
0xa0: {  	[tilespmem:$0x1FAD0] =	vst v9;
	v9 =	vld [tilespmem:$0x8250];
	_ =	sdelay $0x4  }
0xa1: {  	[tilespmem:$0x1FAE0] =	vst v9;
	v9 =	vld [tilespmem:$0x8260];
	_ =	sdelay $0x4  }
0xa2: {  	[tilespmem:$0x1FAF0] =	vst v9;
	v9 =	vld [tilespmem:$0x8270];
	_ =	sdelay $0x4  }
0xa3: {  	[tilespmem:$0x1FB00] =	vst v9;
	v9 =	vld [tilespmem:$0x8280];
	_ =	sdelay $0x4  }
0xa4: {  	[tilespmem:$0x1FB10] =	vst v9;
	v9 =	vld [tilespmem:$0x8290];
	_ =	sdelay $0x4  }
0xa5: {  	[tilespmem:$0x1FB20] =	vst v9;
	v9 =	vld [tilespmem:$0x82A0];
	_ =	sdelay $0x4  }
0xa6: {  	[tilespmem:$0x1FB30] =	vst v9;
	v9 =	vld [tilespmem:$0x82B0];
	_ =	sdelay $0x4  }
0xa7: {  	[tilespmem:$0x1FB40] =	vst v9;
	v9 =	vld [tilespmem:$0x82C0];
	_ =	sdelay $0x4  }
0xa8: {  	[tilespmem:$0x1FB50] =	vst v9;
	v9 =	vld [tilespmem:$0x82D0];
	_ =	sdelay $0x4  }
0xa9: {  	[tilespmem:$0x1FB60] =	vst v9;
	v9 =	vld [tilespmem:$0x82E0];
	_ =	sdelay $0x4  }
0xaa: {  	[tilespmem:$0x1FB70] =	vst v9;
	v9 =	vld [tilespmem:$0x82F0];
	_ =	sdelay $0x4  }
0xab: {  	[tilespmem:$0x1FB80] =	vst v9;
	v9 =	vld [tilespmem:$0x8300];
	_ =	sdelay $0x4  }
0xac: {  	[tilespmem:$0x1FB90] =	vst v9;
	v9 =	vld [tilespmem:$0x8310];
	_ =	sdelay $0x4  }
0xad: {  	[tilespmem:$0x1FBA0] =	vst v9;
	v9 =	vld [tilespmem:$0x8320];
	_ =	sdelay $0x4  }
0xae: {  	[tilespmem:$0x1FBB0] =	vst v9;
	v9 =	vld [tilespmem:$0x8330];
	_ =	sdelay $0x4  }
0xaf: {  	[tilespmem:$0x1FBC0] =	vst v9;
	v9 =	vld [tilespmem:$0x8340];
	_ =	sdelay $0x4  }
0xb0: {  	[tilespmem:$0x1FBD0] =	vst v9;
	v9 =	vld [tilespmem:$0x8350];
	_ =	sdelay $0x4  }
0xb1: {  	[tilespmem:$0x1FBE0] =	vst v9;
	v9 =	vld [tilespmem:$0x8360];
	_ =	sdelay $0x3  }
0xb2: {  	v40 =	vld [tilespmem:$0x8180]  }
0xb3: {  	[tilespmem:$0x1FBF0] =	vst v9;
	v9 =	vld [tilespmem:$0x8370]  }
0xb4: {  	v47 =	vld [tilespmem:$0x81C0];
	s24 =	simm.s32 $0x0  }
0xb5: {  	v12 =	vld [tilespmem:s24+$0x3F30]  }
0xb6: {  	v34 =	vadd.f32 v13, v16;
	v20 =	vadd.f32 v14, v8;
	v14 =	vld [tilespmem:s24+$0x3F00]  }
0xb7: {  	v16 =	vimm.f32 $0.0e+00;
	v8 =	vimm.f32 $0.0e+00;
	v58 =	vadd.f32 v17, v10;
	v17 =	vld [tilespmem:s24+$0x3F10]  }
0xb8: {  	s23 =	simm.s32 $0x100;
	v10 =	vimm.f32 $0.0e+00;
	v61 =	vadd.f32 v18, v19;
	v18 =	vld [tilespmem:s24+$0x3F20];
	v19 =	vimm.f32 $0.0e+00;
	[tilespmem:$0x1FC00] =	vst v9  }
.LBB2_9:
0xb9: {  	p0 =	sne.s32 s23, $0x3100  }
.Ltmp3:
0xba: {  	s24 =	sshra.s32 s23, $0x2;
	s23 =	sadd.s32 $0x100, s23;
	v16 =	vadd.f32 v12, v16;
	(pc) =	sbr.rel @p0 .LBB2_9-.Ltmp3, $4  }
0xbb: {  	v12 =	vld [tilespmem:s24+$0x3F30];
	v8 =	vadd.f32 v14, v8  }
0xbc: {  	v14 =	vld [tilespmem:s24+$0x3F00];
	v10 =	vadd.f32 v17, v10  }
0xbd: {  	v17 =	vld [tilespmem:s24+$0x3F10];
	v19 =	vadd.f32 v18, v19  }
0xbe: {  	v18 =	vld [tilespmem:s24+$0x3F20]  }
0xbf: {  	v9 =	vld [tilespmem:$0x8390];
	_ =	sdelay $0x4  }
0xc0: {  	[tilespmem:$0x1F850] =	vst v9;
	v9 =	vld [tilespmem:$0x83A0];
	_ =	sdelay $0x4  }
0xc1: {  	[tilespmem:$0x1F860] =	vst v9;
	v9 =	vld [tilespmem:$0x83B0];
	_ =	sdelay $0x4  }
0xc2: {  	[tilespmem:$0x1F870] =	vst v9;
	v9 =	vld [tilespmem:$0x83D0];
	_ =	sdelay $0x4  }
0xc3: {  	[tilespmem:$0x1F880] =	vst v9;
	v9 =	vld [tilespmem:$0x83E0];
	_ =	sdelay $0x4  }
0xc4: {  	[tilespmem:$0x1F890] =	vst v9;
	v9 =	vld [tilespmem:$0x83F0];
	_ =	sdelay $0x4  }
0xc5: {  	[tilespmem:$0x1F8A0] =	vst v9;
	v9 =	vld [tilespmem:$0x8400];
	_ =	sdelay $0x4  }
0xc6: {  	[tilespmem:$0x1F8B0] =	vst v9;
	v9 =	vld [tilespmem:$0x8410];
	_ =	sdelay $0x4  }
0xc7: {  	[tilespmem:$0x1F8C0] =	vst v9;
	v9 =	vld [tilespmem:$0x8420];
	_ =	sdelay $0x4  }
0xc8: {  	[tilespmem:$0x1F8D0] =	vst v9;
	v9 =	vld [tilespmem:$0x8430];
	_ =	sdelay $0x4  }
0xc9: {  	[tilespmem:$0x1F8E0] =	vst v9;
	v9 =	vld [tilespmem:$0x8440];
	_ =	sdelay $0x4  }
0xca: {  	[tilespmem:$0x1F8F0] =	vst v9;
	v9 =	vld [tilespmem:$0x8450];
	_ =	sdelay $0x4  }
0xcb: {  	[tilespmem:$0x1F900] =	vst v9;
	v9 =	vld [tilespmem:$0x8460];
	_ =	sdelay $0x4  }
0xcc: {  	[tilespmem:$0x1F910] =	vst v9;
	v9 =	vld [tilespmem:$0x8470];
	_ =	sdelay $0x4  }
0xcd: {  	[tilespmem:$0x1F920] =	vst v9;
	v9 =	vld [tilespmem:$0x8480];
	_ =	sdelay $0x4  }
0xce: {  	[tilespmem:$0x1F930] =	vst v9;
	v9 =	vld [tilespmem:$0x8490];
	_ =	sdelay $0x4  }
0xcf: {  	[tilespmem:$0x1F940] =	vst v9;
	v9 =	vld [tilespmem:$0x84A0];
	_ =	sdelay $0x4  }
0xd0: {  	[tilespmem:$0x1F950] =	vst v9;
	v9 =	vld [tilespmem:$0x84B0];
	_ =	sdelay $0x4  }
0xd1: {  	[tilespmem:$0x1F960] =	vst v9;
	v9 =	vld [tilespmem:$0x84C0];
	_ =	sdelay $0x4  }
0xd2: {  	[tilespmem:$0x1F970] =	vst v9;
	v9 =	vld [tilespmem:$0x84D0];
	_ =	sdelay $0x4  }
0xd3: {  	[tilespmem:$0x1F980] =	vst v9;
	v9 =	vld [tilespmem:$0x84E0];
	_ =	sdelay $0x4  }
0xd4: {  	[tilespmem:$0x1F990] =	vst v9;
	v9 =	vld [tilespmem:$0x84F0];
	_ =	sdelay $0x4  }
0xd5: {  	[tilespmem:$0x1F9A0] =	vst v9;
	v9 =	vld [tilespmem:$0x8500];
	_ =	sdelay $0x4  }
0xd6: {  	[tilespmem:$0x1F9B0] =	vst v9;
	v9 =	vld [tilespmem:$0x8510];
	_ =	sdelay $0x4  }
0xd7: {  	[tilespmem:$0x1F9C0] =	vst v9;
	v9 =	vld [tilespmem:$0x8520];
	_ =	sdelay $0x4  }
0xd8: {  	[tilespmem:$0x1F9D0] =	vst v9;
	v9 =	vld [tilespmem:$0x8530];
	_ =	sdelay $0x4  }
0xd9: {  	[tilespmem:$0x1F9E0] =	vst v9;
	v9 =	vld [tilespmem:$0x8540];
	_ =	sdelay $0x4  }
0xda: {  	[tilespmem:$0x1F9F0] =	vst v9;
	v9 =	vld [tilespmem:$0x8550];
	_ =	sdelay $0x4  }
0xdb: {  	[tilespmem:$0x1FA00] =	vst v9;
	v9 =	vld [tilespmem:$0x8560];
	_ =	sdelay $0x3  }
0xdc: {  	v43 =	vld [tilespmem:$0x8380]  }
0xdd: {  	[tilespmem:$0x1FA10] =	vst v9;
	v9 =	vld [tilespmem:$0x8570]  }
0xde: {  	v48 =	vld [tilespmem:$0x83C0];
	s24 =	simm.s32 $0x0  }
0xdf: {  	v13 =	vld [tilespmem:s24+$0x4BB0]  }
0xe0: {  	v24 =	vimm.f32 $0.0e+00;
	v54 =	vadd.f32 v14, v8;
	v14 =	vld [tilespmem:s24+$0x4B80]  }
0xe1: {  	v56 =	vadd.f32 v12, v16;
	v16 =	vimm.f32 $0.0e+00;
	v12 =	vadd.f32 v18, v19;
	v19 =	vld [tilespmem:s24+$0x4B90]  }
0xe2: {  	s23 =	simm.s32 $0x100;
	v23 =	vld [tilespmem:s24+$0x4BA0];
	v8 =	vimm.f32 $0.0e+00;
	v31 =	vadd.f32 v17, v10;
	v10 =	vimm.f32 $0.0e+00;
	[tilespmem:$0x1FA20] =	vst v9  }
.LBB2_11:
0xe3: {  	p0 =	sne.s32 s23, $0x3100  }
.Ltmp4:
0xe4: {  	s24 =	sshra.s32 s23, $0x2;
	s23 =	sadd.s32 $0x100, s23;
	v16 =	vadd.f32 v13, v16;
	(pc) =	sbr.rel @p0 .LBB2_11-.Ltmp4, $4  }
0xe5: {  	v13 =	vld [tilespmem:s24+$0x4BB0];
	v8 =	vadd.f32 v14, v8  }
0xe6: {  	v14 =	vld [tilespmem:s24+$0x4B80];
	v10 =	vadd.f32 v19, v10  }
0xe7: {  	v19 =	vld [tilespmem:s24+$0x4B90];
	v24 =	vadd.f32 v23, v24  }
0xe8: {  	v23 =	vld [tilespmem:s24+$0x4BA0]  }
0xe9: {  	v9 =	vld [tilespmem:$0x8590];
	_ =	sdelay $0x4  }
0xea: {  	[tilespmem:$0x1F670] =	vst v9;
	v9 =	vld [tilespmem:$0x85A0];
	_ =	sdelay $0x4  }
0xeb: {  	[tilespmem:$0x1F680] =	vst v9;
	v9 =	vld [tilespmem:$0x85B0];
	_ =	sdelay $0x4  }
0xec: {  	[tilespmem:$0x1F690] =	vst v9;
	v9 =	vld [tilespmem:$0x85D0];
	_ =	sdelay $0x4  }
0xed: {  	[tilespmem:$0x1F6A0] =	vst v9;
	v9 =	vld [tilespmem:$0x85E0];
	_ =	sdelay $0x4  }
0xee: {  	[tilespmem:$0x1F6B0] =	vst v9;
	v9 =	vld [tilespmem:$0x85F0];
	_ =	sdelay $0x4  }
0xef: {  	[tilespmem:$0x1F6C0] =	vst v9;
	v9 =	vld [tilespmem:$0x8600];
	_ =	sdelay $0x4  }
0xf0: {  	[tilespmem:$0x1F6D0] =	vst v9;
	v9 =	vld [tilespmem:$0x8610];
	_ =	sdelay $0x4  }
0xf1: {  	[tilespmem:$0x1F6E0] =	vst v9;
	v9 =	vld [tilespmem:$0x8620];
	_ =	sdelay $0x4  }
0xf2: {  	[tilespmem:$0x1F6F0] =	vst v9;
	v9 =	vld [tilespmem:$0x8630];
	_ =	sdelay $0x4  }
0xf3: {  	[tilespmem:$0x1F700] =	vst v9;
	v9 =	vld [tilespmem:$0x8640];
	_ =	sdelay $0x4  }
0xf4: {  	[tilespmem:$0x1F710] =	vst v9;
	v9 =	vld [tilespmem:$0x8650];
	_ =	sdelay $0x4  }
0xf5: {  	[tilespmem:$0x1F720] =	vst v9;
	v9 =	vld [tilespmem:$0x8660];
	_ =	sdelay $0x4  }
0xf6: {  	[tilespmem:$0x1F730] =	vst v9;
	v9 =	vld [tilespmem:$0x8670];
	_ =	sdelay $0x4  }
0xf7: {  	[tilespmem:$0x1F740] =	vst v9;
	v9 =	vld [tilespmem:$0x8680];
	_ =	sdelay $0x4  }
0xf8: {  	[tilespmem:$0x1F750] =	vst v9;
	v9 =	vld [tilespmem:$0x8690];
	_ =	sdelay $0x4  }
0xf9: {  	[tilespmem:$0x1F760] =	vst v9;
	v9 =	vld [tilespmem:$0x86A0];
	_ =	sdelay $0x4  }
0xfa: {  	[tilespmem:$0x1F770] =	vst v9;
	v9 =	vld [tilespmem:$0x86B0];
	_ =	sdelay $0x4  }
0xfb: {  	[tilespmem:$0x1F780] =	vst v9;
	v9 =	vld [tilespmem:$0x86C0];
	_ =	sdelay $0x4  }
0xfc: {  	[tilespmem:$0x1F790] =	vst v9;
	v9 =	vld [tilespmem:$0x86D0];
	_ =	sdelay $0x4  }
0xfd: {  	[tilespmem:$0x1F7A0] =	vst v9;
	v9 =	vld [tilespmem:$0x86E0];
	_ =	sdelay $0x4  }
0xfe: {  	[tilespmem:$0x1F7B0] =	vst v9;
	v9 =	vld [tilespmem:$0x86F0];
	_ =	sdelay $0x4  }
0xff: {  	[tilespmem:$0x1F7C0] =	vst v9;
	v9 =	vld [tilespmem:$0x8700];
	_ =	sdelay $0x4  }
0x100: {  	[tilespmem:$0x1F7D0] =	vst v9;
	v9 =	vld [tilespmem:$0x8710];
	_ =	sdelay $0x4  }
0x101: {  	[tilespmem:$0x1F7E0] =	vst v9;
	v9 =	vld [tilespmem:$0x8720];
	_ =	sdelay $0x4  }
0x102: {  	[tilespmem:$0x1F7F0] =	vst v9;
	v9 =	vld [tilespmem:$0x8730];
	_ =	sdelay $0x4  }
0x103: {  	[tilespmem:$0x1F800] =	vst v9;
	v9 =	vld [tilespmem:$0x8740];
	_ =	sdelay $0x4  }
0x104: {  	[tilespmem:$0x1F810] =	vst v9;
	v9 =	vld [tilespmem:$0x8750];
	_ =	sdelay $0x4  }
0x105: {  	[tilespmem:$0x1F820] =	vst v9;
	v9 =	vld [tilespmem:$0x8760];
	_ =	sdelay $0x3  }
0x106: {  	v45 =	vld [tilespmem:$0x8580]  }
0x107: {  	[tilespmem:$0x1F830] =	vst v9;
	v9 =	vld [tilespmem:$0x8770]  }
0x108: {  	v49 =	vld [tilespmem:$0x85C0];
	s24 =	simm.s32 $0x0  }
0x109: {  	v17 =	vld [tilespmem:s24+$0x5830]  }
0x10a: {  	v32 =	vimm.f32 $0.0e+00;
	v41 =	vadd.f32 v13, v16;
	v18 =	vld [tilespmem:s24+$0x5800]  }
0x10b: {  	v28 =	vld [tilespmem:s24+$0x5810];
	v22 =	vadd.f32 v14, v8;
	v8 =	vimm.f32 $0.0e+00;
	v59 =	vadd.f32 v19, v10  }
0x10c: {  	s23 =	simm.s32 $0x100;
	v29 =	vld [tilespmem:s24+$0x5820];
	v10 =	vimm.f32 $0.0e+00;
	v27 =	vadd.f32 v23, v24;
	v24 =	vimm.f32 $0.0e+00;
	[tilespmem:$0x1F840] =	vst v9  }
.LBB2_13:
0x10d: {  	p0 =	sne.s32 s23, $0x3100  }
.Ltmp5:
0x10e: {  	s24 =	sshra.s32 s23, $0x2;
	s23 =	sadd.s32 $0x100, s23;
	v24 =	vadd.f32 v17, v24;
	(pc) =	sbr.rel @p0 .LBB2_13-.Ltmp5, $4  }
0x10f: {  	v17 =	vld [tilespmem:s24+$0x5830];
	v8 =	vadd.f32 v18, v8  }
0x110: {  	v18 =	vld [tilespmem:s24+$0x5800];
	v10 =	vadd.f32 v28, v10  }
0x111: {  	v28 =	vld [tilespmem:s24+$0x5810];
	v32 =	vadd.f32 v29, v32  }
0x112: {  	v29 =	vld [tilespmem:s24+$0x5820]  }
0x113: {  	v9 =	vld [tilespmem:$0x87A0];
	_ =	sdelay $0x4  }
0x114: {  	[tilespmem:$0x1F4D0] =	vst v9;
	v9 =	vld [tilespmem:$0x87B0];
	_ =	sdelay $0x4  }
0x115: {  	[tilespmem:$0x1F4E0] =	vst v9;
	v9 =	vld [tilespmem:$0x87F0];
	_ =	sdelay $0x4  }
0x116: {  	[tilespmem:$0x1F4F0] =	vst v9;
	v9 =	vld [tilespmem:$0x8800];
	_ =	sdelay $0x4  }
0x117: {  	[tilespmem:$0x1F500] =	vst v9;
	v9 =	vld [tilespmem:$0x8810];
	_ =	sdelay $0x4  }
0x118: {  	[tilespmem:$0x1F510] =	vst v9;
	v9 =	vld [tilespmem:$0x8820];
	_ =	sdelay $0x4  }
0x119: {  	[tilespmem:$0x1F520] =	vst v9;
	v9 =	vld [tilespmem:$0x8830];
	_ =	sdelay $0x4  }
0x11a: {  	[tilespmem:$0x1F530] =	vst v9;
	v9 =	vld [tilespmem:$0x8850];
	_ =	sdelay $0x4  }
0x11b: {  	[tilespmem:$0x1F540] =	vst v9;
	v9 =	vld [tilespmem:$0x8860];
	_ =	sdelay $0x4  }
0x11c: {  	[tilespmem:$0x1F550] =	vst v9;
	v9 =	vld [tilespmem:$0x8870];
	_ =	sdelay $0x4  }
0x11d: {  	[tilespmem:$0x1F560] =	vst v9;
	v9 =	vld [tilespmem:$0x8880];
	_ =	sdelay $0x4  }
0x11e: {  	[tilespmem:$0x1F570] =	vst v9;
	v9 =	vld [tilespmem:$0x8890];
	_ =	sdelay $0x4  }
0x11f: {  	[tilespmem:$0x1F580] =	vst v9;
	v9 =	vld [tilespmem:$0x88A0];
	_ =	sdelay $0x4  }
0x120: {  	[tilespmem:$0x1F590] =	vst v9;
	v9 =	vld [tilespmem:$0x88B0];
	_ =	sdelay $0x4  }
0x121: {  	[tilespmem:$0x1F5A0] =	vst v9;
	v9 =	vld [tilespmem:$0x88C0];
	_ =	sdelay $0x4  }
0x122: {  	[tilespmem:$0x1F5B0] =	vst v9;
	v9 =	vld [tilespmem:$0x88D0];
	_ =	sdelay $0x4  }
0x123: {  	[tilespmem:$0x1F5C0] =	vst v9;
	v9 =	vld [tilespmem:$0x88E0];
	_ =	sdelay $0x4  }
0x124: {  	[tilespmem:$0x1F5D0] =	vst v9;
	v9 =	vld [tilespmem:$0x88F0];
	_ =	sdelay $0x4  }
0x125: {  	[tilespmem:$0x1F5E0] =	vst v9;
	v9 =	vld [tilespmem:$0x8900];
	_ =	sdelay $0x4  }
0x126: {  	[tilespmem:$0x1F5F0] =	vst v9;
	v9 =	vld [tilespmem:$0x8910];
	_ =	sdelay $0x4  }
0x127: {  	[tilespmem:$0x1F600] =	vst v9;
	v9 =	vld [tilespmem:$0x8920];
	_ =	sdelay $0x4  }
0x128: {  	[tilespmem:$0x1F610] =	vst v9;
	v9 =	vld [tilespmem:$0x8930];
	_ =	sdelay $0x4  }
0x129: {  	[tilespmem:$0x1F620] =	vst v9;
	v9 =	vld [tilespmem:$0x8940];
	_ =	sdelay $0x4  }
0x12a: {  	[tilespmem:$0x1F630] =	vst v9;
	v9 =	vld [tilespmem:$0x8950];
	_ =	sdelay $0x3  }
0x12b: {  	v19 =	vld [tilespmem:$0x8780]  }
0x12c: {  	[tilespmem:$0x1F640] =	vst v9;
	v9 =	vld [tilespmem:$0x8960]  }
0x12d: {  	v14 =	vld [tilespmem:$0x8790]  }
0x12e: {  	v23 =	vld [tilespmem:$0x87C0]  }
0x12f: {  	v16 =	vld [tilespmem:$0x87D0]  }
0x130: {  	v35 =	vld [tilespmem:$0x87E0]  }
0x131: {  	[tilespmem:$0x1F650] =	vst v9;
	v9 =	vld [tilespmem:$0x8970]  }
0x132: {  	v36 =	vld [tilespmem:$0x8840];
	s24 =	simm.s32 $0x0  }
0x133: {  	v13 =	vld [tilespmem:s24+$0x64B0]  }
0x134: {  	v11 =	vimm.f32 $0.0e+00;
	v62 =	vadd.f32 v17, v24;
	v53 =	vld [tilespmem:s24+$0x6480]  }
0x135: {  	v63 =	vld [tilespmem:s24+$0x6490];
	v42 =	vadd.f32 v18, v8;
	v18 =	vimm.f32 $0.0e+00;
	v8 =	vimm.f32 $0.0e+00  }
0x136: {  	s23 =	simm.s32 $0x100;
	v39 =	vadd.f32 v28, v10;
	v10 =	vld [tilespmem:s24+$0x64A0];
	v32 =	vadd.f32 v29, v32;
	[tilespmem:$0x1F660] =	vst v9;
	v9 =	vimm.f32 $0.0e+00  }
.LBB2_15:
0x137: {  	p0 =	sne.s32 s23, $0x3100  }
.Ltmp6:
0x138: {  	s24 =	sshra.s32 s23, $0x2;
	s23 =	sadd.s32 $0x100, s23;
	v18 =	vadd.f32 v13, v18;
	(pc) =	sbr.rel @p0 .LBB2_15-.Ltmp6, $4  }
0x139: {  	v13 =	vld [tilespmem:s24+$0x64B0];
	v11 =	vadd.f32 v53, v11  }
0x13a: {  	v53 =	vld [tilespmem:s24+$0x6480];
	v9 =	vadd.f32 v63, v9  }
0x13b: {  	v63 =	vld [tilespmem:s24+$0x6490];
	v8 =	vadd.f32 v10, v8  }
0x13c: {  	v10 =	vld [tilespmem:s24+$0x64A0]  }
0x13d: {  	v26 =	vld [tilespmem:$0x89F0];
	_ =	sdelay $0x4  }
0x13e: {  	[tilespmem:$0x1F350] =	vst v26;
	v26 =	vld [tilespmem:$0x8A00];
	_ =	sdelay $0x4  }
0x13f: {  	[tilespmem:$0x1F360] =	vst v26;
	v26 =	vld [tilespmem:$0x8A10];
	_ =	sdelay $0x4  }
0x140: {  	[tilespmem:$0x1F370] =	vst v26;
	v26 =	vld [tilespmem:$0x8A20];
	_ =	sdelay $0x4  }
0x141: {  	[tilespmem:$0x1F380] =	vst v26;
	v26 =	vld [tilespmem:$0x8A30];
	_ =	sdelay $0x4  }
0x142: {  	[tilespmem:$0x1F390] =	vst v26;
	v26 =	vld [tilespmem:$0x8A50];
	_ =	sdelay $0x4  }
0x143: {  	[tilespmem:$0x1F3A0] =	vst v26;
	v26 =	vld [tilespmem:$0x8A60];
	_ =	sdelay $0x4  }
0x144: {  	[tilespmem:$0x1F3B0] =	vst v26;
	v26 =	vld [tilespmem:$0x8A70];
	_ =	sdelay $0x4  }
0x145: {  	[tilespmem:$0x1F3C0] =	vst v26;
	v26 =	vld [tilespmem:$0x8A80];
	_ =	sdelay $0x4  }
0x146: {  	[tilespmem:$0x1F3D0] =	vst v26;
	v26 =	vld [tilespmem:$0x8A90];
	_ =	sdelay $0x4  }
0x147: {  	[tilespmem:$0x1F3E0] =	vst v26;
	v26 =	vld [tilespmem:$0x8AA0];
	_ =	sdelay $0x4  }
0x148: {  	[tilespmem:$0x1F3F0] =	vst v26;
	v26 =	vld [tilespmem:$0x8AB0];
	_ =	sdelay $0x4  }
0x149: {  	[tilespmem:$0x1F400] =	vst v26;
	v26 =	vld [tilespmem:$0x8AC0];
	_ =	sdelay $0x4  }
0x14a: {  	[tilespmem:$0x1F410] =	vst v26;
	v26 =	vld [tilespmem:$0x8AD0];
	_ =	sdelay $0x4  }
0x14b: {  	[tilespmem:$0x1F420] =	vst v26;
	v26 =	vld [tilespmem:$0x8AE0];
	_ =	sdelay $0x4  }
0x14c: {  	[tilespmem:$0x1F430] =	vst v26;
	v26 =	vld [tilespmem:$0x8AF0];
	_ =	sdelay $0x4  }
0x14d: {  	[tilespmem:$0x1F440] =	vst v26;
	v26 =	vld [tilespmem:$0x8B00];
	_ =	sdelay $0x4  }
0x14e: {  	[tilespmem:$0x1F450] =	vst v26;
	v26 =	vld [tilespmem:$0x8B10];
	_ =	sdelay $0x4  }
0x14f: {  	[tilespmem:$0x1F460] =	vst v26;
	v26 =	vld [tilespmem:$0x8B20];
	_ =	sdelay $0x4  }
0x150: {  	[tilespmem:$0x1F470] =	vst v26;
	v26 =	vld [tilespmem:$0x8B30];
	_ =	sdelay $0x4  }
0x151: {  	[tilespmem:$0x1F480] =	vst v26;
	v26 =	vld [tilespmem:$0x8B40];
	_ =	sdelay $0x4  }
0x152: {  	[tilespmem:$0x1F490] =	vst v26;
	v26 =	vld [tilespmem:$0x8B50];
	_ =	sdelay $0x4  }
0x153: {  	[tilespmem:$0x1F4A0] =	vst v26;
	v26 =	vld [tilespmem:$0x8B60]  }
0x154: {  	v51 =	vld [tilespmem:$0x8980]  }
0x155: {  	v50 =	vld [tilespmem:$0x8990]  }
0x156: {  	v17 =	vld [tilespmem:$0x89A0]  }
0x157: {  	v24 =	vld [tilespmem:$0x89C0]  }
0x158: {  	[tilespmem:$0x1F4B0] =	vst v26;
	v26 =	vld [tilespmem:$0x8B70]  }
0x159: {  	v37 =	vld [tilespmem:$0x89E0]  }
0x15a: {  	v38 =	vld [tilespmem:$0x8A40]  }
0x15b: {  	s24 =	simm.s32 $0x0;
	[tilespmem:$0x1F330] =	vst v17;
	v17 =	vld [tilespmem:$0x89B0]  }
0x15c: {  	v18 =	vadd.f32 v13, v18;
	v13 =	vadd.f32 v53, v11;
	v11 =	vld [tilespmem:s24+$0x7100]  }
0x15d: {  	[tilespmem:$0x1F4C0] =	vst v26;
	v26 =	vld [tilespmem:s24+$0x7130]  }
0x15e: {  	v53 =	vadd.f32 v63, v9;
	v9 =	vld [tilespmem:s24+$0x7120]  }
0x15f: {  	v55 =	vimm.f32 $0.0e+00;
	v63 =	vadd.f32 v10, v8;
	v10 =	vld [tilespmem:s24+$0x7110]  }
0x160: {  	s23 =	simm.s32 $0x100;
	v29 =	vimm.f32 $0.0e+00;
	v28 =	vimm.f32 $0.0e+00;
	v8 =	vimm.f32 $0.0e+00;
	[tilespmem:$0x1F340] =	vst v17;
	v17 =	vld [tilespmem:$0x89D0]  }
.LBB2_17:
0x161: {  	p0 =	sne.s32 s23, $0x3100  }
.Ltmp7:
0x162: {  	s24 =	sshra.s32 s23, $0x2;
	s23 =	sadd.s32 $0x100, s23;
	v8 =	vadd.f32 v26, v8;
	(pc) =	sbr.rel @p0 .LBB2_17-.Ltmp7, $4  }
0x163: {  	v26 =	vld [tilespmem:s24+$0x7130];
	v55 =	vadd.f32 v11, v55  }
0x164: {  	v11 =	vld [tilespmem:s24+$0x7100];
	v29 =	vadd.f32 v10, v29  }
0x165: {  	v10 =	vld [tilespmem:s24+$0x7110];
	v28 =	vadd.f32 v9, v28  }
0x166: {  	v9 =	vld [tilespmem:s24+$0x7120]  }
0x167: {  	v57 =	vmul.f32 v33, v44;
	_ =	sdelay $0x1  }
0x168: {  	v5 =	vadd.f32 v57, v5;
	v57 =	vld [tilespmem:$0x1FE10];
	_ =	sdelay $0x2  }
0x169: {  	v33 =	vld [tilespmem:$0x1FE40];
	_ =	sdelay $0x1  }
0x16a: {  	v8 =	vadd.f32 v26, v8;
	v26 =	vmul.f32 v57, v60;
	v57 =	vld [tilespmem:$0x1FE50];
	_ =	sdelay $0x2  }
0x16b: {  	v33 =	vmul.f32 v33, v44;
	_ =	sdelay $0x1  }
0x16c: {  	v4 =	vadd.f32 v33, v4;
	v33 =	vmul.f32 v57, v60;
	v57 =	vld [tilespmem:$0x1FE60];
	_ =	sdelay $0x1  }
0x16d: {  	v11 =	vadd.f32 v11, v55;
	v55 =	vld [tilespmem:$0x1FE20]  }
0x16e: {  	v10 =	vadd.f32 v10, v29;
	v29 =	vld [tilespmem:$0x1FE30]  }
0x16f: {  	v4 =	vadd.f32 v33, v4;
	v33 =	vld [tilespmem:$0x1FE80]  }
0x170: {  	v9 =	vadd.f32 v9, v28;
	v28 =	vmul.f32 v57, v15;
	v57 =	vld [tilespmem:$0x1FEC0];
	_ =	sdelay $0x1  }
0x171: {  	v5 =	vadd.f32 v26, v5;
	v26 =	vmul.f32 v55, v15;
	v55 =	vld [tilespmem:$0x1FE70];
	_ =	sdelay $0x1  }
0x172: {  	v5 =	vadd.f32 v26, v5;
	v26 =	vmul.f32 v29, v30  }
0x173: {  	v29 =	vmul.f32 v33, v44;
	v33 =	vmul.f32 v57, v44;
	v57 =	vld [tilespmem:$0x1FED0];
	_ =	sdelay $0x1  }
0x174: {  	v4 =	vadd.f32 v28, v4;
	v28 =	vmul.f32 v55, v30;
	v55 =	vld [tilespmem:$0x1FE90]  }
0x175: {  	v3 =	vadd.f32 v29, v3;
	v29 =	vld [tilespmem:$0x1FEA0]  }
0x176: {  	v2 =	vadd.f32 v33, v2;
	v33 =	vld [tilespmem:$0x1FF00]  }
0x177: {  	v4 =	vadd.f32 v28, v4;
	v28 =	vmul.f32 v57, v60;
	v57 =	vld [tilespmem:$0x1FF40];
	_ =	sdelay $0x1  }
0x178: {  	v5 =	vadd.f32 v26, v5;
	v26 =	vmul.f32 v55, v60;
	v55 =	vld [tilespmem:$0x1FEE0];
	_ =	sdelay $0x1  }
0x179: {  	v3 =	vadd.f32 v26, v3;
	v26 =	vmul.f32 v29, v15  }
0x17a: {  	v29 =	vmul.f32 v33, v44;
	v33 =	vmul.f32 v57, v44;
	v57 =	vld [tilespmem:$0x1FF50];
	_ =	sdelay $0x1  }
0x17b: {  	v2 =	vadd.f32 v28, v2;
	v28 =	vmul.f32 v55, v15;
	v55 =	vld [tilespmem:$0x1FF10]  }
0x17c: {  	v7 =	vadd.f32 v29, v7;
	v29 =	vld [tilespmem:$0x1FEB0]  }
0x17d: {  	v6 =	vadd.f32 v33, v6;
	v33 =	vld [tilespmem:$0x1FEF0]  }
0x17e: {  	v2 =	vadd.f32 v28, v2;
	v28 =	vmul.f32 v57, v60;
	v57 =	vld [tilespmem:$0x1FF60];
	_ =	sdelay $0x1  }
0x17f: {  	v3 =	vadd.f32 v26, v3;
	v26 =	vmul.f32 v55, v60  }
0x180: {  	v55 =	vld [tilespmem:$0x1FF20]  }
0x181: {  	v7 =	vadd.f32 v26, v7;
	v26 =	vmul.f32 v29, v30;
	v29 =	vmul.f32 v33, v30  }
0x182: {  	v6 =	vadd.f32 v28, v6;
	v33 =	vmul.f32 v57, v15  }
0x183: {  	v2 =	vadd.f32 v29, v2;
	v29 =	vld [tilespmem:$0x1FF80]  }
0x184: {  	v6 =	vadd.f32 v33, v6;
	v33 =	vld [tilespmem:$0x1FFC0]  }
0x185: {  	v28 =	vmul.f32 v55, v15;
	v55 =	vld [tilespmem:$0x1FF90]  }
0x186: {  	v57 =	vld [tilespmem:$0x1FFD0];
	_ =	sdelay $0x1  }
0x187: {  	v3 =	vadd.f32 v26, v3;
	v26 =	vmul.f32 v29, v44  }
0x188: {  	v7 =	vadd.f32 v28, v7;
	v28 =	vmul.f32 v33, v44;
	v44 =	vld [tilespmem:$0x1FF30]  }
0x189: {  	v29 =	vmul.f32 v55, v60;
	v1 =	vadd.f32 v26, v1  }
0x18a: {  	v0 =	vadd.f32 v28, v0;
	v28 =	vmul.f32 v57, v60;
	v60 =	vld [tilespmem:$0x1FF70]  }
0x18b: {  	v1 =	vadd.f32 v29, v1;
	v29 =	vld [tilespmem:$0x1FFA0]  }
0x18c: {  	v57 =	vld [tilespmem:$0x1FFB0]  }
0x18d: {  	v26 =	vmul.f32 v44, v30;
	v44 =	vld [tilespmem:$0x1FFE0];
	_ =	sdelay $0x1  }
0x18e: {  	v33 =	vmul.f32 v60, v30;
	v60 =	vld [tilespmem:$0x1FC10]  }
0x18f: {  	v7 =	vadd.f32 v26, v7;
	v26 =	vmul.f32 v29, v15;
	v29 =	vld [tilespmem:$0x1FFF0]  }
0x190: {  	v0 =	vadd.f32 v28, v0;
	v6 =	vadd.f32 v33, v6;
	v33 =	vld [tilespmem:$0x1FC50]  }
0x191: {  	v1 =	vadd.f32 v26, v1;
	v26 =	vmul.f32 v57, v30;
	v57 =	vld [tilespmem:$0x1FC30];
	v55 =	vmul.f32 v44, v15  }
0x192: {  	v44 =	vld [tilespmem:$0x1FC20]  }
0x193: {  	v0 =	vadd.f32 v55, v0;
	v55 =	vld [tilespmem:$0x1FC60]  }
0x194: {  	v28 =	vmul.f32 v60, v46;
	v60 =	vld [tilespmem:$0x1FC90]  }
0x195: {  	v15 =	vmul.f32 v29, v30;
	v30 =	vld [tilespmem:$0x1FC70]  }
0x196: {  	v29 =	vmul.f32 v33, v46;
	v33 =	vld [tilespmem:$0x1FCD0]  }
0x197: {  	v1 =	vadd.f32 v26, v1;
	v5 =	vadd.f32 v28, v5;
	v26 =	vmul.f32 v44, v52;
	v44 =	vld [tilespmem:$0x1FCA0]  }
0x198: {  	v0 =	vadd.f32 v15, v0;
	v15 =	vmul.f32 v55, v52;
	v55 =	vld [tilespmem:$0x1FCE0]  }
0x199: {  	v4 =	vadd.f32 v29, v4;
	v5 =	vadd.f32 v26, v5;
	v26 =	vmul.f32 v57, v25;
	v57 =	vld [tilespmem:$0x1FC40]  }
0x19a: {  	v28 =	vmul.f32 v60, v46;
	v60 =	vld [tilespmem:$0x1FC80]  }
0x19b: {  	v4 =	vadd.f32 v15, v4;
	v15 =	vmul.f32 v30, v25;
	v30 =	vld [tilespmem:$0x1FCB0]  }
0x19c: {  	v29 =	vmul.f32 v33, v46;
	v33 =	vld [tilespmem:$0x1FCF0]  }
0x19d: {  	v5 =	vadd.f32 v26, v5;
	v3 =	vadd.f32 v28, v3;
	v26 =	vmul.f32 v44, v52;
	v44 =	vld [tilespmem:$0x1FD10]  }
0x19e: {  	v4 =	vadd.f32 v15, v4;
	v15 =	vmul.f32 v55, v52;
	v55 =	vld [tilespmem:$0x1FD50]  }
0x19f: {  	v2 =	vadd.f32 v29, v2;
	v3 =	vadd.f32 v26, v3;
	v26 =	vmul.f32 v57, v21;
	v57 =	vld [tilespmem:$0x1FCC0]  }
0x1a0: {  	v28 =	vmul.f32 v60, v21;
	v60 =	vld [tilespmem:$0x1FD20]  }
0x1a1: {  	v2 =	vadd.f32 v15, v2;
	v15 =	vmul.f32 v30, v25;
	v30 =	vld [tilespmem:$0x1FD00]  }
0x1a2: {  	v29 =	vmul.f32 v33, v25;
	v33 =	vld [tilespmem:$0x1FD60]  }
0x1a3: {  	v5 =	vadd.f32 v26, v5;
	v26 =	vmul.f32 v44, v46;
	v44 =	vld [tilespmem:$0x1FD30]  }
0x1a4: {  	v3 =	vadd.f32 v15, v3;
	v15 =	vmul.f32 v55, v46;
	v55 =	vld [tilespmem:$0x1FD70]  }
0x1a5: {  	v7 =	vadd.f32 v26, v7;
	v26 =	vmul.f32 v57, v21;
	v57 =	vld [tilespmem:$0x1FD40]  }
0x1a6: {  	v4 =	vadd.f32 v28, v4;
	v2 =	vadd.f32 v29, v2;
	v28 =	vmul.f32 v60, v52;
	v60 =	vld [tilespmem:$0x1FD90]  }
0x1a7: {  	v6 =	vadd.f32 v15, v6;
	v15 =	vmul.f32 v30, v21;
	v29 =	vmul.f32 v33, v52;
	v30 =	vld [tilespmem:$0x1FDD0]  }
0x1a8: {  	v3 =	vadd.f32 v26, v3;
	v7 =	vadd.f32 v28, v7;
	v33 =	vld [tilespmem:$0x1FD80];
	v26 =	vmul.f32 v44, v25  }
0x1a9: {  	v44 =	vld [tilespmem:$0x1FDA0]  }
0x1aa: {  	v2 =	vadd.f32 v15, v2;
	v7 =	vadd.f32 v26, v7;
	v26 =	vmul.f32 v57, v21;
	v57 =	vld [tilespmem:$0x1FDF0]  }
0x1ab: {  	v6 =	vadd.f32 v29, v6;
	v15 =	vmul.f32 v55, v25;
	v55 =	vmul.f32 v40, v20;
	v40 =	vld [tilespmem:$0x1FE00]  }
0x1ac: {  	v28 =	vmul.f32 v60, v46;
	v60 =	vmul.f32 v47, v20;
	v47 =	vld [tilespmem:$0x1FA70]  }
0x1ad: {  	v6 =	vadd.f32 v15, v6;
	v15 =	vmul.f32 v30, v46;
	v46 =	vld [tilespmem:$0x1FDE0]  }
0x1ae: {  	v30 =	vld [tilespmem:$0x1FA60]  }
0x1af: {  	v29 =	vmul.f32 v33, v21;
	v33 =	vld [tilespmem:$0x1FDC0]  }
0x1b0: {  	v5 =	vadd.f32 v55, v5;
	v55 =	vld [tilespmem:$0x1FAD0]  }
0x1b1: {  	v4 =	vadd.f32 v60, v4;
	v60 =	vld [tilespmem:$0x1FAA0]  }
0x1b2: {  	v1 =	vadd.f32 v28, v1;
	v28 =	vld [tilespmem:$0x1FA80]  }
0x1b3: {  	v7 =	vadd.f32 v26, v7;
	v6 =	vadd.f32 v29, v6;
	v29 =	vld [tilespmem:$0x1FA30]  }
0x1b4: {  	v26 =	vmul.f32 v44, v52;
	v0 =	vadd.f32 v15, v0;
	v15 =	vmul.f32 v46, v52;
	v52 =	vld [tilespmem:$0x1FDB0]  }
0x1b5: {  	v44 =	vmul.f32 v40, v21;
	v40 =	vld [tilespmem:$0x1FAC0]  }
0x1b6: {  	v46 =	vld [tilespmem:$0x1FA40];
	v0 =	vadd.f32 v15, v0;
	v15 =	vmul.f32 v57, v25  }
0x1b7: {  	v57 =	vld [tilespmem:$0x1FA50]  }
0x1b8: {  	v0 =	vadd.f32 v15, v0;
	v15 =	vmul.f32 v30, v58;
	v30 =	vld [tilespmem:$0x1FAB0]  }
0x1b9: {  	v1 =	vadd.f32 v26, v1;
	v26 =	vmul.f32 v52, v25;
	v52 =	vld [tilespmem:$0x1FA90]  }
0x1ba: {  	v25 =	vmul.f32 v33, v21;
	v33 =	vld [tilespmem:$0x1FAF0]  }
0x1bb: {  	v4 =	vadd.f32 v15, v4;
	v0 =	vadd.f32 v44, v0;
	v44 =	vld [tilespmem:$0x1FB10]  }
0x1bc: {  	v15 =	vmul.f32 v46, v61;
	v46 =	vld [tilespmem:$0x1FB00];
	v1 =	vadd.f32 v26, v1;
	v26 =	vmul.f32 v29, v58  }
0x1bd: {  	v29 =	vld [tilespmem:$0x1FAE0]  }
0x1be: {  	v5 =	vadd.f32 v26, v5;
	v26 =	vmul.f32 v47, v61;
	v47 =	vld [tilespmem:$0x1FB50]  }
0x1bf: {  	v1 =	vadd.f32 v25, v1;
	v25 =	vmul.f32 v60, v58;
	v60 =	vld [tilespmem:$0x1FB90]  }
0x1c0: {  	v21 =	vmul.f32 v52, v20;
	v52 =	vld [tilespmem:$0x1FB20]  }
0x1c1: {  	v5 =	vadd.f32 v15, v5;
	v15 =	vmul.f32 v55, v20;
	v55 =	vld [tilespmem:$0x1FB60]  }
0x1c2: {  	v3 =	vadd.f32 v21, v3;
	v21 =	vmul.f32 v57, v34;
	v57 =	vld [tilespmem:$0x1FB30]  }
0x1c3: {  	v4 =	vadd.f32 v26, v4;
	v26 =	vmul.f32 v29, v58;
	v29 =	vld [tilespmem:$0x1FB70]  }
0x1c4: {  	v2 =	vadd.f32 v15, v2;
	v15 =	vmul.f32 v28, v34;
	v28 =	vld [tilespmem:$0x1FBD0]  }
0x1c5: {  	v5 =	vadd.f32 v21, v5;
	v21 =	vmul.f32 v30, v61;
	v30 =	vld [tilespmem:$0x1FBA0]  }
0x1c6: {  	v3 =	vadd.f32 v25, v3;
	v25 =	vmul.f32 v44, v20;
	v44 =	vld [tilespmem:$0x1FB80]  }
0x1c7: {  	v4 =	vadd.f32 v15, v4;
	v15 =	vmul.f32 v33, v61;
	v33 =	vld [tilespmem:$0x1FBE0]  }
0x1c8: {  	v2 =	vadd.f32 v26, v2;
	v26 =	vmul.f32 v47, v20;
	v47 =	vld [tilespmem:$0x1FBF0]  }
0x1c9: {  	v3 =	vadd.f32 v21, v3;
	v21 =	vmul.f32 v40, v34;
	v40 =	vld [tilespmem:$0x1FB40]  }
0x1ca: {  	v7 =	vadd.f32 v25, v7;
	v25 =	vmul.f32 v60, v20;
	v60 =	vld [tilespmem:$0x1FC00]  }
0x1cb: {  	v2 =	vadd.f32 v15, v2;
	v15 =	vmul.f32 v46, v34;
	v46 =	vld [tilespmem:$0x1FBB0]  }
0x1cc: {  	v6 =	vadd.f32 v26, v6;
	v26 =	vld [tilespmem:$0x1F860]  }
0x1cd: {  	v3 =	vadd.f32 v21, v3;
	v21 =	vmul.f32 v52, v58;
	v52 =	vmul.f32 v43, v54;
	v43 =	vld [tilespmem:$0x1F900]  }
0x1ce: {  	v2 =	vadd.f32 v15, v2;
	v15 =	vmul.f32 v55, v58;
	v55 =	vmul.f32 v48, v54;
	v48 =	vld [tilespmem:$0x1F970]  }
0x1cf: {  	v7 =	vadd.f32 v21, v7;
	v21 =	vmul.f32 v57, v61;
	v57 =	vld [tilespmem:$0x1FBC0]  }
0x1d0: {  	v1 =	vadd.f32 v25, v1;
	v25 =	vmul.f32 v47, v61;
	v47 =	vld [tilespmem:$0x1F910]  }
0x1d1: {  	v5 =	vadd.f32 v52, v5;
	v52 =	vld [tilespmem:$0x1F940]  }
0x1d2: {  	v6 =	vadd.f32 v15, v6;
	v15 =	vmul.f32 v28, v20;
	v28 =	vld [tilespmem:$0x1F890]  }
0x1d3: {  	v20 =	vmul.f32 v29, v61;
	v29 =	vld [tilespmem:$0x1F870]  }
0x1d4: {  	v4 =	vadd.f32 v55, v4;
	v55 =	vld [tilespmem:$0x1F980]  }
0x1d5: {  	v7 =	vadd.f32 v21, v7;
	v21 =	vmul.f32 v30, v58;
	v30 =	vld [tilespmem:$0x1F8B0]  }
0x1d6: {  	v0 =	vadd.f32 v15, v0;
	v15 =	vmul.f32 v33, v58;
	v58 =	vld [tilespmem:$0x1F850]  }
0x1d7: {  	v33 =	vld [tilespmem:$0x1F8A0]  }
0x1d8: {  	v6 =	vadd.f32 v20, v6;
	v20 =	vmul.f32 v40, v34;
	v40 =	vld [tilespmem:$0x1F8C0]  }
0x1d9: {  	v1 =	vadd.f32 v21, v1;
	v21 =	vmul.f32 v44, v34;
	v44 =	vld [tilespmem:$0x1F8D0]  }
0x1da: {  	v0 =	vadd.f32 v15, v0;
	v15 =	vmul.f32 v46, v61;
	v61 =	vld [tilespmem:$0x1F880]  }
0x1db: {  	v46 =	vld [tilespmem:$0x1F930]  }
0x1dc: {  	v7 =	vadd.f32 v20, v7;
	v20 =	vmul.f32 v57, v34;
	v57 =	vld [tilespmem:$0x1F8E0]  }
0x1dd: {  	v0 =	vadd.f32 v25, v0;
	v25 =	vmul.f32 v60, v34;
	v34 =	vld [tilespmem:$0x1F8F0]  }
0x1de: {  	v1 =	vadd.f32 v15, v1;
	v60 =	vld [tilespmem:$0x1F950]  }
0x1df: {  	v6 =	vadd.f32 v21, v6;
	v21 =	vmul.f32 v58, v31;
	v58 =	vld [tilespmem:$0x1F920]  }
0x1e0: {  	v1 =	vadd.f32 v20, v1;
	v20 =	vmul.f32 v26, v12;
	v26 =	vld [tilespmem:$0x1F9B0]  }
0x1e1: {  	v15 =	vmul.f32 v61, v31;
	v61 =	vld [tilespmem:$0x1F990]  }
0x1e2: {  	v5 =	vadd.f32 v21, v5;
	v21 =	vmul.f32 v30, v54;
	v30 =	vld [tilespmem:$0x1F9C0]  }
0x1e3: {  	v4 =	vadd.f32 v15, v4;
	v15 =	vmul.f32 v28, v12;
	v28 =	vld [tilespmem:$0x1F9F0]  }
0x1e4: {  	v5 =	vadd.f32 v20, v5;
	v20 =	vmul.f32 v29, v56;
	v29 =	vld [tilespmem:$0x1F960]  }
0x1e5: {  	v0 =	vadd.f32 v25, v0;
	v25 =	vmul.f32 v34, v54;
	v34 =	vld [tilespmem:$0x1F9A0]  }
0x1e6: {  	v3 =	vadd.f32 v21, v3;
	v21 =	vmul.f32 v46, v54;
	v46 =	vld [tilespmem:$0x1F9E0]  }
0x1e7: {  	v4 =	vadd.f32 v15, v4;
	v15 =	vmul.f32 v33, v56;
	v33 =	vld [tilespmem:$0x1FA00]  }
0x1e8: {  	v5 =	vadd.f32 v20, v5;
	v20 =	vmul.f32 v40, v31;
	v40 =	vld [tilespmem:$0x1F9D0]  }
0x1e9: {  	v2 =	vadd.f32 v25, v2;
	v25 =	vmul.f32 v48, v54;
	v48 =	vld [tilespmem:$0x1FA20]  }
0x1ea: {  	v7 =	vadd.f32 v21, v7;
	v21 =	vmul.f32 v58, v56;
	v58 =	vld [tilespmem:$0x1F6B0]  }
0x1eb: {  	v4 =	vadd.f32 v15, v4;
	v15 =	vmul.f32 v43, v31;
	v3 =	vadd.f32 v20, v3;
	v43 =	vld [tilespmem:$0x1FA10]  }
0x1ec: {  	v20 =	vmul.f32 v44, v12;
	v6 =	vadd.f32 v25, v6;
	v25 =	vmul.f32 v61, v12;
	v61 =	vld [tilespmem:$0x1F6E0]  }
0x1ed: {  	v2 =	vadd.f32 v15, v2;
	v15 =	vmul.f32 v47, v12;
	v47 =	vmul.f32 v45, v22;
	v45 =	vld [tilespmem:$0x1F780]  }
0x1ee: {  	v3 =	vadd.f32 v20, v3;
	v20 =	vmul.f32 v52, v31;
	v52 =	vmul.f32 v49, v22;
	v49 =	vld [tilespmem:$0x1F7E0]  }
0x1ef: {  	v2 =	vadd.f32 v15, v2;
	v15 =	vmul.f32 v55, v31;
	v55 =	vld [tilespmem:$0x1F6A0]  }
0x1f0: {  	v7 =	vadd.f32 v20, v7;
	v20 =	vmul.f32 v57, v56;
	v57 =	vld [tilespmem:$0x1F6D0]  }
0x1f1: {  	v5 =	vadd.f32 v47, v5;
	v47 =	vld [tilespmem:$0x1F810]  }
0x1f2: {  	v4 =	vadd.f32 v52, v4;
	v52 =	vld [tilespmem:$0x1F820]  }
0x1f3: {  	v44 =	vmul.f32 v43, v12;
	v43 =	vld [tilespmem:$0x1F770]  }
0x1f4: {  	v6 =	vadd.f32 v15, v6;
	v15 =	vmul.f32 v60, v12;
	v60 =	vld [tilespmem:$0x1F710]  }
0x1f5: {  	v3 =	vadd.f32 v20, v3;
	v20 =	vmul.f32 v26, v54;
	v26 =	vld [tilespmem:$0x1F6F0]  }
0x1f6: {  	v2 =	vadd.f32 v21, v2;
	v21 =	vmul.f32 v30, v31;
	v30 =	vld [tilespmem:$0x1F790]  }
0x1f7: {  	v7 =	vadd.f32 v15, v7;
	v15 =	vmul.f32 v28, v54;
	v54 =	vld [tilespmem:$0x1F670]  }
0x1f8: {  	v6 =	vadd.f32 v25, v6;
	v28 =	vld [tilespmem:$0x1F730]  }
0x1f9: {  	v1 =	vadd.f32 v20, v1;
	v20 =	vmul.f32 v29, v56;
	v25 =	vmul.f32 v34, v56;
	v29 =	vld [tilespmem:$0x1F750]  }
0x1fa: {  	v34 =	vld [tilespmem:$0x1F740]  }
0x1fb: {  	v6 =	vadd.f32 v25, v6;
	v25 =	vld [tilespmem:$0x1F6C0]  }
0x1fc: {  	v0 =	vadd.f32 v15, v0;
	v15 =	vmul.f32 v33, v31;
	v31 =	vld [tilespmem:$0x1F700]  }
0x1fd: {  	v33 =	vld [tilespmem:$0x1F760]  }
0x1fe: {  	v7 =	vadd.f32 v20, v7;
	v20 =	vmul.f32 v40, v12;
	v40 =	vld [tilespmem:$0x1F7A0]  }
0x1ff: {  	v12 =	vmul.f32 v48, v56;
	v48 =	vld [tilespmem:$0x1F7C0]  }
0x200: {  	v1 =	vadd.f32 v21, v1;
	v21 =	vmul.f32 v60, v22;
	v60 =	vld [tilespmem:$0x1F4D0]  }
0x201: {  	v0 =	vadd.f32 v15, v0;
	v15 =	vmul.f32 v46, v56;
	v56 =	vld [tilespmem:$0x1F680]  }
0x202: {  	v1 =	vadd.f32 v20, v1;
	v20 =	vmul.f32 v57, v22;
	v46 =	vld [tilespmem:$0x1F7D0]  }
0x203: {  	v2 =	vadd.f32 v21, v2;
	v21 =	vld [tilespmem:$0x1F690]  }
0x204: {  	v3 =	vadd.f32 v20, v3;
	v20 =	vld [tilespmem:$0x1F720]  }
0x205: {  	v0 =	vadd.f32 v44, v0;
	v44 =	vld [tilespmem:$0x1F7B0]  }
0x206: {  	v1 =	vadd.f32 v15, v1;
	v15 =	vmul.f32 v54, v59;
	v54 =	vld [tilespmem:$0x1F7F0]  }
0x207: {  	v0 =	vadd.f32 v12, v0;
	v12 =	vmul.f32 v55, v59;
	v55 =	vld [tilespmem:$0x1F830]  }
0x208: {  	v5 =	vadd.f32 v15, v5;
	v15 =	vmul.f32 v56, v27;
	v56 =	vmul.f32 v23, v42;
	v23 =	vld [tilespmem:$0x1F4F0]  }
0x209: {  	v4 =	vadd.f32 v12, v4;
	v12 =	vmul.f32 v58, v27;
	v58 =	vld [tilespmem:$0x1F800]  }
0x20a: {  	v5 =	vadd.f32 v15, v5;
	v15 =	vmul.f32 v61, v59;
	v61 =	vmul.f32 v35, v32;
	v35 =	vld [tilespmem:$0x1F590]  }
0x20b: {  	v4 =	vadd.f32 v12, v4;
	v12 =	vmul.f32 v20, v59;
	v20 =	vmul.f32 v25, v41;
	v25 =	vld [tilespmem:$0x1F540]  }
0x20c: {  	v3 =	vadd.f32 v15, v3;
	v15 =	vmul.f32 v21, v41;
	v21 =	vmul.f32 v28, v27;
	v28 =	vld [tilespmem:$0x1F530]  }
0x20d: {  	v2 =	vadd.f32 v12, v2;
	v12 =	vmul.f32 v26, v27;
	v26 =	vld [tilespmem:$0x1F520]  }
0x20e: {  	v4 =	vadd.f32 v20, v4;
	v20 =	vmul.f32 v33, v59;
	v33 =	vld [tilespmem:$0x1F580]  }
0x20f: {  	v5 =	vadd.f32 v15, v5;
	v15 =	vmul.f32 v29, v22;
	v29 =	vld [tilespmem:$0x1F570]  }
0x210: {  	v3 =	vadd.f32 v12, v3;
	v12 =	vmul.f32 v30, v22;
	v30 =	vld [tilespmem:$0x1F560]  }
0x211: {  	v19 =	vmul.f32 v19, v42;
	v2 =	vadd.f32 v21, v2;
	v21 =	vmul.f32 v40, v59;
	v40 =	vld [tilespmem:$0x1F630]  }
0x212: {  	v4 =	vadd.f32 v56, v4;
	v56 =	vld [tilespmem:$0x1F330]  }
0x213: {  	v5 =	vadd.f32 v19, v5;
	v19 =	vld [tilespmem:$0x1F500]  }
0x214: {  	v57 =	vmul.f32 v16, v39;
	v7 =	vadd.f32 v15, v7;
	v15 =	vmul.f32 v31, v41;
	v31 =	vld [tilespmem:$0x1F5B0]  }
0x215: {  	v6 =	vadd.f32 v12, v6;
	v12 =	vmul.f32 v34, v41;
	v34 =	vld [tilespmem:$0x1F5C0]  }
0x216: {  	v4 =	vadd.f32 v57, v4;
	v57 =	vmul.f32 v37, v63;
	v37 =	vld [tilespmem:$0x1F420]  }
0x217: {  	v3 =	vadd.f32 v15, v3;
	v15 =	vmul.f32 v43, v27;
	v43 =	vld [tilespmem:$0x1F640]  }
0x218: {  	v7 =	vadd.f32 v20, v7;
	v20 =	vmul.f32 v46, v22;
	v46 =	vld [tilespmem:$0x1F610]  }
0x219: {  	v2 =	vadd.f32 v12, v2;
	v12 =	vmul.f32 v44, v27;
	v44 =	vld [tilespmem:$0x1F5A0]  }
0x21a: {  	v6 =	vadd.f32 v21, v6;
	v21 =	vmul.f32 v48, v41;
	v48 =	vmul.f32 v51, v13;
	v51 =	vld [tilespmem:$0x1F620]  }
0x21b: {  	v4 =	vadd.f32 v61, v4;
	v61 =	vmul.f32 v38, v13;
	v38 =	vld [tilespmem:$0x8BE0]  }
0x21c: {  	v1 =	vadd.f32 v20, v1;
	v20 =	vmul.f32 v36, v42;
	v36 =	vld [tilespmem:$0x1F5F0]  }
0x21d: {  	v7 =	vadd.f32 v15, v7;
	v15 =	vmul.f32 v45, v41;
	v45 =	vld [tilespmem:$0x1F5E0]  }
0x21e: {  	v6 =	vadd.f32 v12, v6;
	v12 =	vmul.f32 v47, v22;
	v22 =	vld [tilespmem:$0x1F510]  }
0x21f: {  	v47 =	vld [tilespmem:$0x1F650]  }
0x220: {  	v7 =	vadd.f32 v15, v7;
	v15 =	vmul.f32 v49, v59;
	v2 =	vadd.f32 v20, v2;
	v20 =	vld [tilespmem:$0x8BB0]  }
0x221: {  	v14 =	vmul.f32 v14, v39;
	v0 =	vadd.f32 v12, v0;
	v12 =	vmul.f32 v52, v59;
	v59 =	vld [tilespmem:$0x1F840]  }
0x222: {  	v6 =	vadd.f32 v21, v6;
	v21 =	vld [tilespmem:$0x1F4E0];
	v1 =	vadd.f32 v15, v1;
	v15 =	vmul.f32 v54, v27  }
0x223: {  	v52 =	vmul.f32 v50, v53;
	v50 =	vld [tilespmem:$0x8C30];
	v0 =	vadd.f32 v12, v0;
	v12 =	vmul.f32 v55, v27  }
0x224: {  	v54 =	vld [tilespmem:$0x1F660];
	v1 =	vadd.f32 v15, v1;
	v15 =	vmul.f32 v58, v41  }
0x225: {  	v5 =	vadd.f32 v14, v5;
	v49 =	vmul.f32 v24, v13;
	v27 =	vld [tilespmem:$0x1F550];
	v0 =	vadd.f32 v12, v0  }
0x226: {  	v58 =	vld [tilespmem:$0x1F340];
	v12 =	vmul.f32 v60, v32;
	v1 =	vadd.f32 v15, v1;
	v15 =	vmul.f32 v19, v42  }
0x227: {  	v60 =	vld [tilespmem:$0x1F350];
	v16 =	vmul.f32 v59, v41;
	v14 =	vmul.f32 v21, v62  }
0x228: {  	v41 =	vld [tilespmem:$0x1F5D0];
	v5 =	vadd.f32 v12, v5;
	v3 =	vadd.f32 v15, v3;
	v15 =	vmul.f32 v22, v39  }
0x229: {  	v59 =	vld [tilespmem:$0x1F360];
	v12 =	vmul.f32 v23, v62;
	v0 =	vadd.f32 v16, v0;
	v16 =	vmul.f32 v25, v39  }
0x22a: {  	v5 =	vadd.f32 v14, v5;
	v3 =	vadd.f32 v15, v3;
	v15 =	vmul.f32 v29, v42;
	v29 =	vld [tilespmem:$0x1F3A0]  }
0x22b: {  	v4 =	vadd.f32 v12, v4;
	v2 =	vadd.f32 v16, v2;
	v16 =	vmul.f32 v31, v42;
	v31 =	vld [tilespmem:$0x1F3D0]  }
0x22c: {  	v14 =	vmul.f32 v26, v32;
	v5 =	vadd.f32 v48, v5;
	v48 =	vld [tilespmem:$0x1F400]  }
0x22d: {  	v12 =	vmul.f32 v27, v32;
	v4 =	vadd.f32 v49, v4;
	v49 =	vld [tilespmem:$0x1F460]  }
0x22e: {  	v3 =	vadd.f32 v14, v3;
	v14 =	vmul.f32 v28, v62;
	v28 =	vld [tilespmem:$0x1F370]  }
0x22f: {  	v2 =	vadd.f32 v12, v2;
	v12 =	vmul.f32 v30, v62;
	v30 =	vld [tilespmem:$0x1F380]  }
0x230: {  	v55 =	vmul.f32 v17, v53;
	v7 =	vadd.f32 v15, v7;
	v15 =	vmul.f32 v36, v42;
	v36 =	vld [tilespmem:$0x8BD0]  }
0x231: {  	v6 =	vadd.f32 v16, v6;
	v16 =	vmul.f32 v41, v32;
	v41 =	vld [tilespmem:$0x1F3F0];
	v5 =	vadd.f32 v52, v5  }
0x232: {  	v4 =	vadd.f32 v55, v4;
	v52 =	vld [tilespmem:$0x1F4A0];
	v3 =	vadd.f32 v14, v3  }
0x233: {  	v14 =	vmul.f32 v33, v39;
	v2 =	vadd.f32 v12, v2;
	v12 =	vmul.f32 v34, v39;
	v33 =	vld [tilespmem:$0x1F410]  }
0x234: {  	v20 =	vmul.f32 v20, v8;
	v1 =	vadd.f32 v15, v1;
	v15 =	vmul.f32 v45, v62;
	v34 =	vld [tilespmem:$0x8BC0]  }
0x235: {  	v4 =	vadd.f32 v57, v4;
	v6 =	vadd.f32 v12, v6;
	v12 =	vmul.f32 v40, v42;
	v42 =	vld [tilespmem:$0x1F600]  }
0x236: {  	v19 =	vmul.f32 v31, v13;
	v7 =	vadd.f32 v14, v7;
	v14 =	vmul.f32 v35, v32;
	v40 =	vld [tilespmem:$0x1F3C0]  }
0x237: {  	v55 =	vld [tilespmem:$0x8C50];
	v2 =	vadd.f32 v61, v2;
	v0 =	vadd.f32 v12, v0;
	v12 =	vmul.f32 v43, v39  }
0x238: {  	v57 =	vld [tilespmem:$0x8C60];
	v25 =	vmul.f32 v41, v63;
	v6 =	vadd.f32 v16, v6;
	v16 =	vmul.f32 v47, v32  }
0x239: {  	v43 =	vld [tilespmem:$0x8C00];
	v21 =	vmul.f32 v33, v13;
	v61 =	vmul.f32 v34, v11;
	v0 =	vadd.f32 v12, v0  }
0x23a: {  	v45 =	vld [tilespmem:$0x8C10];
	v12 =	vmul.f32 v46, v32;
	v6 =	vadd.f32 v15, v6;
	v15 =	vmul.f32 v59, v13  }
0x23b: {  	v31 =	vld [tilespmem:$0x8CA0];
	v7 =	vadd.f32 v14, v7;
	v14 =	vmul.f32 v42, v39;
	v24 =	vmul.f32 v40, v18  }
0x23c: {  	v39 =	vld [tilespmem:$0x1F390];
	v40 =	vmul.f32 v55, v10;
	v0 =	vadd.f32 v16, v0;
	v16 =	vmul.f32 v54, v62  }
0x23d: {  	v35 =	vld [tilespmem:$0x1F3E0];
	v3 =	vadd.f32 v15, v3;
	v1 =	vadd.f32 v14, v1;
	v14 =	vmul.f32 v44, v62  }
0x23e: {  	v15 =	vld [tilespmem:$0x8B90];
	v6 =	vadd.f32 v21, v6;
	v33 =	vmul.f32 v43, v11;
	v43 =	vmul.f32 v57, v9  }
0x23f: {  	v32 =	vld [tilespmem:$0x1F3B0];
	v7 =	vadd.f32 v14, v7;
	v1 =	vadd.f32 v12, v1;
	v14 =	vmul.f32 v51, v62  }
0x240: {  	v57 =	vmul.f32 v31, v9;
	v0 =	vadd.f32 v16, v0;
	v16 =	vld [tilespmem:$0x8BA0];
	v12 =	vmul.f32 v60, v18  }
0x241: {  	v62 =	vld [tilespmem:$0x8B80];
	v23 =	vmul.f32 v39, v18;
	v1 =	vadd.f32 v14, v1;
	v14 =	vmul.f32 v56, v63  }
0x242: {  	v47 =	vld [tilespmem:$0x8C20];
	v4 =	vadd.f32 v12, v4;
	v12 =	vmul.f32 v29, v53;
	v7 =	vadd.f32 v19, v7  }
0x243: {  	v42 =	vld [tilespmem:$0x1F430];
	v15 =	vmul.f32 v15, v10;
	v5 =	vadd.f32 v14, v5;
	v14 =	vmul.f32 v58, v18  }
0x244: {  	v39 =	vld [tilespmem:$0x8CD0];
	v2 =	vadd.f32 v12, v2;
	v12 =	vmul.f32 v32, v63;
	v4 =	vadd.f32 v61, v4  }
0x245: {  	v46 =	vld [tilespmem:$0x1F490];
	v32 =	vmul.f32 v16, v9;
	v5 =	vadd.f32 v14, v5;
	v14 =	vmul.f32 v28, v53  }
0x246: {  	v44 =	vld [tilespmem:$0x1F450];
	v17 =	vmul.f32 v62, v11;
	v2 =	vadd.f32 v12, v2;
	v12 =	vmul.f32 v37, v53  }
0x247: {  	v62 =	vld [tilespmem:$0x8C80];
	v28 =	vmul.f32 v52, v53;
	v3 =	vadd.f32 v14, v3;
	v14 =	vmul.f32 v30, v63  }
0x248: {  	v51 =	vld [tilespmem:$0x1F440];
	v6 =	vadd.f32 v12, v6;
	v12 =	vmul.f32 v42, v63;
	v2 =	vadd.f32 v24, v2  }
0x249: {  	v37 =	vld [tilespmem:$0x8CC0];
	v52 =	vmul.f32 v39, v10;
	v5 =	vadd.f32 v17, v5;
	v3 =	vadd.f32 v14, v3  }
0x24a: {  	v42 =	vld [tilespmem:$0x8CF0];
	v14 =	vmul.f32 v35, v53;
	v6 =	vadd.f32 v12, v6;
	v12 =	vmul.f32 v46, v13  }
0x24b: {  	v41 =	vld [tilespmem:$0x8CE0];
	v5 =	vadd.f32 v15, v5;
	v35 =	vmul.f32 v38, v9;
	v38 =	vmul.f32 v45, v10  }
0x24c: {  	v56 =	vld [tilespmem:$0x1F4B0];
	v45 =	vmul.f32 v62, v11;
	v7 =	vadd.f32 v14, v7;
	v3 =	vadd.f32 v23, v3  }
0x24d: {  	v59 =	vld [tilespmem:$0x8C70];
	v23 =	vmul.f32 v44, v13;
	v0 =	vadd.f32 v12, v0;
	v12 =	vmul.f32 v51, v18  }
0x24e: {  	v54 =	vld [tilespmem:$0x1F470];
	v5 =	vadd.f32 v32, v5;
	v13 =	vmul.f32 v47, v9;
	v47 =	vmul.f32 v37, v11  }
0x24f: {  	v60 =	vld [tilespmem:$0x1F4C0];
	v62 =	vmul.f32 v42, v8;
	v7 =	vadd.f32 v25, v7;
	v25 =	vmul.f32 v48, v18  }
0x250: {  	v34 =	vld [tilespmem:$0x8CB0];
	v1 =	vadd.f32 v23, v1;
	v23 =	vmul.f32 v49, v53;
	v6 =	vadd.f32 v12, v6  }
0x251: {  	v58 =	vld [tilespmem:$0x1F480];
	v0 =	vadd.f32 v28, v0;
	v12 =	vmul.f32 v56, v63;
	v3 =	vadd.f32 v33, v3  }
0x252: {  	v44 =	vld [tilespmem:$0x8D00];
	v5 =	vadd.f32 v20, v5;
	v49 =	vmul.f32 v50, v8;
	v50 =	vmul.f32 v59, v8  }
0x253: {  	v53 =	vld [tilespmem:$0x8C40];
	v7 =	vadd.f32 v25, v7;
	v1 =	vadd.f32 v23, v1;
	v23 =	vmul.f32 v54, v63  }
0x254: {  	v46 =	vld [tilespmem:$0x8D40];
	v0 =	vadd.f32 v12, v0;
	v12 =	vmul.f32 v60, v18;
	v3 =	vadd.f32 v38, v3  }
0x255: {  	v59 =	vmul.f32 v41, v9;
	v63 =	vld [tilespmem:$0x8C90];
	v6 =	vadd.f32 v47, v6;
	v1 =	vadd.f32 v23, v1  }
0x256: {  	v48 =	vld [tilespmem:$0x8D10];
	v23 =	vmul.f32 v58, v18;
	v0 =	vadd.f32 v12, v0;
	v3 =	vadd.f32 v13, v3  }
0x257: {  	v51 =	vld [tilespmem:$0x8D50];
	v54 =	vmul.f32 v44, v11;
	v7 =	vadd.f32 v45, v7;
	v6 =	vadd.f32 v52, v6  }
0x258: {  	v55 =	vld [tilespmem:$0x8D60];
	v1 =	vadd.f32 v23, v1;
	v23 =	vmul.f32 v36, v10;
	v36 =	vmul.f32 v53, v11  }
0x259: {  	v14 =	vld [tilespmem:$0x8BF0];
	v3 =	vadd.f32 v49, v3;
	v11 =	vmul.f32 v46, v11;
	v6 =	vadd.f32 v59, v6  }
0x25a: {  	v53 =	vld [tilespmem:$0x8D20];
	v17 =	vmul.f32 v63, v10;
	v4 =	vadd.f32 v23, v4;
	v2 =	vadd.f32 v36, v2  }
0x25b: {  	v56 =	vld [tilespmem:$0x8D30];
	v13 =	vmul.f32 v48, v10;
	v1 =	vadd.f32 v54, v1;
	v0 =	vadd.f32 v11, v0  }
0x25c: {  	v58 =	vld [tilespmem:$0x8D70];
	v10 =	vmul.f32 v51, v10;
	v6 =	vadd.f32 v62, v6;
	v7 =	vadd.f32 v17, v7  }
0x25d: {  	s22 =	sadd.s32 $0x1, s22;
	v61 =	vmul.f32 v34, v8;
	v4 =	vadd.f32 v35, v4;
	v2 =	vadd.f32 v40, v2  }
0x25e: {  	p0 =	sne.s32 s22, $0x10;
	v14 =	vmul.f32 v14, v8;
	v1 =	vadd.f32 v13, v1;
	v0 =	vadd.f32 v10, v0  }
.Ltmp8:
0x25f: {  	v7 =	vadd.f32 v57, v7;
	v60 =	vmul.f32 v53, v9;
	v9 =	vmul.f32 v55, v9;
	(pc) =	sbr.rel @p0 .LBB2_2-.Ltmp8, $4  }
0x260: {  	v63 =	vmul.f32 v56, v8;
	v4 =	vadd.f32 v14, v4;
	v2 =	vadd.f32 v43, v2  }
0x261: {  	v8 =	vmul.f32 v58, v8;
	v1 =	vadd.f32 v60, v1;
	v0 =	vadd.f32 v9, v0  }
0x262: {  	v7 =	vadd.f32 v61, v7;
	v2 =	vadd.f32 v50, v2  }
0x263: {  	v1 =	vadd.f32 v63, v1;
	v0 =	vadd.f32 v8, v0  }
0x264: {  	[tilespmem:$0x8D80] =	vst v5  }
0x265: {  	[tilespmem:$0x8D90] =	vst v4  }
0x266: {  	[tilespmem:$0x8DA0] =	vst v3  }
0x267: {  	[tilespmem:$0x8DB0] =	vst v2  }
0x268: {  	[tilespmem:$0x8DC0] =	vst v7  }
0x269: {  	[tilespmem:$0x8DD0] =	vst v6;
	s21 =	sadd.s32 $0x1, s21  }
0x26a: {  	[tilespmem:$0x8DE0] =	vst v1;
	p0 =	sne.s32 s21, s8  }
.Ltmp9:
0x26b: {  	[tilespmem:$0x8DF0] =	vst v0;
	(pc) =	sbr.rel @p0 .LBB2_1-.Ltmp9, $4  }
0x26c: {  	[hbm4b:s7+s2] =	stream.linear.scatter [tilespmem:s20], [sflag:$0x2], $0x80, $0x38;
	[tilespmem:$0x8E00] =	vst v63  }
0x26d: {  	_ =	swait.ge [sflag:s9], $0x80  }
0x26e: {  	[sflag:s9] =	ssyncset.done $0x0  }
0x26f: {  	[sflag:s9] =	ssyncadd.s32 $0xFFFFFF80  }
0x270: {  	_ =	sfence.sel $0x180000  }
0x271: {  	[bflag:$0x0] =	sbarrier.arrive $0xFFFF  }
0x272: {  	p0 =	sne.s32 s0, $0x0;
	_ =	strace $0x9000004D  }
0x273: {  	s0 =	sadd.s32 @!p0 $0x100000, s1;
	[bflag:$0x2] =	sbarrier.arrive $0xFFFF  }
0x274: {  	[sflag:s0] =	ssyncadd.tile.s32 @!p0 $0x1;
	_ =	shalt  }
.Lfunc_end2:
_tile_overlayer_lowered:
.L_overlay_start_2:
0x275: {  	(tag) =	ssettag $0x2  }
0x276: {  	s0 =	rddreg [dreg:$0x0];
	s2 =	stileid.u32  }
0x277: {  	s1 =	rddreg [dreg:$0x1];
	p0 =	sne.s32 s2, $0x0  }
0x278: {  	s3 =	rddreg [dreg:$0x2];
	[bflag:$0x3] =	sbarrier.arrive $0xFFFF;
	s2 =	simm.s32 @!p0 $0x1C02  }
0x279: {  	[timem:s3], [sflag:s2] =	dma.local @!p0 [hbm:s0], s1  }
0x27a: {  	s0 =	simm.s32 @!p0 $0x2  }
0x27b: {  	_ =	swait.ge @!p0 [sflag:s0], s1  }
0x27c: {  	s1 =	ssub.s32 @!p0 $0x0, s1;
	[sflag:s0] =	ssyncset.done @!p0 $0x0  }
0x27d: {  	[sflag:s0] =	ssyncadd.s32 @!p0 s1  }
0x27e: {  	[bflag:$0x3] =	sbarrier.arrive $0xFFFF  }
0x27f: {  	_ =	shalt  }

// kernel: sparse-core-data-format-call.1.cloned.1.call-start
scs
called_computation.1_lowered:
.L_overlay_start_0:
0x0: {  	s2 =	sld [smem:$0x3FD9]  }
0x1: {  	s3 =	sld [smem:$0x3FFE];
	_ =	sdelay $0x1  }
0x2: {  	s1 =	srdreg.scid  }
0x3: {  	s0 =	sand.u32 $0x1, s1  }
0x4: {  	s18 =	sshll.u32 s0, $0xA;
	s2 =	sadd.s32 s3, s2  }
0x5: {  	s2 =	sadd.s32 s2, s18  }
0x6: {  	[smem:$0x3FC5] =	sst s2  }
0x7: {  	_ = 	snop  }
0x8: {  	s2 =	sld [smem:$0x3FC7];
	(tm) =	ssettm $0x1  }
0x9: {  	s19 =	sld [smem:$0x3FFB];
	_ =	sdelay $0x3  }
0xa: {  	_ =	strace s19  }
0xb: {  	s3 =	sld [smem:$0x3FFC];
	_ =	sdelay $0x3  }
0xc: {  	_ =	strace s3  }
0xd: {  	s3 =	sld [smem:$0x3FFD];
	_ =	sdelay $0x3  }
0xe: {  	_ =	strace s3  }
0xf: {  	_ =	strace $0x8FFFFFFF  }
0x10: {  	s20 =	sld [smem:$0x3FDB];
	_ =	sdelay $0x1  }
0x11: {  	s4 =	simm.s32 $_scs_section_size  }
0x12: {  	s5 =	simm.s32 $_size__tile_overlayer_lowered;
	s6 =	simm.s32 $_tile_overlayer_lowered  }
0x13: {  	s23 =	simm.s32 $0x1BFF;
	s22 =	sshll.u32 s6, $0x1;
	s3 =	sadd.s32 s4, s20  }
0x14: {  	s7 =	simm.s32 $0x0;
	s21 =	sshll.u32 s5, $0x1;
	s5 =	sadd.s32 s22, s3  }
0x15: {  	[timem:s7], [sflag:s23] =	dma.local [hbm:s5], s21  }
0x16: {  	_ =	swait.ge [sflag:s23], s21  }
0x17: {  	s4 =	ssub.s32 $0x0, s21;
	[sflag:s23] =	ssyncset.done $0x0  }
0x18: {  	[sflag:s23] =	ssyncadd.s32 s4;
	_ =	sdelay $0x1  }
0x19: {  	s24 =	simm.s32 $0x1B8B  }
0x1a: {  	_ =	swait.ge [sflag:s24], $0x1  }
0x1b: {  	[sflag:s24] =	ssyncset.done $0x0  }
0x1c: {  	s26 =	simm.s32 $0x1B8E;
	s25 =	sld [smem:$0x3FFE];
	[sflag:s24] =	ssyncadd.s32 $0xFFFFFFFF  }
0x1d: {  	s27 =	simm.s32 $execute0_lowered;
	[smem:$0x3FD2] =	sst s26  }
0x1e: {  	s5 =	sshll.u32 s27, $0x1;
	_ =	strace $0x80000046;
	[dreg:$0x1] =	wrdreg $0xFFFFFFFF  }
0x1f: {  	s28 =	simm.s32 $_size_execute0_lowered;
	s3 =	sadd.s32 s3, s5;
	[dreg:$0x0] =	wrdreg $0x0  }
0x20: {  	s5 =	sshll.u32 s28, $0x1;
	[dreg:$0x2] =	wrdreg s3  }
0x21: {  	[dreg:$0x3] =	wrdreg s5  }
0x22: {  	[dreg:$0x4] =	wrdreg $0xC0  }
0x23: {  	_ =	task [dreg:s7], $0x5FFFF  }
0x24: {  	[dreg:$0x1] =	wrdreg $0xFFFFFFFF  }
0x25: {  	[dreg:$0x0] =	wrdreg $0x60  }
0x26: {  	[dreg:$0x2] =	wrdreg s2  }
0x27: {  	[dreg:$0x3] =	wrdreg s25  }
0x28: {  	[dreg:$0x4] =	wrdreg $0x9  }
0x29: {  	_ =	task.clear_ibuf [dreg:s7], $0x5FFFF;
	_ =	strace $0x90000046  }
0x2a: {  	s29 =	simm.s32 $0x9;
	_ =	strace $0x80000048  }
0x2b: {  	_ =	swait.ge [sflag:s29], $0x1  }
0x2c: {  	[sflag:s29] =	ssyncadd.s32 $0xFFFFFFFF  }
0x2d: {  	_ =	strace $0x90000048  }
0x2e: {  	_ =	sfence  }
0x2f: {  	s30 =	sld [smem:$0x0];
	_ =	sdelay $0x2  }
0x30: {  	s31 =	sshll.u32 s1, $0xD;
	s1 =	sshrl.u32 s1, $0x2  }
0x31: {  	s3 =	sand.u32 $0x4000, s31;
	s1 =	sadd.s32 s1, s30  }
0x32: {  	s0 =	sor.u32 s3, s0;
	s1 =	sshll.u32 s1, $0x11  }
0x33: {  	s0 =	sor.u32 s1, s0  }
0x34: {  	s0 =	sadd.s32 $0x8F2B, s0  }
0x35: {  	[sflag:s0] =	ssyncadd.remote.s32 $0x1  }
0x36: {  	_ =	sfence.sel $0xFFFF  }
0x37: {  	[dreg:$0x0] =	wrdreg $0xFFFFFFFF;
	(pc) =	sbr.abs _section_cstart, $3  }
0x38: {  	[dreg:$0x1] =	wrdreg $0xFFFFFFFF  }
0x39: {  	_ =	task.clear_ibuf [dreg:s7], $0x2FFFF;
	_ =	strace $0x9FFFFFFF  }
0x3a: {  	(tm) =	ssettm $0x7FFFFFFF  }
0x3b: {  	_ =	shalt  }
tec
execute0_lowered:
.L_overlay_start_1:
0x0: {  	(tag) =	ssettag $0x1  }
0x1: {  	s0 =	stileid.u32  }
0x2: {  	s2 =	srdreg.scid;
	s7 =	rddreg [dreg:$0x1]  }
0x3: {  	s6 =	simm.s32 $0x1;
	s31 =	simm.s32 $0x2;
	s16 =	simm.s32 $0x0  }
0x4: {  	s9 =	simm.s32 $0x1000;
	s15 =	simm.s32 $0x0;
	s10 =	simm.s32 $0x0  }
0x5: {  	s11 =	simm.s32 $0x0;
	s14 =	simm.s32 $0x0;
	s1 =	sshll.u32 s0, $0x7  }
0x6: {  	s3 =	sshll.u32 s0, $0x5;
	s4 =	sshll.u32 s2, $0x9;
	s1 =	sand.u32 $0x180, s1  }
0x7: {  	s2 =	rddreg [dreg:$0x0];
	s3 =	sor.u32 s3, s4;
	s5 =	ssub.s32 $0x200, s1  }
0x8: {  	s7 =	sadd.s32 $0x1000, s7;
	s4 =	sand.u32 $0x380, s3;
	s29 =	sand.u32 $0x180, s5  }
0x9: {  	s30 =	ssub.s32 $0x18680, s4;
	s5 =	sshrl.u32 s5, $0x9;
	p0 =	sne.s32 s29, $0x0  }
.Ltmp0:
0xa: {  	s8 =	sshrl.u32 s30, $0xA;
	s6 =	simm.s32 @!p0 $0x0;
	(pc) =	sbr.rel .LBB1_1-.Ltmp0, $4  }
0xb: {  	s3 =	rddreg [dreg:$0x2];
	s8 =	sadd.s32 $0x1, s8;
	s6 =	sadd.s32 s6, s5  }
0xc: {  	_ =	strace $0x80000047;
	s5 =	simm.s32 $0x1;
	s6 =	smul.u32 s6, s8  }
0xd: {  	s13 =	smov.u32 s1;
	s12 =	smov.u32 s4;
	[sflag:s5] =	ssyncpa.u1 $0x0  }
0xe: {  	p0 =	por $0x0, $0x0;
	[sflag:s31] =	ssyncpa.u1 $0x0;
	s8 =	sadd.s32 $0x1, s6  }
.LBB1_4:
0xf: {  	s21 =	sshra.s32 s21, $0x2;
	s22 =	sshll.u32 s10, $0x9  }
0x10: {  	s23 =	sshll.u32 s11, $0x3;
	s24 =	sshll.u32 s10, $0x7;
	s27 =	sand.u32 $0x78, s11  }
0x11: {  	p1 =	sgt.s32 s10, $0x18620;
	s22 =	sand.u32 $0xFFFFF000, s22;
	s23 =	sand.u32 $0xFFFFFC00, s23  }
0x12: {  	s20 =	sadd.s32 s21, s20;
	s26 =	sand.u32 $0x200, s24;
	s28 =	sand.u32 $0x180, s24  }
0x13: {  	v5 =	vld [tilespmem:s18+$0xFFFFFFD0];
	[tilespmem:s19+$0x2040 ss:$0x81] =	vst.msk $0xffff, v4;
	s25 =	sadd.s32 s23, s22;
	s22 =	sor.u32 s27, s28;
	s23 =	smov.u32 s10  }
0x14: {  	v58 =	vld [tilespmem:s18+$0xFFFFFFE0];
	[tilespmem:s19+$0x2850 ss:$0x81] =	vst.msk $0xffff, v3;
	s21 =	sor.u32 s26, s25;
	s23 =	simm.s32 @!p1 $0x18620;
	s25 =	sshra.s32 s10, $0x1F  }
0x15: {  	v59 =	vld [tilespmem:s18+$0xFFFFFFF0];
	[tilespmem:s19+$0x3060 ss:$0x81] =	vst.msk $0xffff, v2;
	p1 =	sgt.s32 s11, $0x180;
	s26 =	sshra.s32 s11, $0x1F;
	s21 =	sshrl.u32 s21, $0x9  }
0x16: {  	v60 =	vld [tilespmem:s18+$0x0];
	[tilespmem:s19+$0x0 ss:$0x81] =	vst.msk $0xffff, v1;
	s30 =	sand.u32 s25, s10;
	s25 =	smov.u32 s11;
	s31 =	sand.u32 s26, s11  }
0x17: {  	v61 =	vld [tilespmem:s18+$0x10];
	[tilespmem:s20+$0x3870 ss:$0x81] =	vst.msk $0xffff, v0;
	s29 =	smulhi.u32 $0xA7C5AD, s21;
	s19 =	ssub.s32 s23, s30;
	s25 =	simm.s32 @!p1 $0x180  }
0x18: {  	v62 =	vld [tilespmem:s18+$0x20];
	[tilespmem:s20+$0x810 ss:$0x81] =	vst.msk $0xffff, v5;
	s23 =	ssub.s32 s25, s31;
	s26 =	sadd.s32 $0xFFFE79E0, s19;
	s19 =	ssub.s32 $0x186A0, s19  }
0x19: {  	v63 =	vld [tilespmem:s18+$0xFFFFFFC0];
	[tilespmem:s20+$0x1020 ss:$0x81] =	vst.msk $0xffff, v58;
	s24 =	sshrl.u32 s29, $0x8;
	p1 =	sgt.s32 s26, $0x7F;
	s28 =	sadd.s32 $0xFFFFFE80, s23  }
0x1a: {  	[tilespmem:s20+$0x1830 ss:$0x81] =	vst.msk $0xffff, v59;
	s23 =	ssub.s32 $0x200, s23;
	s27 =	smul.u32 $0x186A0, s24;
	p2 =	sgt.s32 s28, $0x7F  }
0x1b: {  	[tilespmem:s20+$0x2040 ss:$0x81] =	vst.msk $0xffff, v60;
	s30 =	sand.u32 $0x7, s11;
	s19 =	simm.s32 @p1 $0x0;
	s23 =	simm.s32 @p2 $0x0  }
0x1c: {  	[tilespmem:s20+$0x2850 ss:$0x81] =	vst.msk $0xffff, v61;
	s29 =	sshrl.u32 s22, $0x3;
	s18 =	ssub.s32 s21, s27;
	s19 =	smul.u32 s23, s19  }
0x1d: {  	[tilespmem:s20+$0x3060 ss:$0x81] =	vst.msk $0xffff, v62;
	s22 =	sshll.u32 s30, $0x12;
	s21 =	sadd.s32 s7, s29;
	s18 =	sshll.u32 s18, $0x6  }
0x1e: {  	[tilespmem:s20+$0x0 ss:$0x81] =	vst.msk $0xffff, v63;
	s31 =	sor.u32 $0x400, s22;
	s19 =	sand.u32 $0x3FFFFFFF, s19;
	s18 =	sadd.s32 s18, s21  }
0x1f: {  	[hbm4b:s18+s31] =	stream.strided.scatter [tilespmem:s17], [sflag:$0x2], s19, s9, s31, $0x20;
	[tilespmem:$0x10100] =	vst v63  }
.LBB1_5:
0x20: {  	p1 =	slt.u32 s14, $0x2  }
0x21: {  	s18 =	smov.u32 s16;
	p2 =	sgt.s32 @!p1 s16, $0x18620;
	s17 =	sshra.s32 @!p1 s16, $0x1F  }
0x22: {  	p3 =	sgt.s32 @!p1 s15, $0x180;
	s19 =	sshra.s32 @!p1 s15, $0x1F;
	p2 =	por !p2, p1  }
0x23: {  	s16 =	sand.u32 @!p1 s17, s16;
	p3 =	por !p3, p1;
	s17 =	smov.u32 s15  }
0x24: {  	s15 =	sand.u32 @!p1 s19, s15;
	s18 =	simm.s32 @p2 $0x18620;
	s17 =	simm.s32 @p3 $0x180  }
0x25: {  	s16 =	ssub.s32 @!p1 s18, s16;
	s15 =	ssub.s32 @!p1 s17, s15  }
0x26: {  	s19 =	smov.u32 s13;
	s17 =	sadd.s32 @!p1 $0xFFFE79E0, s16;
	s18 =	sadd.s32 @!p1 $0xFFFFFE80, s15  }
0x27: {  	s16 =	ssub.s32 @!p1 $0x186A0, s16;
	p2 =	sgt.s32 @!p1 s17, $0x7F;
	p3 =	sgt.s32 @!p1 s18, $0x7F  }
0x28: {  	s15 =	ssub.s32 @!p1 $0x200, s15;
	p2 =	por !p2, p1;
	p3 =	por !p3, p1  }
0x29: {  	s17 =	sadd.s32 $0x400, s12;
	s16 =	simm.s32 @!p2 $0x0;
	s15 =	simm.s32 @!p3 $0x0  }
0x2a: {  	p2 =	sgt.s32 s17, $0x1869F;
	s15 =	smul.u32 @!p1 s15, s16;
	s16 =	sadd.s32 $0x200, s13  }
0x2b: {  	s19 =	smov.u32 @p2 s16  }
0x2c: {  	s17 =	smov.u32 @p2 s4;
	p2 =	sgt.s32 s19, $0x1FF  }
0x2d: {  	s19 =	smov.u32 @p2 s1;
	p2 =	sne.s32 s14, s8  }
.Ltmp1:
0x2e: {  	p0 =	por !p0, !p0;
	s18 =	simm.s32 @!p1 $0x2;
	(pc) =	sbr.rel @!p2 .LBB1_6-.Ltmp1, $4  }
0x2f: {  	s16 =	smov.u32 s10;
	s10 =	smov.u32 s12;
	s15 =	sand.u32 @!p1 $0x3FFFFFFF, s15  }
0x30: {  	s12 =	smov.u32 s17;
	_ =	swait.ge @!p1 [sflag:s18], s15;
	s20 =	ssub.s32 @!p1 $0x0, s15  }
0x31: {  	s15 =	smov.u32 s11;
	s14 =	sadd.s32 $0x1, s14;
	[sflag:s18] =	ssyncset.done @!p1 $0x0  }
0x32: {  	s11 =	smov.u32 s13;
	s13 =	smov.u32 s19;
	[sflag:s18] =	ssyncadd.s32 @!p1 s20  }
.LBB1_1:
0x33: {  	p1 =	sge.u32 s14, s6  }
0x34: {  	s17 =	sshrl.u32 @!p1 s13, $0x3  }
0x35: {  	s18 =	sshll.u32 @!p1 s12, $0x3;
	s17 =	smul.u32 @!p1 $0xC3800, s17  }
0x36: {  	s19 =	sshll.u32 @!p1 s13, $0x7;
	s18 =	sand.u32 @!p1 $0xFFFFFC00, s18  }
0x37: {  	s17 =	sadd.s32 @!p1 s17, s18;
	s18 =	sand.u32 @!p1 $0x380, s19  }
0x38: {  	s19 =	sand.u32 @!p1 $0x7F, s12;
	s17 =	sor.u32 @!p1 s18, s17  }
0x39: {  	s18 =	sor.u32 @!p1 s19, s17  }
0x3a: {  	s19 =	smulhi.u32 @!p1 $0xA79C7B17, s18;
	_ =	sdelay $0x1  }
0x3b: {  	s17 =	smulhi.u32 @!p1 $0xA79C7B17, s17;
	s19 =	sshrl.u32 @!p1 s19, $0x10  }
0x3c: {  	s19 =	smul.u32 @!p1 $0x18700, s19  }
0x3d: {  	s31 =	sadd.s32 $0xFFFFFFFF, s14;
	s20 =	sxor.u32 @!p1 $0xFFFFFFFF, s14;
	s17 =	sshrl.u32 @!p1 s17, $0x10  }
0x3e: {  	s20 =	sshll.u32 @!p1 s20, $0xE;
	s17 =	sand.u32 @!p1 $0x1FF, s17;
	s18 =	ssub.s32 @!p1 s18, s19  }
0x3f: {  	s17 =	smul.u32 @!p1 $0x30E0, s17;
	s19 =	sshrl.u32 @!p1 s18, $0x3;
	s18 =	sand.u32 @!p1 $0x7, s18  }
0x40: {  	s20 =	sand.u32 @!p1 $0x4000, s20;
	s19 =	sadd.s32 @!p1 s2, s19;
	s18 =	sshll.u32 @!p1 s18, $0x12  }
0x41: {  	s17 =	sadd.s32 @!p1 s17, s19;
	s18 =	sor.u32 @!p1 $0x400, s18;
	s19 =	simm.s32 @!p1 $0xC3800  }
0x42: {  	[tilespmem:s20], [sflag:$0x1] =	stream.strided.gather @!p1 [hbm4b:s17+s18], $0x4000, s19, s18, $0x38;
	[tilespmem:$0x10100] =	vst v63  }
0x43: {  	p1 =	sge.u32 s31, s6  }
.Ltmp2:
0x44: {  	_ = 	snop;
	(pc) =	sbr.rel @p1 .LBB1_5-.Ltmp2, $1  }
0x45: {  	_ =	sdelay $0x3  }
0x46: {  	s17 =	simm.s32 $0x1  }
0x47: {  	_ =	swait.ge [sflag:s5], $0x4000;
	s17 =	simm.s32 @!p0 $0x0  }
0x48: {  	[sflag:s5] =	ssyncset.done $0x0;
	s18 =	sshll.u32 s17, $0xE  }
0x49: {  	[sflag:s5] =	ssyncadd.s32 $0xFFFFC000;
	s18 =	sor.u32 $0x40, s18  }
0x4a: {  	s17 =	smul.u32 $0x10200, s17;
	v0 =	vld [tilespmem:s18+$0x30]  }
0x4b: {  	v1 =	vld [tilespmem:s18+$0xFFFFFFD0]  }
0x4c: {  	s17 =	sshrl.u32 s17, $0x2;
	v5 =	vld [tilespmem:s18+$0xFFFFFFE0]  }
0x4d: {  	v6 =	vld [tilespmem:s18+$0xFFFFFFF0];
	s20 =	sor.u32 $0x8000, s17  }
0x4e: {  	s31 =	sand.u32 $0x1, s14;
	v4 =	vld [tilespmem:s18+$0x0];
	s19 =	sadd.s32 $0x0, s20  }
0x4f: {  	v3 =	vld [tilespmem:s18+$0x10];
	s17 =	smul.u32 $0x10200, s31;
	[tilespmem:s19+$0x3870 ss:$0x81] =	vst.msk $0xffff, v0  }
0x50: {  	v2 =	vld [tilespmem:s18+$0x20];
	[tilespmem:s19+$0x810 ss:$0x81] =	vst.msk $0xffff, v1  }
0x51: {  	s17 =	sshrl.u32 s17, $0x2;
	v1 =	vld [tilespmem:s18+$0xFFFFFFC0];
	[tilespmem:s19+$0x1020 ss:$0x81] =	vst.msk $0xffff, v5;
	s18 =	sadd.s32 $0x80, s18  }
0x52: {  	s21 =	simm.s32 $0x4;
	s22 =	simm.s32 $0x8;
	s17 =	sor.u32 $0x8000, s17;
	[tilespmem:s19+$0x1830 ss:$0x81] =	vst.msk $0xffff, v6;
	v0 =	vld [tilespmem:s18+$0x30]  }
.LBB1_3:
0x53: {  	p1 =	sne.s32 s22, $0x1FC;
	v5 =	vld [tilespmem:s18+$0xFFFFFFD0];
	[tilespmem:s19+$0x2040 ss:$0x81] =	vst.msk $0xffff, v4  }
0x54: {  	v6 =	vld [tilespmem:s18+$0xFFFFFFE0];
	[tilespmem:s19+$0x2850 ss:$0x81] =	vst.msk $0xffff, v3  }
0x55: {  	s23 =	sshra.s32 s21, $0x2;
	s21 =	smov.u32 s22;
	v7 =	vld [tilespmem:s18+$0xFFFFFFF0];
	[tilespmem:s19+$0x3060 ss:$0x81] =	vst.msk $0xffff, v2  }
.Ltmp3:
0x56: {  	v4 =	vld [tilespmem:s18+$0x0];
	[tilespmem:s19+$0x0 ss:$0x81] =	vst.msk $0xffff, v1;
	s19 =	sadd.s32 s23, s20;
	(pc) =	sbr.rel @p1 .LBB1_3-.Ltmp3, $4  }
0x57: {  	v3 =	vld [tilespmem:s18+$0x10];
	[tilespmem:s19+$0x3870 ss:$0x81] =	vst.msk $0xffff, v0  }
0x58: {  	[tilespmem:s19+$0x810 ss:$0x81] =	vst.msk $0xffff, v5;
	v2 =	vld [tilespmem:s18+$0x20]  }
0x59: {  	v1 =	vld [tilespmem:s18+$0xFFFFFFC0];
	[tilespmem:s19+$0x1020 ss:$0x81] =	vst.msk $0xffff, v6;
	s18 =	sadd.s32 $0x80, s18  }
0x5a: {  	s22 =	sadd.s32 $0x4, s22;
	v0 =	vld [tilespmem:s18+$0x30];
	[tilespmem:s19+$0x1830 ss:$0x81] =	vst.msk $0xffff, v7  }
.Ltmp4:
0x5b: {  	_ = 	snop;
	(pc) =	sbr.rel .LBB1_4-.Ltmp4, $1  }
0x5c: {  	_ =	sdelay $0x3  }
.LBB1_6:
0x5d: {  	_ =	sfence.sel $0x180000  }
0x5e: {  	s1 =	simm.s32 $0x1;
	[bflag:$0x0] =	sbarrier.arrive $0xFFFF  }
0x5f: {  	s31 =	simm.s32 $0x2;
	[sflag:s1] =	ssyncpa.u1 $0x1  }
0x60: {  	[sflag:s31] =	ssyncpa.u1 $0x1  }
0x61: {  	p0 =	sne.s32 s0, $0x0;
	_ =	strace $0x90000047  }
0x62: {  	s0 =	sadd.s32 @!p0 $0x100000, s3;
	[bflag:$0x2] =	sbarrier.arrive $0xFFFF  }
0x63: {  	[sflag:s0] =	ssyncadd.tile.s32 @!p0 $0x1;
	_ =	shalt  }
.Lfunc_end1:
_tile_overlayer_lowered:
.L_overlay_start_2:
0x64: {  	(tag) =	ssettag $0x2  }
0x65: {  	s0 =	rddreg [dreg:$0x0];
	s2 =	stileid.u32  }
0x66: {  	s1 =	rddreg [dreg:$0x1];
	p0 =	sne.s32 s2, $0x0  }
0x67: {  	s3 =	rddreg [dreg:$0x2];
	[bflag:$0x3] =	sbarrier.arrive $0xFFFF;
	s2 =	simm.s32 @!p0 $0x1C01  }
0x68: {  	[timem:s3], [sflag:s2] =	dma.local @!p0 [hbm:s0], s1  }
0x69: {  	s0 =	simm.s32 @!p0 $0x1  }
0x6a: {  	_ =	swait.ge @!p0 [sflag:s0], s1  }
0x6b: {  	s1 =	ssub.s32 @!p0 $0x0, s1;
	[sflag:s0] =	ssyncset.done @!p0 $0x0  }
0x6c: {  	[sflag:s0] =	ssyncadd.s32 @!p0 s1  }
0x6d: {  	[bflag:$0x3] =	sbarrier.arrive $0xFFFF  }
0x6e: {  	_ =	shalt  }

// kernel: sparse-core-data-format-call.cloned.1.call-start
scs
called_computation_lowered:
.L_overlay_start_0:
0x0: {  	s1 =	sld [smem:$0x3FD9]  }
0x1: {  	s2 =	sld [smem:$0x3FFE];
	_ =	sdelay $0x1  }
0x2: {  	s3 =	srdreg.scid  }
0x3: {  	s0 =	sand.u32 $0x1, s3  }
0x4: {  	s17 =	sshll.u32 s0, $0xA;
	s1 =	sadd.s32 s2, s1  }
0x5: {  	s1 =	sadd.s32 s1, s17  }
0x6: {  	[smem:$0x3FC5] =	sst s1  }
0x7: {  	_ = 	snop  }
0x8: {  	(tm) =	ssettm $0x1  }
0x9: {  	s18 =	sld [smem:$0x3FFB];
	_ =	sdelay $0x3  }
0xa: {  	_ =	strace s18  }
0xb: {  	s1 =	sld [smem:$0x3FFC];
	_ =	sdelay $0x3  }
0xc: {  	_ =	strace s1  }
0xd: {  	s1 =	sld [smem:$0x3FFD];
	_ =	sdelay $0x3  }
0xe: {  	_ =	strace s1  }
0xf: {  	_ =	strace $0x8FFFFFFF  }
0x10: {  	s19 =	sld [smem:$0x3FDB];
	_ =	sdelay $0x1  }
0x11: {  	s20 =	simm.s32 $_scs_section_size  }
0x12: {  	s4 =	simm.s32 $_size__tile_overlayer_lowered;
	s5 =	simm.s32 $_tile_overlayer_lowered  }
0x13: {  	s23 =	simm.s32 $0x1BFF;
	s22 =	sshll.u32 s5, $0x1;
	s1 =	sadd.s32 s20, s19  }
0x14: {  	s6 =	simm.s32 $0x0;
	s21 =	sshll.u32 s4, $0x1;
	s4 =	sadd.s32 s22, s1  }
0x15: {  	[timem:s6], [sflag:s23] =	dma.local [hbm:s4], s21  }
0x16: {  	_ =	swait.ge [sflag:s23], s21  }
0x17: {  	s2 =	ssub.s32 $0x0, s21;
	[sflag:s23] =	ssyncset.done $0x0  }
0x18: {  	[sflag:s23] =	ssyncadd.s32 s2;
	_ =	sdelay $0x1  }
0x19: {  	s24 =	simm.s32 $0x1B8B  }
0x1a: {  	_ =	swait.ge [sflag:s24], $0x1  }
0x1b: {  	[sflag:s24] =	ssyncset.done $0x0  }
0x1c: {  	s26 =	simm.s32 $0x1B8E;
	s25 =	sld [smem:$0x3FFE];
	[sflag:s24] =	ssyncadd.s32 $0xFFFFFFFF  }
0x1d: {  	s27 =	simm.s32 $execute0_lowered;
	[smem:$0x3FD2] =	sst s26  }
0x1e: {  	s4 =	sshll.u32 s27, $0x1;
	_ =	strace $0x80000049;
	[dreg:$0x1] =	wrdreg $0xFFFFFFFF  }
0x1f: {  	s28 =	simm.s32 $_size_execute0_lowered;
	s1 =	sadd.s32 s1, s4;
	[dreg:$0x0] =	wrdreg $0x0  }
0x20: {  	s4 =	sshll.u32 s28, $0x1;
	[dreg:$0x2] =	wrdreg s1  }
0x21: {  	[dreg:$0x3] =	wrdreg s4  }
0x22: {  	[dreg:$0x4] =	wrdreg $0xC0  }
0x23: {  	_ =	task [dreg:s6], $0x5FFFF  }
0x24: {  	[dreg:$0x1] =	wrdreg $0xFFFFFFFF  }
0x25: {  	[dreg:$0x0] =	wrdreg $0x60  }
0x26: {  	[dreg:$0x2] =	wrdreg s25  }
0x27: {  	[dreg:$0x3] =	wrdreg $0x9  }
0x28: {  	_ =	task.clear_ibuf [dreg:s6], $0x4FFFF;
	_ =	strace $0x90000049  }
0x29: {  	s29 =	simm.s32 $0x9;
	_ =	strace $0x8000004B  }
0x2a: {  	_ =	swait.ge [sflag:s29], $0x1  }
0x2b: {  	[sflag:s29] =	ssyncadd.s32 $0xFFFFFFFF  }
0x2c: {  	_ =	strace $0x9000004B  }
0x2d: {  	_ =	sfence  }
0x2e: {  	s30 =	sld [smem:$0x0];
	_ =	sdelay $0x2  }
0x2f: {  	s31 =	sshll.u32 s3, $0xD;
	s3 =	sshrl.u32 s3, $0x2  }
0x30: {  	s2 =	sand.u32 $0x4000, s31;
	s1 =	sadd.s32 s3, s30  }
0x31: {  	s0 =	sor.u32 s2, s0;
	s1 =	sshll.u32 s1, $0x11  }
0x32: {  	s0 =	sor.u32 s1, s0  }
0x33: {  	s0 =	sadd.s32 $0x8F2B, s0  }
0x34: {  	[sflag:s0] =	ssyncadd.remote.s32 $0x1  }
0x35: {  	_ =	sfence.sel $0xFFFF  }
0x36: {  	[dreg:$0x0] =	wrdreg $0xFFFFFFFF;
	(pc) =	sbr.abs _section_cstart, $3  }
0x37: {  	[dreg:$0x1] =	wrdreg $0xFFFFFFFF  }
0x38: {  	_ =	task.clear_ibuf [dreg:s6], $0x2FFFF;
	_ =	strace $0x9FFFFFFF  }
0x39: {  	(tm) =	ssettm $0x7FFFFFFF  }
tec
execute0_lowered:
.L_overlay_start_1:
0x0: {  	(tag) =	ssettag $0x1  }
0x1: {  	s0 =	srdreg.scid  }
0x2: {  	s1 =	sshll.u32 s0, $0x4  }
0x3: {  	s4 =	rddreg [dreg:$0x0];
	s0 =	stileid.u32;
	s1 =	sand.u32 $0x10, s1  }
0x4: {  	s7 =	simm.s32 $0x1;
	s8 =	simm.s32 $0x2;
	s1 =	sor.u32 s0, s1  }
0x5: {  	s9 =	simm.s32 $0x0;
	s12 =	simm.s32 $0x0;
	s2 =	sshll.u32 s1, $0x2  }
0x6: {  	s11 =	simm.s32 $0x0;
	s3 =	sadd.s32 $0x1000, s4;
	s6 =	ssub.s32 $0x30D4, s2  }
.Ltmp0:
0x7: {  	s4 =	sadd.s32 $0x61B800, s4;
	s5 =	sand.u32 $0x7C, s6;
	(pc) =	sbr.rel .LBB1_1-.Ltmp0, $4  }
0x8: {  	s1 =	rddreg [dreg:$0x1];
	_ =	strace $0x8000004A;
	p0 =	sne.s32 s5, $0x0  }
0x9: {  	s6 =	sshrl.u32 s6, $0x7;
	s5 =	simm.s32 $0x1;
	s7 =	simm.s32 @!p0 $0x0  }
0xa: {  	s10 =	smov.u32 s2;
	[sflag:s5] =	ssyncpa.u1 $0x0;
	s6 =	sadd.s32 s7, s6  }
0xb: {  	[sflag:s8] =	ssyncpa.u1 $0x0;
	s8 =	simm.s32 $0x0;
	s7 =	sadd.s32 $0x1, s6  }
.LBB1_9:
0xc: {  	s14 =	sadd.s32 $0x80, s10  }
0xd: {  	p1 =	sgt.s32 s14, $0x30D3  }
0xe: {  	s14 =	smov.u32 @p1 s2;
	p1 =	sne.s32 s11, s7  }
.Ltmp1:
0xf: {  	p0 =	slt.u32 s11, $0x2;
	(pc) =	sbr.rel @!p1 .LBB1_10-.Ltmp1, $4  }
0x10: {  	s13 =	simm.s32 @!p0 $0x2  }
0x11: {  	s15 =	sadd.s32 $0x1, s11;
	_ =	swait.ge @!p0 [sflag:s13], $0x4000  }
0x12: {  	s12 =	smov.u32 s10;
	s9 =	sadd.s32 $0x4000, s9;
	[sflag:s13] =	ssyncset.done @!p0 $0x0  }
0x13: {  	s11 =	smov.u32 s15;
	s10 =	smov.u32 s14;
	[sflag:s13] =	ssyncadd.s32 @!p0 $0xFFFFC000  }
.LBB1_1:
0x14: {  	p0 =	sge.u32 s11, s6  }
0x15: {  	s13 =	sxor.u32 @!p0 $0xFFFFFFFF, s11  }
0x16: {  	s31 =	sadd.s32 $0xFFFFFFFF, s11;
	s14 =	sshll.u32 @!p0 s10, $0x9;
	s13 =	sshll.u32 @!p0 s13, $0xE  }
0x17: {  	s15 =	simm.s32 @!p0 $0x0;
	s14 =	sadd.s32 @!p0 s3, s14;
	s13 =	sand.u32 @!p0 $0x4000, s13  }
0x18: {  	[tilespmem:s13], [sflag:$0x1] =	stream.linear.gather @!p0 [hbm4b:s14+s15], $0x4000, $0x38;
	[tilespmem:$0x10000] =	vst v63  }
0x19: {  	p0 =	sge.u32 s31, s6  }
.Ltmp2:
0x1a: {  	_ = 	snop;
	(pc) =	sbr.rel @p0 .LBB1_9-.Ltmp2, $1  }
0x1b: {  	_ =	sdelay $0x3  }
0x1c: {  	s14 =	sand.u32 $0x4000, s9  }
0x1d: {  	_ =	swait.ge [sflag:s5], $0x4000;
	s15 =	sshll.u32 s11, $0xE;
	s16 =	simm.s32 $0x0  }
0x1e: {  	s13 =	sor.u32 $0x40, s14;
	[sflag:s5] =	ssyncset.done $0x0;
	s15 =	sand.u32 $0x4000, s15  }
0x1f: {  	s14 =	sor.u32 $0x8040, s14;
	[sflag:s5] =	ssyncadd.s32 $0xFFFFC000;
	s15 =	sor.u32 $0x8000, s15  }
.LBB1_3:
0x20: {  	s17 =	smov.u32 s14;
	s18 =	smov.u32 s13;
	s19 =	simm.s32 $0x0  }
.LBB1_4:
0x21: {  	v0 =	vmov s17;
	v2 =	vld [tilespmem:s18+$0x30]  }
0x22: {  	v4 =	vld [tilespmem:s18+$0xFFFFFFD0]  }
0x23: {  	v6 =	vld [tilespmem:s18+$0xFFFFFFE0]  }
0x24: {  	v7 =	vld [tilespmem:s18+$0xFFFFFFF0]  }
0x25: {  	s20 =	simm.s32 $0x0;
	v1 =	vld [tilespmem:s18+$0x0]  }
0x26: {  	v3 =	vld [tilespmem:s18+$0x10];
	[tilespmem:v0+s20+$0x30 ss:$0x1] =	vst.idx.msk $0xffff, v2  }
0x27: {  	v5 =	vld [tilespmem:s18+$0x20];
	[tilespmem:v0+s20+$0xFFFFFFD0 ss:$0x1] =	vst.idx.msk $0xffff, v4  }
0x28: {  	s21 =	sadd.s32 $0x80, s18;
	v2 =	vld [tilespmem:s18+$0xFFFFFFC0];
	[tilespmem:v0+s20+$0xFFFFFFE0 ss:$0x1] =	vst.idx.msk $0xffff, v6  }
0x29: {  	s22 =	simm.s32 $0x800;
	s23 =	simm.s32 $0x1000;
	v4 =	vld [tilespmem:s21+$0x30];
	[tilespmem:v0+s20+$0xFFFFFFF0 ss:$0x1] =	vst.idx.msk $0xffff, v7  }
.LBB1_5:
0x2a: {  	p0 =	sne.s32 s23, $0x3800;
	v6 =	vld [tilespmem:s21+$0xFFFFFFD0];
	[tilespmem:v0+s20+$0x0 ss:$0x1] =	vst.idx.msk $0xffff, v1  }
0x2b: {  	v7 =	vld [tilespmem:s21+$0xFFFFFFE0];
	[tilespmem:v0+s20+$0x10 ss:$0x1] =	vst.idx.msk $0xffff, v3  }
0x2c: {  	v8 =	vld [tilespmem:s21+$0xFFFFFFF0];
	[tilespmem:v0+s20+$0x20 ss:$0x1] =	vst.idx.msk $0xffff, v5  }
.Ltmp3:
0x2d: {  	v1 =	vld [tilespmem:s21+$0x0];
	[tilespmem:v0+s20+$0xFFFFFFC0 ss:$0x1] =	vst.idx.msk $0xffff, v2;
	s20 =	sshra.s32 s22, $0x2;
	s22 =	smov.u32 s23;
	(pc) =	sbr.rel @p0 .LBB1_5-.Ltmp3, $4  }
0x2e: {  	v3 =	vld [tilespmem:s21+$0x10];
	[tilespmem:v0+s20+$0x30 ss:$0x1] =	vst.idx.msk $0xffff, v4  }
0x2f: {  	[tilespmem:v0+s20+$0xFFFFFFD0 ss:$0x1] =	vst.idx.msk $0xffff, v6;
	v5 =	vld [tilespmem:s21+$0x20]  }
0x30: {  	v2 =	vld [tilespmem:s21+$0xFFFFFFC0];
	[tilespmem:v0+s20+$0xFFFFFFE0 ss:$0x1] =	vst.idx.msk $0xffff, v7;
	s21 =	sadd.s32 $0x80, s21  }
0x31: {  	s23 =	sadd.s32 $0x800, s23;
	v4 =	vld [tilespmem:s21+$0x30];
	[tilespmem:v0+s20+$0xFFFFFFF0 ss:$0x1] =	vst.idx.msk $0xffff, v8  }
0x32: {  	_ =	sdelay $0x3  }
0x33: {  	v6 =	vld [tilespmem:s21+$0xFFFFFFD0];
	[tilespmem:v0+s20+$0x0 ss:$0x1] =	vst.idx.msk $0xffff, v1  }
0x34: {  	v58 =	vld [tilespmem:s21+$0xFFFFFFE0];
	[tilespmem:v0+s20+$0x10 ss:$0x1] =	vst.idx.msk $0xffff, v3  }
0x35: {  	v59 =	vld [tilespmem:s21+$0xFFFFFFF0];
	[tilespmem:v0+s20+$0x20 ss:$0x1] =	vst.idx.msk $0xffff, v5  }
0x36: {  	s22 =	sshra.s32 s22, $0x2;
	v60 =	vld [tilespmem:s21+$0x0];
	[tilespmem:v0+s20+$0xFFFFFFC0 ss:$0x1] =	vst.idx.msk $0xffff, v2  }
0x37: {  	v61 =	vld [tilespmem:s21+$0x10];
	[tilespmem:v0+s22+$0x30 ss:$0x1] =	vst.idx.msk $0xffff, v4  }
0x38: {  	v62 =	vld [tilespmem:s21+$0x20];
	s19 =	sadd.s32 $0x1, s19;
	[tilespmem:v0+s22+$0xFFFFFFD0 ss:$0x1] =	vst.idx.msk $0xffff, v6  }
0x39: {  	v63 =	vld [tilespmem:s21+$0xFFFFFFC0];
	p0 =	sne.s32 s19, $0x4;
	[tilespmem:v0+s22+$0xFFFFFFE0 ss:$0x1] =	vst.idx.msk $0xffff, v58  }
.Ltmp4:
0x3a: {  	[tilespmem:v0+s22+$0xFFFFFFF0 ss:$0x1] =	vst.idx.msk $0xffff, v59;
	(pc) =	sbr.rel @p0 .LBB1_4-.Ltmp4, $4  }
0x3b: {  	[tilespmem:v0+s22+$0x0 ss:$0x1] =	vst.idx.msk $0xffff, v60  }
0x3c: {  	[tilespmem:v0+s22+$0x10 ss:$0x1] =	vst.idx.msk $0xffff, v61  }
0x3d: {  	[tilespmem:v0+s22+$0x20 ss:$0x1] =	vst.idx.msk $0xffff, v62  }
0x3e: {  	s18 =	sadd.s32 $0x400, s18;
	s17 =	sadd.s32 $0x80, s17;
	[tilespmem:v0+s22+$0xFFFFFFC0 ss:$0x1] =	vst.idx.msk $0xffff, v63  }
0x3f: {  	s16 =	sadd.s32 $0x1, s16  }
0x40: {  	p0 =	sne.s32 s16, $0x4  }
.Ltmp5:
0x41: {  	_ = 	snop;
	(pc) =	sbr.rel @p0 .LBB1_3-.Ltmp5, $2  }
0x42: {  	_ =	sdelay $0x2  }
0x43: {  	s13 =	sadd.s32 $0x1000, s13;
	s14 =	sadd.s32 $0x1000, s14  }
.Ltmp6:
0x44: {  	(pc) =	sbr.rel .LBB1_9-.Ltmp6, $4  }
0x45: {  	_ = 	snop  }
0x46: {  	s12 =	sshll.u32 s12, $0x9  }
0x47: {  	s12 =	sadd.s32 s4, s12  }
0x48: {  	[hbm4b:s12+s8] =	stream.linear.scatter [tilespmem:s15], [sflag:$0x2], $0x4000, $0x38;
	[tilespmem:$0x10000] =	vst v63  }
.LBB1_10:
0x49: {  	_ =	sfence.sel $0x180000  }
0x4a: {  	s2 =	simm.s32 $0x1;
	[bflag:$0x0] =	sbarrier.arrive $0xFFFF  }
0x4b: {  	s31 =	simm.s32 $0x2;
	[sflag:s2] =	ssyncpa.u1 $0x1  }
0x4c: {  	[sflag:s31] =	ssyncpa.u1 $0x1  }
0x4d: {  	p0 =	sne.s32 s0, $0x0;
	_ =	strace $0x9000004A  }
0x4e: {  	s0 =	sadd.s32 @!p0 $0x100000, s1;
	[bflag:$0x2] =	sbarrier.arrive $0xFFFF  }
0x4f: {  	[sflag:s0] =	ssyncadd.tile.s32 @!p0 $0x1;
	_ =	shalt  }
.Lfunc_end1:
_tile_overlayer_lowered:
.L_overlay_start_2:
0x50: {  	(tag) =	ssettag $0x2  }
0x51: {  	s0 =	rddreg [dreg:$0x0];
	s2 =	stileid.u32  }
0x52: {  	s1 =	rddreg [dreg:$0x1];
	p0 =	sne.s32 s2, $0x0  }
0x53: {  	s3 =	rddreg [dreg:$0x2];
	[bflag:$0x3] =	sbarrier.arrive $0xFFFF;
	s2 =	simm.s32 @!p0 $0x1C01  }
0x54: {  	[timem:s3], [sflag:s2] =	dma.local @!p0 [hbm:s0], s1  }
0x55: {  	s0 =	simm.s32 @!p0 $0x1  }
0x56: {  	_ =	swait.ge @!p0 [sflag:s0], s1  }
0x57: {  	s1 =	ssub.s32 @!p0 $0x0, s1;
	[sflag:s0] =	ssyncset.done @!p0 $0x0  }
0x58: {  	[sflag:s0] =	ssyncadd.s32 @!p0 s1  }
0x59: {  	[bflag:$0x3] =	sbarrier.arrive $0xFFFF  }
0x5a: {  	_ =	shalt  }

</sc_bundles>
